<compile_context>
chip_gen: v7x
topology: tpu7x:2x2x1
jax: 0.10.2.dev20260603
libtpu: 0.0.44.dev20260713+nightly
codegen_flags: <defaults>
</compile_context>

<pallas_src>
import jax
import jax.numpy as jnp
from jax import lax
from jax.experimental import pallas as pl
from jax.experimental.pallas import tpu as pltpu
from jax.experimental.pallas import tpu_sc as plsc

NUM_CORES = 2
NUM_SUBCORES = 16
LANES = 16
NUM_WORKERS = NUM_CORES * NUM_SUBCORES

BATCH = 16384
EMBED_DIM = 32
TILE_W = 128
B_PER_W = BATCH // NUM_WORKERS
CHUNK = 16
NUM_CHUNKS = B_PER_W // CHUNK
K_I = 14


def _sc_kernel(user_ids_hbm, item_ids_hbm, ut_hbm, it_hbm,
               out_hbm, idxu_v, idxi_v, wbuf, ibuf, uval, out_v,
               sem_u, sem_i):
    wid = lax.axis_index("s") * NUM_CORES + lax.axis_index("c")
    base = wid * B_PER_W

    pltpu.sync_copy(user_ids_hbm.at[pl.ds(base, B_PER_W)], idxu_v)
    pltpu.sync_copy(item_ids_hbm.at[pl.ds(base, B_PER_W)], idxi_v)

    lanes16 = lax.iota(jnp.int32, LANES)
    row_of_lane = lanes16 * EMBED_DIM
    row_item = jnp.minimum(lanes16, K_I - 1) * EMBED_DIM
    row_tail = jnp.clip(lanes16 - K_I, 0, CHUNK - K_I - 1) * EMBED_DIM

    def window(tbl_hbm, idx):
        col = pl.multiple_of((idx >> 7) << 7, TILE_W)
        return tbl_hbm.at[:, pl.ds(col, TILE_W)]

    def chunk_body(cb, carry):
        c0 = cb * CHUNK
        uvec = idxu_v[pl.ds(c0, CHUNK)]
        ivec = idxi_v[pl.ds(c0, CHUNK)]

        ucps = [pltpu.async_copy(
                    window(ut_hbm, uvec[q]),
                    wbuf.at[pl.ds(q * EMBED_DIM, EMBED_DIM), :], sem_u)
                for q in range(CHUNK)]
        icps = [pltpu.async_copy(
                    window(it_hbm, ivec[q]),
                    ibuf.at[pl.ds(q * EMBED_DIM, EMBED_DIM), :], sem_i)
                for q in range(K_I)]

        for cp in ucps:
            cp.wait()
        lane_u = uvec & (TILE_W - 1)
        for d in range(EMBED_DIM):
            uval[d, :] = plsc.load_gather(wbuf, [row_of_lane + d, lane_u])

        tail = [pltpu.async_copy(
                    window(it_hbm, ivec[q]),
                    wbuf.at[pl.ds((q - K_I) * EMBED_DIM, EMBED_DIM), :],
                    sem_i)
                for q in range(K_I, CHUNK)]
        for cp in icps:
            cp.wait()
        for cp in tail:
            cp.wait()

        lane_i = ivec & (TILE_W - 1)
        in_tail = lanes16 >= K_I
        acc = jnp.zeros((LANES,), jnp.float32)
        for d in range(EMBED_DIM):
            gm = plsc.load_gather(ibuf, [row_item + d, lane_i])
            gl = plsc.load_gather(wbuf, [row_tail + d, lane_i])
            acc = acc + uval[d, :] * jnp.where(in_tail, gl, gm)
        out_v[pl.ds(c0, CHUNK)] = acc
        return carry

    lax.fori_loop(0, NUM_CHUNKS, chunk_body, 0)

    pltpu.sync_copy(out_v, out_hbm.at[pl.ds(base, B_PER_W)])


@jax.jit
def kernel(user_ids, item_ids, user_table, item_table):
    mesh = plsc.VectorSubcoreMesh(
        core_axis_name="c", subcore_axis_name="s",
        num_cores=NUM_CORES, num_subcores=NUM_SUBCORES)
    run = pl.kernel(
        _sc_kernel,
        out_type=jax.ShapeDtypeStruct((BATCH,), jnp.float32),
        mesh=mesh,
        scratch_types=[
            pltpu.VMEM((B_PER_W,), jnp.int32),
            pltpu.VMEM((B_PER_W,), jnp.int32),
            pltpu.VMEM((CHUNK * EMBED_DIM, TILE_W), jnp.float32),
            pltpu.VMEM((K_I * EMBED_DIM, TILE_W), jnp.float32),
            pltpu.VMEM((EMBED_DIM, LANES), jnp.float32),
            pltpu.VMEM((B_PER_W,), jnp.float32),
            pltpu.SemaphoreType.DMA,
            pltpu.SemaphoreType.DMA,
        ],
        compiler_params=pltpu.CompilerParams(needs_layout_passes=False),
    )
    return run(user_ids.astype(jnp.int32), item_ids.astype(jnp.int32),
               user_table.T, item_table.T)

# --- scband reference (transcript-rebuilt; emitter-appended) ---
"""Pipeline reference for scband-matrix-factorization-86303072846331 (READ-ONLY COPY).

The authoritative reference and input builder live on the scoring server;
editing this copy changes nothing except your own understanding.
"""

import jax, jax.numpy as jnp
import numpy as np

NUM_USERS = 1000000
NUM_ITEMS = 1000000
EMBED_DIM = 32
BATCH = 16384

def setup_inputs(seed: int = 0) -> dict:
    key = jax.random.key(seed)
    k1, k2, k3, k4 = jax.random.split(key, 4)
    user_ids = jax.random.randint(k1, (BATCH,), 0, NUM_USERS, dtype=jnp.int64 if jax.config.jax_enable_x64 else jnp.int32)
    item_ids = jax.random.randint(k2, (BATCH,), 0, NUM_ITEMS, dtype=jnp.int64 if jax.config.jax_enable_x64 else jnp.int32)
    user_table = jax.random.normal(k3, (NUM_USERS, EMBED_DIM), dtype=jnp.float32)
    item_table = jax.random.normal(k4, (NUM_ITEMS, EMBED_DIM), dtype=jnp.float32)
    return {"user_ids": user_ids, "item_ids": item_ids, "user_table": user_table, "item_table": item_table}

def reference(user_ids, item_ids, user_table, item_table):
    user_embedding = jnp.take(user_table, user_ids, axis=0)
    item_embedding = jnp.take(item_table, item_ids, axis=0)
    scores = jnp.sum(user_embedding * item_embedding, axis=1)
    return scores

if __name__ == "__main__":
    import jax
    _d = setup_inputs()
    print(jax.jit(kernel)(*tuple(_d.values())))

</pallas_src>

<mosaic_0001>
#map = affine_map<(d0, d1) -> (0)>
#map1 = affine_map<(d0, d1) -> (0, 0)>
module attributes {stable_mosaic.version = 14 : i64} {
  func.func @_sc_kernel(%arg0: i32, %arg1: i32, %arg2: memref<16384xi32, #tpu.memory_space<hbm>>, %arg3: memref<16384xi32, #tpu.memory_space<hbm>>, %arg4: memref<32x1000000xf32, #tpu.memory_space<hbm>>, %arg5: memref<32x1000000xf32, #tpu.memory_space<hbm>>, %arg6: memref<16384xf32, #tpu.memory_space<hbm>>, %arg7: memref<512xi32, #tpu.memory_space<vmem>>, %arg8: memref<512xi32, #tpu.memory_space<vmem>>, %arg9: memref<512x128xf32, #tpu.memory_space<vmem>>, %arg10: memref<448x128xf32, #tpu.memory_space<vmem>>, %arg11: memref<32x16xf32, #tpu.memory_space<vmem>>, %arg12: memref<512xf32, #tpu.memory_space<vmem>>, %arg13: memref<!tpu.dma_semaphore, #tpu.memory_space<semaphore_mem>>, %arg14: memref<!tpu.dma_semaphore, #tpu.memory_space<semaphore_mem>>) attributes {dimension_semantics = [#tpu.dimension_semantics<core_parallel>, #tpu.dimension_semantics<subcore_parallel>], iteration_bounds = array<i64: 2, 16>, scalar_prefetch = 0 : i64, scratch_operands = 8 : i64, tpu.core_type = #tpu.core_type<sc_vector_subcore>, window_params = [{transform_indices = #map}, {transform_indices = #map}, {transform_indices = #map1}, {transform_indices = #map1}, {transform_indices = #map}]} {
    %mul3A = arith.constant 2 : i32
    %mul3A_0 = arith.muli %arg1, %mul3A : i32
    %add3A = arith.addi %mul3A_0, %arg0 : i32
    %mul3A_1 = arith.constant 512 : i32
    %mul3A_2 = arith.muli %add3A, %mul3A_1 : i32
    "tpu.region"() ({
      %run_scoped3A = tpu.sem_alloc : memref<!tpu.dma_semaphore, #tpu.memory_space<semaphore_mem>>
      %dma_start3A = tpu.memref_slice %arg2[%mul3A_2] : memref<16384xi32, #tpu.memory_space<hbm>> -> memref<512xi32, #tpu.memory_space<hbm>>
      %dma_start3A_25 = tpu.memref_slice %arg2[%mul3A_2] : memref<16384xi32, #tpu.memory_space<hbm>> -> memref<512xi32, #tpu.memory_space<hbm>>
      tpu.enqueue_dma source(%dma_start3A_25 : memref<512xi32, #tpu.memory_space<hbm>>) target(%arg7 : memref<512xi32, #tpu.memory_space<vmem>>) target_semaphore(%run_scoped3A : memref<!tpu.dma_semaphore, #tpu.memory_space<semaphore_mem>>)
      %dma_wait3A = tpu.memref_slice %arg2[%mul3A_2] : memref<16384xi32, #tpu.memory_space<hbm>> -> memref<512xi32, #tpu.memory_space<hbm>>
      %dma_wait3A_26 = tpu.memref_slice %arg2[%mul3A_2] : memref<16384xi32, #tpu.memory_space<hbm>> -> memref<512xi32, #tpu.memory_space<hbm>>
      tpu.wait_dma2 semaphore(%run_scoped3A : memref<!tpu.dma_semaphore, #tpu.memory_space<semaphore_mem>>) src(%dma_wait3A_26 : memref<512xi32, #tpu.memory_space<hbm>>) dst(%arg7 : memref<512xi32, #tpu.memory_space<vmem>>)
      tpu.yield
    }) : () -> ()
    "tpu.region"() ({
      %run_scoped3A = tpu.sem_alloc : memref<!tpu.dma_semaphore, #tpu.memory_space<semaphore_mem>>
      %dma_start3A = tpu.memref_slice %arg3[%mul3A_2] : memref<16384xi32, #tpu.memory_space<hbm>> -> memref<512xi32, #tpu.memory_space<hbm>>
      %dma_start3A_25 = tpu.memref_slice %arg3[%mul3A_2] : memref<16384xi32, #tpu.memory_space<hbm>> -> memref<512xi32, #tpu.memory_space<hbm>>
      tpu.enqueue_dma source(%dma_start3A_25 : memref<512xi32, #tpu.memory_space<hbm>>) target(%arg8 : memref<512xi32, #tpu.memory_space<vmem>>) target_semaphore(%run_scoped3A : memref<!tpu.dma_semaphore, #tpu.memory_space<semaphore_mem>>)
      %dma_wait3A = tpu.memref_slice %arg3[%mul3A_2] : memref<16384xi32, #tpu.memory_space<hbm>> -> memref<512xi32, #tpu.memory_space<hbm>>
      %dma_wait3A_26 = tpu.memref_slice %arg3[%mul3A_2] : memref<16384xi32, #tpu.memory_space<hbm>> -> memref<512xi32, #tpu.memory_space<hbm>>
      tpu.wait_dma2 semaphore(%run_scoped3A : memref<!tpu.dma_semaphore, #tpu.memory_space<semaphore_mem>>) src(%dma_wait3A_26 : memref<512xi32, #tpu.memory_space<hbm>>) dst(%arg8 : memref<512xi32, #tpu.memory_space<vmem>>)
      tpu.yield
    }) : () -> ()
    %iota3A = tpu.iota {dimensions = array<i32: 0>} : vector<16xi32>
    %mul3A_3 = arith.constant 32 : i32
    %mul3A_4 = vector.broadcast %mul3A_3 : i32 to vector<16xi32>
    %mul3A_5 = arith.muli %iota3A, %mul3A_4 : vector<16xi32>
    %min3A = arith.constant 13 : i32
    %min3A_6 = vector.broadcast %min3A : i32 to vector<16xi32>
    %min3A_7 = arith.minsi %iota3A, %min3A_6 : vector<16xi32>
    %mul3A_8 = arith.constant 32 : i32
    %mul3A_9 = vector.broadcast %mul3A_8 : i32 to vector<16xi32>
    %mul3A_10 = arith.muli %min3A_7, %mul3A_9 : vector<16xi32>
    %sub3A = arith.constant 14 : i32
    %sub3A_11 = vector.broadcast %sub3A : i32 to vector<16xi32>
    %sub3A_12 = arith.subi %iota3A, %sub3A_11 : vector<16xi32>
    %jit3A = arith.constant 0 : i32
    %jit3A_13 = arith.constant 1 : i32
    %max3A = vector.broadcast %jit3A : i32 to vector<16xi32>
    %max3A_14 = arith.maxsi %max3A, %sub3A_12 : vector<16xi32>
    %min3A_15 = vector.broadcast %jit3A_13 : i32 to vector<16xi32>
    %min3A_16 = arith.minsi %min3A_15, %max3A_14 : vector<16xi32>
    %mul3A_17 = arith.constant 32 : i32
    %mul3A_18 = vector.broadcast %mul3A_17 : i32 to vector<16xi32>
    %mul3A_19 = arith.muli %min3A_16, %mul3A_18 : vector<16xi32>
    %scan3A = arith.constant 0 : i32
    %scan3A_20 = arith.constant 0 : i32
    %scan3A_21 = arith.constant 32 : i32
    %scan3A_22 = arith.addi %scan3A_20, %scan3A_21 : i32
    %scan3A_23 = arith.constant 1 : i32
    scf.for %scan3A_25 = %scan3A_20 to %scan3A_22 step %scan3A_23  : i32 {
      %mul3A_26 = arith.constant 16 : i32
      %mul3A_27 = arith.muli %scan3A_25, %mul3A_26 : i32
      %get3A = arith.index_cast %mul3A_27 : i32 to index
      %get3A_28 = tpu.vector_load %arg7[%get3A] {strides = array<i32>} : memref<512xi32, #tpu.memory_space<vmem>>, vector<16xi32>,
      %get3A_29 = arith.index_cast %mul3A_27 : i32 to index
      %get3A_30 = tpu.vector_load %arg8[%get3A_29] {strides = array<i32>} : memref<512xi32, #tpu.memory_space<vmem>>, vector<16xi32>,
      %slice3A = vector.extract_strided_slice %get3A_28 {offsets = [0], sizes = [1], strides = [1]} : vector<16xi32> to vector<1xi32>
      %squeeze3A = vector.extract %slice3A[0] : i32 from vector<1xi32>
      %shift_right_arithmetic3A = arith.constant 7 : i32
      %shift_right_arithmetic3A_31 = arith.shrsi %squeeze3A, %shift_right_arithmetic3A : i32
      %shift_left3A = arith.constant 7 : i32
      %shift_left3A_32 = arith.shli %shift_right_arithmetic3A_31, %shift_left3A : i32
      %multiple_of3A = tpu.assume_multiple %shift_left3A_32, 128 : i32
      %dma_start3A = arith.constant 0 : i32
      %dma_start3A_33 = arith.constant 0 : i32
      %dma_start3A_34 = tpu.memref_slice %arg9[%dma_start3A, %dma_start3A_33] : memref<512x128xf32, #tpu.memory_space<vmem>> -> memref<32x128xf32, #tpu.memory_space<vmem>>
      %dma_start3A_35 = arith.constant 0 : i32
      %dma_start3A_36 = tpu.memref_slice %arg4[%dma_start3A_35, %multiple_of3A] : memref<32x1000000xf32, #tpu.memory_space<hbm>> -> memref<32x128xf32, #tpu.memory_space<hbm>>
      %dma_start3A_37 = arith.constant 0 : i32
      %dma_start3A_38 = arith.constant 0 : i32
      %dma_start3A_39 = tpu.memref_slice %arg9[%dma_start3A_37, %dma_start3A_38] : memref<512x128xf32, #tpu.memory_space<vmem>> -> memref<32x128xf32, #tpu.memory_space<vmem>>
      %dma_start3A_40 = arith.constant 0 : i32
      %dma_start3A_41 = tpu.memref_slice %arg4[%dma_start3A_40, %multiple_of3A] : memref<32x1000000xf32, #tpu.memory_space<hbm>> -> memref<32x128xf32, #tpu.memory_space<hbm>>
      tpu.enqueue_dma source(%dma_start3A_41 : memref<32x128xf32, #tpu.memory_space<hbm>>) target(%dma_start3A_39 : memref<32x128xf32, #tpu.memory_space<vmem>>) target_semaphore(%arg13 : memref<!tpu.dma_semaphore, #tpu.memory_space<semaphore_mem>>)
      %slice3A_42 = vector.extract_strided_slice %get3A_28 {offsets = [1], sizes = [1], strides = [1]} : vector<16xi32> to vector<1xi32>
      %squeeze3A_43 = vector.extract %slice3A_42[0] : i32 from vector<1xi32>
      %shift_right_arithmetic3A_44 = arith.constant 7 : i32
      %shift_right_arithmetic3A_45 = arith.shrsi %squeeze3A_43, %shift_right_arithmetic3A_44 : i32
      %shift_left3A_46 = arith.constant 7 : i32
      %shift_left3A_47 = arith.shli %shift_right_arithmetic3A_45, %shift_left3A_46 : i32
      %multiple_of3A_48 = tpu.assume_multiple %shift_left3A_47, 128 : i32
      %dma_start3A_49 = arith.constant 32 : i32
      %dma_start3A_50 = arith.constant 0 : i32
      %dma_start3A_51 = tpu.memref_slice %arg9[%dma_start3A_49, %dma_start3A_50] : memref<512x128xf32, #tpu.memory_space<vmem>> -> memref<32x128xf32, #tpu.memory_space<vmem>>
      %dma_start3A_52 = arith.constant 0 : i32
      %dma_start3A_53 = tpu.memref_slice %arg4[%dma_start3A_52, %multiple_of3A_48] : memref<32x1000000xf32, #tpu.memory_space<hbm>> -> memref<32x128xf32, #tpu.memory_space<hbm>>
      %dma_start3A_54 = arith.constant 32 : i32
      %dma_start3A_55 = arith.constant 0 : i32
      %dma_start3A_56 = tpu.memref_slice %arg9[%dma_start3A_54, %dma_start3A_55] : memref<512x128xf32, #tpu.memory_space<vmem>> -> memref<32x128xf32, #tpu.memory_space<vmem>>
      %dma_start3A_57 = arith.constant 0 : i32
      %dma_start3A_58 = tpu.memref_slice %arg4[%dma_start3A_57, %multiple_of3A_48] : memref<32x1000000xf32, #tpu.memory_space<hbm>> -> memref<32x128xf32, #tpu.memory_space<hbm>>
      tpu.enqueue_dma source(%dma_start3A_58 : memref<32x128xf32, #tpu.memory_space<hbm>>) target(%dma_start3A_56 : memref<32x128xf32, #tpu.memory_space<vmem>>) target_semaphore(%arg13 : memref<!tpu.dma_semaphore, #tpu.memory_space<semaphore_mem>>)
      %slice3A_59 = vector.extract_strided_slice %get3A_28 {offsets = [2], sizes = [1], strides = [1]} : vector<16xi32> to vector<1xi32>
      %squeeze3A_60 = vector.extract %slice3A_59[0] : i32 from vector<1xi32>
      %shift_right_arithmetic3A_61 = arith.constant 7 : i32
      %shift_right_arithmetic3A_62 = arith.shrsi %squeeze3A_60, %shift_right_arithmetic3A_61 : i32
      %shift_left3A_63 = arith.constant 7 : i32
      %shift_left3A_64 = arith.shli %shift_right_arithmetic3A_62, %shift_left3A_63 : i32
      %multiple_of3A_65 = tpu.assume_multiple %shift_left3A_64, 128 : i32
      %dma_start3A_66 = arith.constant 64 : i32
      %dma_start3A_67 = arith.constant 0 : i32
      %dma_start3A_68 = tpu.memref_slice %arg9[%dma_start3A_66, %dma_start3A_67] : memref<512x128xf32, #tpu.memory_space<vmem>> -> memref<32x128xf32, #tpu.memory_space<vmem>>
      %dma_start3A_69 = arith.constant 0 : i32
      %dma_start3A_70 = tpu.memref_slice %arg4[%dma_start3A_69, %multiple_of3A_65] : memref<32x1000000xf32, #tpu.memory_space<hbm>> -> memref<32x128xf32, #tpu.memory_space<hbm>>
      %dma_start3A_71 = arith.constant 64 : i32
      %dma_start3A_72 = arith.constant 0 : i32
      %dma_start3A_73 = tpu.memref_slice %arg9[%dma_start3A_71, %dma_start3A_72] : memref<512x128xf32, #tpu.memory_space<vmem>> -> memref<32x128xf32, #tpu.memory_space<vmem>>
      %dma_start3A_74 = arith.constant 0 : i32
      %dma_start3A_75 = tpu.memref_slice %arg4[%dma_start3A_74, %multiple_of3A_65] : memref<32x1000000xf32, #tpu.memory_space<hbm>> -> memref<32x128xf32, #tpu.memory_space<hbm>>
      tpu.enqueue_dma source(%dma_start3A_75 : memref<32x128xf32, #tpu.memory_space<hbm>>) target(%dma_start3A_73 : memref<32x128xf32, #tpu.memory_space<vmem>>) target_semaphore(%arg13 : memref<!tpu.dma_semaphore, #tpu.memory_space<semaphore_mem>>)
      %slice3A_76 = vector.extract_strided_slice %get3A_28 {offsets = [3], sizes = [1], strides = [1]} : vector<16xi32> to vector<1xi32>
      %squeeze3A_77 = vector.extract %slice3A_76[0] : i32 from vector<1xi32>
      %shift_right_arithmetic3A_78 = arith.constant 7 : i32
      %shift_right_arithmetic3A_79 = arith.shrsi %squeeze3A_77, %shift_right_arithmetic3A_78 : i32
      %shift_left3A_80 = arith.constant 7 : i32
      %shift_left3A_81 = arith.shli %shift_right_arithmetic3A_79, %shift_left3A_80 : i32
      %multiple_of3A_82 = tpu.assume_multiple %shift_left3A_81, 128 : i32
      %dma_start3A_83 = arith.constant 96 : i32
      %dma_start3A_84 = arith.constant 0 : i32
      %dma_start3A_85 = tpu.memref_slice %arg9[%dma_start3A_83, %dma_start3A_84] : memref<512x128xf32, #tpu.memory_space<vmem>> -> memref<32x128xf32, #tpu.memory_space<vmem>>
      %dma_start3A_86 = arith.constant 0 : i32
      %dma_start3A_87 = tpu.memref_slice %arg4[%dma_start3A_86, %multiple_of3A_82] : memref<32x1000000xf32, #tpu.memory_space<hbm>> -> memref<32x128xf32, #tpu.memory_space<hbm>>
      %dma_start3A_88 = arith.constant 96 : i32
      %dma_start3A_89 = arith.constant 0 : i32
      %dma_start3A_90 = tpu.memref_slice %arg9[%dma_start3A_88, %dma_start3A_89] : memref<512x128xf32, #tpu.memory_space<vmem>> -> memref<32x128xf32, #tpu.memory_space<vmem>>
      %dma_start3A_91 = arith.constant 0 : i32
      %dma_start3A_92 = tpu.memref_slice %arg4[%dma_start3A_91, %multiple_of3A_82] : memref<32x1000000xf32, #tpu.memory_space<hbm>> -> memref<32x128xf32, #tpu.memory_space<hbm>>
      tpu.enqueue_dma source(%dma_start3A_92 : memref<32x128xf32, #tpu.memory_space<hbm>>) target(%dma_start3A_90 : memref<32x128xf32, #tpu.memory_space<vmem>>) target_semaphore(%arg13 : memref<!tpu.dma_semaphore, #tpu.memory_space<semaphore_mem>>)
      %slice3A_93 = vector.extract_strided_slice %get3A_28 {offsets = [4], sizes = [1], strides = [1]} : vector<16xi32> to vector<1xi32>
      %squeeze3A_94 = vector.extract %slice3A_93[0] : i32 from vector<1xi32>
      %shift_right_arithmetic3A_95 = arith.constant 7 : i32
      %shift_right_arithmetic3A_96 = arith.shrsi %squeeze3A_94, %shift_right_arithmetic3A_95 : i32
      %shift_left3A_97 = arith.constant 7 : i32
      %shift_left3A_98 = arith.shli %shift_right_arithmetic3A_96, %shift_left3A_97 : i32
      %multiple_of3A_99 = tpu.assume_multiple %shift_left3A_98, 128 : i32
      %dma_start3A_100 = arith.constant 128 : i32
      %dma_start3A_101 = arith.constant 0 : i32
      %dma_start3A_102 = tpu.memref_slice %arg9[%dma_start3A_100, %dma_start3A_101] : memref<512x128xf32, #tpu.memory_space<vmem>> -> memref<32x128xf32, #tpu.memory_space<vmem>>
      %dma_start3A_103 = arith.constant 0 : i32
      %dma_start3A_104 = tpu.memref_slice %arg4[%dma_start3A_103, %multiple_of3A_99] : memref<32x1000000xf32, #tpu.memory_space<hbm>> -> memref<32x128xf32, #tpu.memory_space<hbm>>
      %dma_start3A_105 = arith.constant 128 : i32
      %dma_start3A_106 = arith.constant 0 : i32
      %dma_start3A_107 = tpu.memref_slice %arg9[%dma_start3A_105, %dma_start3A_106] : memref<512x128xf32, #tpu.memory_space<vmem>> -> memref<32x128xf32, #tpu.memory_space<vmem>>
      %dma_start3A_108 = arith.constant 0 : i32
      %dma_start3A_109 = tpu.memref_slice %arg4[%dma_start3A_108, %multiple_of3A_99] : memref<32x1000000xf32, #tpu.memory_space<hbm>> -> memref<32x128xf32, #tpu.memory_space<hbm>>
      tpu.enqueue_dma source(%dma_start3A_109 : memref<32x128xf32, #tpu.memory_space<hbm>>) target(%dma_start3A_107 : memref<32x128xf32, #tpu.memory_space<vmem>>) target_semaphore(%arg13 : memref<!tpu.dma_semaphore, #tpu.memory_space<semaphore_mem>>)
      %slice3A_110 = vector.extract_strided_slice %get3A_28 {offsets = [5], sizes = [1], strides = [1]} : vector<16xi32> to vector<1xi32>
      %squeeze3A_111 = vector.extract %slice3A_110[0] : i32 from vector<1xi32>
      %shift_right_arithmetic3A_112 = arith.constant 7 : i32
      %shift_right_arithmetic3A_113 = arith.shrsi %squeeze3A_111, %shift_right_arithmetic3A_112 : i32
      %shift_left3A_114 = arith.constant 7 : i32
      %shift_left3A_115 = arith.shli %shift_right_arithmetic3A_113, %shift_left3A_114 : i32
      %multiple_of3A_116 = tpu.assume_multiple %shift_left3A_115, 128 : i32
      %dma_start3A_117 = arith.constant 160 : i32
      %dma_start3A_118 = arith.constant 0 : i32
      %dma_start3A_119 = tpu.memref_slice %arg9[%dma_start3A_117, %dma_start3A_118] : memref<512x128xf32, #tpu.memory_space<vmem>> -> memref<32x128xf32, #tpu.memory_space<vmem>>
      %dma_start3A_120 = arith.constant 0 : i32
      %dma_start3A_121 = tpu.memref_slice %arg4[%dma_start3A_120, %multiple_of3A_116] : memref<32x1000000xf32, #tpu.memory_space<hbm>> -> memref<32x128xf32, #tpu.memory_space<hbm>>
      %dma_start3A_122 = arith.constant 160 : i32
      %dma_start3A_123 = arith.constant 0 : i32
      %dma_start3A_124 = tpu.memref_slice %arg9[%dma_start3A_122, %dma_start3A_123] : memref<512x128xf32, #tpu.memory_space<vmem>> -> memref<32x128xf32, #tpu.memory_space<vmem>>
      %dma_start3A_125 = arith.constant 0 : i32
      %dma_start3A_126 = tpu.memref_slice %arg4[%dma_start3A_125, %multiple_of3A_116] : memref<32x1000000xf32, #tpu.memory_space<hbm>> -> memref<32x128xf32, #tpu.memory_space<hbm>>
      tpu.enqueue_dma source(%dma_start3A_126 : memref<32x128xf32, #tpu.memory_space<hbm>>) target(%dma_start3A_124 : memref<32x128xf32, #tpu.memory_space<vmem>>) target_semaphore(%arg13 : memref<!tpu.dma_semaphore, #tpu.memory_space<semaphore_mem>>)
      %slice3A_127 = vector.extract_strided_slice %get3A_28 {offsets = [6], sizes = [1], strides = [1]} : vector<16xi32> to vector<1xi32>
      %squeeze3A_128 = vector.extract %slice3A_127[0] : i32 from vector<1xi32>
      %shift_right_arithmetic3A_129 = arith.constant 7 : i32
      %shift_right_arithmetic3A_130 = arith.shrsi %squeeze3A_128, %shift_right_arithmetic3A_129 : i32
      %shift_left3A_131 = arith.constant 7 : i32
      %shift_left3A_132 = arith.shli %shift_right_arithmetic3A_130, %shift_left3A_131 : i32
      %multiple_of3A_133 = tpu.assume_multiple %shift_left3A_132, 128 : i32
      %dma_start3A_134 = arith.constant 192 : i32
      %dma_start3A_135 = arith.constant 0 : i32
      %dma_start3A_136 = tpu.memref_slice %arg9[%dma_start3A_134, %dma_start3A_135] : memref<512x128xf32, #tpu.memory_space<vmem>> -> memref<32x128xf32, #tpu.memory_space<vmem>>
      %dma_start3A_137 = arith.constant 0 : i32
      %dma_start3A_138 = tpu.memref_slice %arg4[%dma_start3A_137, %multiple_of3A_133] : memref<32x1000000xf32, #tpu.memory_space<hbm>> -> memref<32x128xf32, #tpu.memory_space<hbm>>
      %dma_start3A_139 = arith.constant 192 : i32
      %dma_start3A_140 = arith.constant 0 : i32
      %dma_start3A_141 = tpu.memref_slice %arg9[%dma_start3A_139, %dma_start3A_140] : memref<512x128xf32, #tpu.memory_space<vmem>> -> memref<32x128xf32, #tpu.memory_space<vmem>>
      %dma_start3A_142 = arith.constant 0 : i32
      %dma_start3A_143 = tpu.memref_slice %arg4[%dma_start3A_142, %multiple_of3A_133] : memref<32x1000000xf32, #tpu.memory_space<hbm>> -> memref<32x128xf32, #tpu.memory_space<hbm>>
      tpu.enqueue_dma source(%dma_start3A_143 : memref<32x128xf32, #tpu.memory_space<hbm>>) target(%dma_start3A_141 : memref<32x128xf32, #tpu.memory_space<vmem>>) target_semaphore(%arg13 : memref<!tpu.dma_semaphore, #tpu.memory_space<semaphore_mem>>)
      %slice3A_144 = vector.extract_strided_slice %get3A_28 {offsets = [7], sizes = [1], strides = [1]} : vector<16xi32> to vector<1xi32>
      %squeeze3A_145 = vector.extract %slice3A_144[0] : i32 from vector<1xi32>
      %shift_right_arithmetic3A_146 = arith.constant 7 : i32
      %shift_right_arithmetic3A_147 = arith.shrsi %squeeze3A_145, %shift_right_arithmetic3A_146 : i32
      %shift_left3A_148 = arith.constant 7 : i32
      %shift_left3A_149 = arith.shli %shift_right_arithmetic3A_147, %shift_left3A_148 : i32
      %multiple_of3A_150 = tpu.assume_multiple %shift_left3A_149, 128 : i32
      %dma_start3A_151 = arith.constant 224 : i32
      %dma_start3A_152 = arith.constant 0 : i32
      %dma_start3A_153 = tpu.memref_slice %arg9[%dma_start3A_151, %dma_start3A_152] : memref<512x128xf32, #tpu.memory_space<vmem>> -> memref<32x128xf32, #tpu.memory_space<vmem>>
      %dma_start3A_154 = arith.constant 0 : i32
      %dma_start3A_155 = tpu.memref_slice %arg4[%dma_start3A_154, %multiple_of3A_150] : memref<32x1000000xf32, #tpu.memory_space<hbm>> -> memref<32x128xf32, #tpu.memory_space<hbm>>
      %dma_start3A_156 = arith.constant 224 : i32
      %dma_start3A_157 = arith.constant 0 : i32
      %dma_start3A_158 = tpu.memref_slice %arg9[%dma_start3A_156, %dma_start3A_157] : memref<512x128xf32, #tpu.memory_space<vmem>> -> memref<32x128xf32, #tpu.memory_space<vmem>>
      %dma_start3A_159 = arith.constant 0 : i32
      %dma_start3A_160 = tpu.memref_slice %arg4[%dma_start3A_159, %multiple_of3A_150] : memref<32x1000000xf32, #tpu.memory_space<hbm>> -> memref<32x128xf32, #tpu.memory_space<hbm>>
      tpu.enqueue_dma source(%dma_start3A_160 : memref<32x128xf32, #tpu.memory_space<hbm>>) target(%dma_start3A_158 : memref<32x128xf32, #tpu.memory_space<vmem>>) target_semaphore(%arg13 : memref<!tpu.dma_semaphore, #tpu.memory_space<semaphore_mem>>)
      %slice3A_161 = vector.extract_strided_slice %get3A_28 {offsets = [8], sizes = [1], strides = [1]} : vector<16xi32> to vector<1xi32>
      %squeeze3A_162 = vector.extract %slice3A_161[0] : i32 from vector<1xi32>
      %shift_right_arithmetic3A_163 = arith.constant 7 : i32
      %shift_right_arithmetic3A_164 = arith.shrsi %squeeze3A_162, %shift_right_arithmetic3A_163 : i32
      %shift_left3A_165 = arith.constant 7 : i32
      %shift_left3A_166 = arith.shli %shift_right_arithmetic3A_164, %shift_left3A_165 : i32
      %multiple_of3A_167 = tpu.assume_multiple %shift_left3A_166, 128 : i32
      %dma_start3A_168 = arith.constant 256 : i32
      %dma_start3A_169 = arith.constant 0 : i32
      %dma_start3A_170 = tpu.memref_slice %arg9[%dma_start3A_168, %dma_start3A_169] : memref<512x128xf32, #tpu.memory_space<vmem>> -> memref<32x128xf32, #tpu.memory_space<vmem>>
      %dma_start3A_171 = arith.constant 0 : i32
      %dma_start3A_172 = tpu.memref_slice %arg4[%dma_start3A_171, %multiple_of3A_167] : memref<32x1000000xf32, #tpu.memory_space<hbm>> -> memref<32x128xf32, #tpu.memory_space<hbm>>
      %dma_start3A_173 = arith.constant 256 : i32
      %dma_start3A_174 = arith.constant 0 : i32
      %dma_start3A_175 = tpu.memref_slice %arg9[%dma_start3A_173, %dma_start3A_174] : memref<512x128xf32, #tpu.memory_space<vmem>> -> memref<32x128xf32, #tpu.memory_space<vmem>>
      %dma_start3A_176 = arith.constant 0 : i32
      %dma_start3A_177 = tpu.memref_slice %arg4[%dma_start3A_176, %multiple_of3A_167] : memref<32x1000000xf32, #tpu.memory_space<hbm>> -> memref<32x128xf32, #tpu.memory_space<hbm>>
      tpu.enqueue_dma source(%dma_start3A_177 : memref<32x128xf32, #tpu.memory_space<hbm>>) target(%dma_start3A_175 : memref<32x128xf32, #tpu.memory_space<vmem>>) target_semaphore(%arg13 : memref<!tpu.dma_semaphore, #tpu.memory_space<semaphore_mem>>)
      %slice3A_178 = vector.extract_strided_slice %get3A_28 {offsets = [9], sizes = [1], strides = [1]} : vector<16xi32> to vector<1xi32>
      %squeeze3A_179 = vector.extract %slice3A_178[0] : i32 from vector<1xi32>
      %shift_right_arithmetic3A_180 = arith.constant 7 : i32
      %shift_right_arithmetic3A_181 = arith.shrsi %squeeze3A_179, %shift_right_arithmetic3A_180 : i32
      %shift_left3A_182 = arith.constant 7 : i32
      %shift_left3A_183 = arith.shli %shift_right_arithmetic3A_181, %shift_left3A_182 : i32
      %multiple_of3A_184 = tpu.assume_multiple %shift_left3A_183, 128 : i32
      %dma_start3A_185 = arith.constant 288 : i32
      %dma_start3A_186 = arith.constant 0 : i32
      %dma_start3A_187 = tpu.memref_slice %arg9[%dma_start3A_185, %dma_start3A_186] : memref<512x128xf32, #tpu.memory_space<vmem>> -> memref<32x128xf32, #tpu.memory_space<vmem>>
      %dma_start3A_188 = arith.constant 0 : i32
      %dma_start3A_189 = tpu.memref_slice %arg4[%dma_start3A_188, %multiple_of3A_184] : memref<32x1000000xf32, #tpu.memory_space<hbm>> -> memref<32x128xf32, #tpu.memory_space<hbm>>
      %dma_start3A_190 = arith.constant 288 : i32
      %dma_start3A_191 = arith.constant 0 : i32
      %dma_start3A_192 = tpu.memref_slice %arg9[%dma_start3A_190, %dma_start3A_191] : memref<512x128xf32, #tpu.memory_space<vmem>> -> memref<32x128xf32, #tpu.memory_space<vmem>>
      %dma_start3A_193 = arith.constant 0 : i32
      %dma_start3A_194 = tpu.memref_slice %arg4[%dma_start3A_193, %multiple_of3A_184] : memref<32x1000000xf32, #tpu.memory_space<hbm>> -> memref<32x128xf32, #tpu.memory_space<hbm>>
      tpu.enqueue_dma source(%dma_start3A_194 : memref<32x128xf32, #tpu.memory_space<hbm>>) target(%dma_start3A_192 : memref<32x128xf32, #tpu.memory_space<vmem>>) target_semaphore(%arg13 : memref<!tpu.dma_semaphore, #tpu.memory_space<semaphore_mem>>)
      %slice3A_195 = vector.extract_strided_slice %get3A_28 {offsets = [10], sizes = [1], strides = [1]} : vector<16xi32> to vector<1xi32>
      %squeeze3A_196 = vector.extract %slice3A_195[0] : i32 from vector<1xi32>
      %shift_right_arithmetic3A_197 = arith.constant 7 : i32
      %shift_right_arithmetic3A_198 = arith.shrsi %squeeze3A_196, %shift_right_arithmetic3A_197 : i32
      %shift_left3A_199 = arith.constant 7 : i32
      %shift_left3A_200 = arith.shli %shift_right_arithmetic3A_198, %shift_left3A_199 : i32
      %multiple_of3A_201 = tpu.assume_multiple %shift_left3A_200, 128 : i32
      %dma_start3A_202 = arith.constant 320 : i32
      %dma_start3A_203 = arith.constant 0 : i32
      %dma_start3A_204 = tpu.memref_slice %arg9[%dma_start3A_202, %dma_start3A_203] : memref<512x128xf32, #tpu.memory_space<vmem>> -> memref<32x128xf32, #tpu.memory_space<vmem>>
      %dma_start3A_205 = arith.constant 0 : i32
      %dma_start3A_206 = tpu.memref_slice %arg4[%dma_start3A_205, %multiple_of3A_201] : memref<32x1000000xf32, #tpu.memory_space<hbm>> -> memref<32x128xf32, #tpu.memory_space<hbm>>
      %dma_start3A_207 = arith.constant 320 : i32
      %dma_start3A_208 = arith.constant 0 : i32
      %dma_start3A_209 = tpu.memref_slice %arg9[%dma_start3A_207, %dma_start3A_208] : memref<512x128xf32, #tpu.memory_space<vmem>> -> memref<32x128xf32, #tpu.memory_space<vmem>>
      %dma_start3A_210 = arith.constant 0 : i32
      %dma_start3A_211 = tpu.memref_slice %arg4[%dma_start3A_210, %multiple_of3A_201] : memref<32x1000000xf32, #tpu.memory_space<hbm>> -> memref<32x128xf32, #tpu.memory_space<hbm>>
      tpu.enqueue_dma source(%dma_start3A_211 : memref<32x128xf32, #tpu.memory_space<hbm>>) target(%dma_start3A_209 : memref<32x128xf32, #tpu.memory_space<vmem>>) target_semaphore(%arg13 : memref<!tpu.dma_semaphore, #tpu.memory_space<semaphore_mem>>)
      %slice3A_212 = vector.extract_strided_slice %get3A_28 {offsets = [11], sizes = [1], strides = [1]} : vector<16xi32> to vector<1xi32>
      %squeeze3A_213 = vector.extract %slice3A_212[0] : i32 from vector<1xi32>
      %shift_right_arithmetic3A_214 = arith.constant 7 : i32
      %shift_right_arithmetic3A_215 = arith.shrsi %squeeze3A_213, %shift_right_arithmetic3A_214 : i32
      %shift_left3A_216 = arith.constant 7 : i32
      %shift_left3A_217 = arith.shli %shift_right_arithmetic3A_215, %shift_left3A_216 : i32
      %multiple_of3A_218 = tpu.assume_multiple %shift_left3A_217, 128 : i32
      %dma_start3A_219 = arith.constant 352 : i32
      %dma_start3A_220 = arith.constant 0 : i32
      %dma_start3A_221 = tpu.memref_slice %arg9[%dma_start3A_219, %dma_start3A_220] : memref<512x128xf32, #tpu.memory_space<vmem>> -> memref<32x128xf32, #tpu.memory_space<vmem>>
      %dma_start3A_222 = arith.constant 0 : i32
      %dma_start3A_223 = tpu.memref_slice %arg4[%dma_start3A_222, %multiple_of3A_218] : memref<32x1000000xf32, #tpu.memory_space<hbm>> -> memref<32x128xf32, #tpu.memory_space<hbm>>
      %dma_start3A_224 = arith.constant 352 : i32
      %dma_start3A_225 = arith.constant 0 : i32
      %dma_start3A_226 = tpu.memref_slice %arg9[%dma_start3A_224, %dma_start3A_225] : memref<512x128xf32, #tpu.memory_space<vmem>> -> memref<32x128xf32, #tpu.memory_space<vmem>>
      %dma_start3A_227 = arith.constant 0 : i32
      %dma_start3A_228 = tpu.memref_slice %arg4[%dma_start3A_227, %multiple_of3A_218] : memref<32x1000000xf32, #tpu.memory_space<hbm>> -> memref<32x128xf32, #tpu.memory_space<hbm>>
      tpu.enqueue_dma source(%dma_start3A_228 : memref<32x128xf32, #tpu.memory_space<hbm>>) target(%dma_start3A_226 : memref<32x128xf32, #tpu.memory_space<vmem>>) target_semaphore(%arg13 : memref<!tpu.dma_semaphore, #tpu.memory_space<semaphore_mem>>)
      %slice3A_229 = vector.extract_strided_slice %get3A_28 {offsets = [12], sizes = [1], strides = [1]} : vector<16xi32> to vector<1xi32>
      %squeeze3A_230 = vector.extract %slice3A_229[0] : i32 from vector<1xi32>
      %shift_right_arithmetic3A_231 = arith.constant 7 : i32
      %shift_right_arithmetic3A_232 = arith.shrsi %squeeze3A_230, %shift_right_arithmetic3A_231 : i32
      %shift_left3A_233 = arith.constant 7 : i32
      %shift_left3A_234 = arith.shli %shift_right_arithmetic3A_232, %shift_left3A_233 : i32
      %multiple_of3A_235 = tpu.assume_multiple %shift_left3A_234, 128 : i32
      %dma_start3A_236 = arith.constant 384 : i32
      %dma_start3A_237 = arith.constant 0 : i32
      %dma_start3A_238 = tpu.memref_slice %arg9[%dma_start3A_236, %dma_start3A_237] : memref<512x128xf32, #tpu.memory_space<vmem>> -> memref<32x128xf32, #tpu.memory_space<vmem>>
      %dma_start3A_239 = arith.constant 0 : i32
      %dma_start3A_240 = tpu.memref_slice %arg4[%dma_start3A_239, %multiple_of3A_235] : memref<32x1000000xf32, #tpu.memory_space<hbm>> -> memref<32x128xf32, #tpu.memory_space<hbm>>
      %dma_start3A_241 = arith.constant 384 : i32
      %dma_start3A_242 = arith.constant 0 : i32
      %dma_start3A_243 = tpu.memref_slice %arg9[%dma_start3A_241, %dma_start3A_242] : memref<512x128xf32, #tpu.memory_space<vmem>> -> memref<32x128xf32, #tpu.memory_space<vmem>>
      %dma_start3A_244 = arith.constant 0 : i32
      %dma_start3A_245 = tpu.memref_slice %arg4[%dma_start3A_244, %multiple_of3A_235] : memref<32x1000000xf32, #tpu.memory_space<hbm>> -> memref<32x128xf32, #tpu.memory_space<hbm>>
      tpu.enqueue_dma source(%dma_start3A_245 : memref<32x128xf32, #tpu.memory_space<hbm>>) target(%dma_start3A_243 : memref<32x128xf32, #tpu.memory_space<vmem>>) target_semaphore(%arg13 : memref<!tpu.dma_semaphore, #tpu.memory_space<semaphore_mem>>)
      %slice3A_246 = vector.extract_strided_slice %get3A_28 {offsets = [13], sizes = [1], strides = [1]} : vector<16xi32> to vector<1xi32>
      %squeeze3A_247 = vector.extract %slice3A_246[0] : i32 from vector<1xi32>
      %shift_right_arithmetic3A_248 = arith.constant 7 : i32
      %shift_right_arithmetic3A_249 = arith.shrsi %squeeze3A_247, %shift_right_arithmetic3A_248 : i32
      %shift_left3A_250 = arith.constant 7 : i32
      %shift_left3A_251 = arith.shli %shift_right_arithmetic3A_249, %shift_left3A_250 : i32
      %multiple_of3A_252 = tpu.assume_multiple %shift_left3A_251, 128 : i32
      %dma_start3A_253 = arith.constant 416 : i32
      %dma_start3A_254 = arith.constant 0 : i32
      %dma_start3A_255 = tpu.memref_slice %arg9[%dma_start3A_253, %dma_start3A_254] : memref<512x128xf32, #tpu.memory_space<vmem>> -> memref<32x128xf32, #tpu.memory_space<vmem>>
      %dma_start3A_256 = arith.constant 0 : i32
      %dma_start3A_257 = tpu.memref_slice %arg4[%dma_start3A_256, %multiple_of3A_252] : memref<32x1000000xf32, #tpu.memory_space<hbm>> -> memref<32x128xf32, #tpu.memory_space<hbm>>
      %dma_start3A_258 = arith.constant 416 : i32
      %dma_start3A_259 = arith.constant 0 : i32
      %dma_start3A_260 = tpu.memref_slice %arg9[%dma_start3A_258, %dma_start3A_259] : memref<512x128xf32, #tpu.memory_space<vmem>> -> memref<32x128xf32, #tpu.memory_space<vmem>>
      %dma_start3A_261 = arith.constant 0 : i32
      %dma_start3A_262 = tpu.memref_slice %arg4[%dma_start3A_261, %multiple_of3A_252] : memref<32x1000000xf32, #tpu.memory_space<hbm>> -> memref<32x128xf32, #tpu.memory_space<hbm>>
      tpu.enqueue_dma source(%dma_start3A_262 : memref<32x128xf32, #tpu.memory_space<hbm>>) target(%dma_start3A_260 : memref<32x128xf32, #tpu.memory_space<vmem>>) target_semaphore(%arg13 : memref<!tpu.dma_semaphore, #tpu.memory_space<semaphore_mem>>)
      %slice3A_263 = vector.extract_strided_slice %get3A_28 {offsets = [14], sizes = [1], strides = [1]} : vector<16xi32> to vector<1xi32>
      %squeeze3A_264 = vector.extract %slice3A_263[0] : i32 from vector<1xi32>
      %shift_right_arithmetic3A_265 = arith.constant 7 : i32
      %shift_right_arithmetic3A_266 = arith.shrsi %squeeze3A_264, %shift_right_arithmetic3A_265 : i32
      %shift_left3A_267 = arith.constant 7 : i32
      %shift_left3A_268 = arith.shli %shift_right_arithmetic3A_266, %shift_left3A_267 : i32
      %multiple_of3A_269 = tpu.assume_multiple %shift_left3A_268, 128 : i32
      %dma_start3A_270 = arith.constant 448 : i32
      %dma_start3A_271 = arith.constant 0 : i32
      %dma_start3A_272 = tpu.memref_slice %arg9[%dma_start3A_270, %dma_start3A_271] : memref<512x128xf32, #tpu.memory_space<vmem>> -> memref<32x128xf32, #tpu.memory_space<vmem>>
      %dma_start3A_273 = arith.constant 0 : i32
      %dma_start3A_274 = tpu.memref_slice %arg4[%dma_start3A_273, %multiple_of3A_269] : memref<32x1000000xf32, #tpu.memory_space<hbm>> -> memref<32x128xf32, #tpu.memory_space<hbm>>
      %dma_start3A_275 = arith.constant 448 : i32
      %dma_start3A_276 = arith.constant 0 : i32
      %dma_start3A_277 = tpu.memref_slice %arg9[%dma_start3A_275, %dma_start3A_276] : memref<512x128xf32, #tpu.memory_space<vmem>> -> memref<32x128xf32, #tpu.memory_space<vmem>>
      %dma_start3A_278 = arith.constant 0 : i32
      %dma_start3A_279 = tpu.memref_slice %arg4[%dma_start3A_278, %multiple_of3A_269] : memref<32x1000000xf32, #tpu.memory_space<hbm>> -> memref<32x128xf32, #tpu.memory_space<hbm>>
      tpu.enqueue_dma source(%dma_start3A_279 : memref<32x128xf32, #tpu.memory_space<hbm>>) target(%dma_start3A_277 : memref<32x128xf32, #tpu.memory_space<vmem>>) target_semaphore(%arg13 : memref<!tpu.dma_semaphore, #tpu.memory_space<semaphore_mem>>)
      %slice3A_280 = vector.extract_strided_slice %get3A_28 {offsets = [15], sizes = [1], strides = [1]} : vector<16xi32> to vector<1xi32>
      %squeeze3A_281 = vector.extract %slice3A_280[0] : i32 from vector<1xi32>
      %shift_right_arithmetic3A_282 = arith.constant 7 : i32
      %shift_right_arithmetic3A_283 = arith.shrsi %squeeze3A_281, %shift_right_arithmetic3A_282 : i32
      %shift_left3A_284 = arith.constant 7 : i32
      %shift_left3A_285 = arith.shli %shift_right_arithmetic3A_283, %shift_left3A_284 : i32
      %multiple_of3A_286 = tpu.assume_multiple %shift_left3A_285, 128 : i32
      %dma_start3A_287 = arith.constant 480 : i32
      %dma_start3A_288 = arith.constant 0 : i32
      %dma_start3A_289 = tpu.memref_slice %arg9[%dma_start3A_287, %dma_start3A_288] : memref<512x128xf32, #tpu.memory_space<vmem>> -> memref<32x128xf32, #tpu.memory_space<vmem>>
      %dma_start3A_290 = arith.constant 0 : i32
      %dma_start3A_291 = tpu.memref_slice %arg4[%dma_start3A_290, %multiple_of3A_286] : memref<32x1000000xf32, #tpu.memory_space<hbm>> -> memref<32x128xf32, #tpu.memory_space<hbm>>
      %dma_start3A_292 = arith.constant 480 : i32
      %dma_start3A_293 = arith.constant 0 : i32
      %dma_start3A_294 = tpu.memref_slice %arg9[%dma_start3A_292, %dma_start3A_293] : memref<512x128xf32, #tpu.memory_space<vmem>> -> memref<32x128xf32, #tpu.memory_space<vmem>>
      %dma_start3A_295 = arith.constant 0 : i32
      %dma_start3A_296 = tpu.memref_slice %arg4[%dma_start3A_295, %multiple_of3A_286] : memref<32x1000000xf32, #tpu.memory_space<hbm>> -> memref<32x128xf32, #tpu.memory_space<hbm>>
      tpu.enqueue_dma source(%dma_start3A_296 : memref<32x128xf32, #tpu.memory_space<hbm>>) target(%dma_start3A_294 : memref<32x128xf32, #tpu.memory_space<vmem>>) target_semaphore(%arg13 : memref<!tpu.dma_semaphore, #tpu.memory_space<semaphore_mem>>)
      %slice3A_297 = vector.extract_strided_slice %get3A_30 {offsets = [0], sizes = [1], strides = [1]} : vector<16xi32> to vector<1xi32>
      %squeeze3A_298 = vector.extract %slice3A_297[0] : i32 from vector<1xi32>
      %shift_right_arithmetic3A_299 = arith.constant 7 : i32
      %shift_right_arithmetic3A_300 = arith.shrsi %squeeze3A_298, %shift_right_arithmetic3A_299 : i32
      %shift_left3A_301 = arith.constant 7 : i32
      %shift_left3A_302 = arith.shli %shift_right_arithmetic3A_300, %shift_left3A_301 : i32
      %multiple_of3A_303 = tpu.assume_multiple %shift_left3A_302, 128 : i32
      %dma_start3A_304 = arith.constant 0 : i32
      %dma_start3A_305 = arith.constant 0 : i32
      %dma_start3A_306 = tpu.memref_slice %arg10[%dma_start3A_304, %dma_start3A_305] : memref<448x128xf32, #tpu.memory_space<vmem>> -> memref<32x128xf32, #tpu.memory_space<vmem>>
      %dma_start3A_307 = arith.constant 0 : i32
      %dma_start3A_308 = tpu.memref_slice %arg5[%dma_start3A_307, %multiple_of3A_303] : memref<32x1000000xf32, #tpu.memory_space<hbm>> -> memref<32x128xf32, #tpu.memory_space<hbm>>
      %dma_start3A_309 = arith.constant 0 : i32
      %dma_start3A_310 = arith.constant 0 : i32
      %dma_start3A_311 = tpu.memref_slice %arg10[%dma_start3A_309, %dma_start3A_310] : memref<448x128xf32, #tpu.memory_space<vmem>> -> memref<32x128xf32, #tpu.memory_space<vmem>>
      %dma_start3A_312 = arith.constant 0 : i32
      %dma_start3A_313 = tpu.memref_slice %arg5[%dma_start3A_312, %multiple_of3A_303] : memref<32x1000000xf32, #tpu.memory_space<hbm>> -> memref<32x128xf32, #tpu.memory_space<hbm>>
      tpu.enqueue_dma source(%dma_start3A_313 : memref<32x128xf32, #tpu.memory_space<hbm>>) target(%dma_start3A_311 : memref<32x128xf32, #tpu.memory_space<vmem>>) target_semaphore(%arg14 : memref<!tpu.dma_semaphore, #tpu.memory_space<semaphore_mem>>)
      %slice3A_314 = vector.extract_strided_slice %get3A_30 {offsets = [1], sizes = [1], strides = [1]} : vector<16xi32> to vector<1xi32>
      %squeeze3A_315 = vector.extract %slice3A_314[0] : i32 from vector<1xi32>
      %shift_right_arithmetic3A_316 = arith.constant 7 : i32
      %shift_right_arithmetic3A_317 = arith.shrsi %squeeze3A_315, %shift_right_arithmetic3A_316 : i32
      %shift_left3A_318 = arith.constant 7 : i32
      %shift_left3A_319 = arith.shli %shift_right_arithmetic3A_317, %shift_left3A_318 : i32
      %multiple_of3A_320 = tpu.assume_multiple %shift_left3A_319, 128 : i32
      %dma_start3A_321 = arith.constant 32 : i32
      %dma_start3A_322 = arith.constant 0 : i32
      %dma_start3A_323 = tpu.memref_slice %arg10[%dma_start3A_321, %dma_start3A_322] : memref<448x128xf32, #tpu.memory_space<vmem>> -> memref<32x128xf32, #tpu.memory_space<vmem>>
      %dma_start3A_324 = arith.constant 0 : i32
      %dma_start3A_325 = tpu.memref_slice %arg5[%dma_start3A_324, %multiple_of3A_320] : memref<32x1000000xf32, #tpu.memory_space<hbm>> -> memref<32x128xf32, #tpu.memory_space<hbm>>
      %dma_start3A_326 = arith.constant 32 : i32
      %dma_start3A_327 = arith.constant 0 : i32
      %dma_start3A_328 = tpu.memref_slice %arg10[%dma_start3A_326, %dma_start3A_327] : memref<448x128xf32, #tpu.memory_space<vmem>> -> memref<32x128xf32, #tpu.memory_space<vmem>>
      %dma_start3A_329 = arith.constant 0 : i32
      %dma_start3A_330 = tpu.memref_slice %arg5[%dma_start3A_329, %multiple_of3A_320] : memref<32x1000000xf32, #tpu.memory_space<hbm>> -> memref<32x128xf32, #tpu.memory_space<hbm>>
      tpu.enqueue_dma source(%dma_start3A_330 : memref<32x128xf32, #tpu.memory_space<hbm>>) target(%dma_start3A_328 : memref<32x128xf32, #tpu.memory_space<vmem>>) target_semaphore(%arg14 : memref<!tpu.dma_semaphore, #tpu.memory_space<semaphore_mem>>)
      %slice3A_331 = vector.extract_strided_slice %get3A_30 {offsets = [2], sizes = [1], strides = [1]} : vector<16xi32> to vector<1xi32>
      %squeeze3A_332 = vector.extract %slice3A_331[0] : i32 from vector<1xi32>
      %shift_right_arithmetic3A_333 = arith.constant 7 : i32
      %shift_right_arithmetic3A_334 = arith.shrsi %squeeze3A_332, %shift_right_arithmetic3A_333 : i32
      %shift_left3A_335 = arith.constant 7 : i32
      %shift_left3A_336 = arith.shli %shift_right_arithmetic3A_334, %shift_left3A_335 : i32
      %multiple_of3A_337 = tpu.assume_multiple %shift_left3A_336, 128 : i32
      %dma_start3A_338 = arith.constant 64 : i32
      %dma_start3A_339 = arith.constant 0 : i32
      %dma_start3A_340 = tpu.memref_slice %arg10[%dma_start3A_338, %dma_start3A_339] : memref<448x128xf32, #tpu.memory_space<vmem>> -> memref<32x128xf32, #tpu.memory_space<vmem>>
      %dma_start3A_341 = arith.constant 0 : i32
      %dma_start3A_342 = tpu.memref_slice %arg5[%dma_start3A_341, %multiple_of3A_337] : memref<32x1000000xf32, #tpu.memory_space<hbm>> -> memref<32x128xf32, #tpu.memory_space<hbm>>
      %dma_start3A_343 = arith.constant 64 : i32
      %dma_start3A_344 = arith.constant 0 : i32
      %dma_start3A_345 = tpu.memref_slice %arg10[%dma_start3A_343, %dma_start3A_344] : memref<448x128xf32, #tpu.memory_space<vmem>> -> memref<32x128xf32, #tpu.memory_space<vmem>>
      %dma_start3A_346 = arith.constant 0 : i32
      %dma_start3A_347 = tpu.memref_slice %arg5[%dma_start3A_346, %multiple_of3A_337] : memref<32x1000000xf32, #tpu.memory_space<hbm>> -> memref<32x128xf32, #tpu.memory_space<hbm>>
      tpu.enqueue_dma source(%dma_start3A_347 : memref<32x128xf32, #tpu.memory_space<hbm>>) target(%dma_start3A_345 : memref<32x128xf32, #tpu.memory_space<vmem>>) target_semaphore(%arg14 : memref<!tpu.dma_semaphore, #tpu.memory_space<semaphore_mem>>)
      %slice3A_348 = vector.extract_strided_slice %get3A_30 {offsets = [3], sizes = [1], strides = [1]} : vector<16xi32> to vector<1xi32>
      %squeeze3A_349 = vector.extract %slice3A_348[0] : i32 from vector<1xi32>
      %shift_right_arithmetic3A_350 = arith.constant 7 : i32
      %shift_right_arithmetic3A_351 = arith.shrsi %squeeze3A_349, %shift_right_arithmetic3A_350 : i32
      %shift_left3A_352 = arith.constant 7 : i32
      %shift_left3A_353 = arith.shli %shift_right_arithmetic3A_351, %shift_left3A_352 : i32
      %multiple_of3A_354 = tpu.assume_multiple %shift_left3A_353, 128 : i32
      %dma_start3A_355 = arith.constant 96 : i32
      %dma_start3A_356 = arith.constant 0 : i32
      %dma_start3A_357 = tpu.memref_slice %arg10[%dma_start3A_355, %dma_start3A_356] : memref<448x128xf32, #tpu.memory_space<vmem>> -> memref<32x128xf32, #tpu.memory_space<vmem>>
      %dma_start3A_358 = arith.constant 0 : i32
      %dma_start3A_359 = tpu.memref_slice %arg5[%dma_start3A_358, %multiple_of3A_354] : memref<32x1000000xf32, #tpu.memory_space<hbm>> -> memref<32x128xf32, #tpu.memory_space<hbm>>
      %dma_start3A_360 = arith.constant 96 : i32
      %dma_start3A_361 = arith.constant 0 : i32
      %dma_start3A_362 = tpu.memref_slice %arg10[%dma_start3A_360, %dma_start3A_361] : memref<448x128xf32, #tpu.memory_space<vmem>> -> memref<32x128xf32, #tpu.memory_space<vmem>>
      %dma_start3A_363 = arith.constant 0 : i32
      %dma_start3A_364 = tpu.memref_slice %arg5[%dma_start3A_363, %multiple_of3A_354] : memref<32x1000000xf32, #tpu.memory_space<hbm>> -> memref<32x128xf32, #tpu.memory_space<hbm>>
      tpu.enqueue_dma source(%dma_start3A_364 : memref<32x128xf32, #tpu.memory_space<hbm>>) target(%dma_start3A_362 : memref<32x128xf32, #tpu.memory_space<vmem>>) target_semaphore(%arg14 : memref<!tpu.dma_semaphore, #tpu.memory_space<semaphore_mem>>)
      %slice3A_365 = vector.extract_strided_slice %get3A_30 {offsets = [4], sizes = [1], strides = [1]} : vector<16xi32> to vector<1xi32>
      %squeeze3A_366 = vector.extract %slice3A_365[0] : i32 from vector<1xi32>
      %shift_right_arithmetic3A_367 = arith.constant 7 : i32
      %shift_right_arithmetic3A_368 = arith.shrsi %squeeze3A_366, %shift_right_arithmetic3A_367 : i32
      %shift_left3A_369 = arith.constant 7 : i32
      %shift_left3A_370 = arith.shli %shift_right_arithmetic3A_368, %shift_left3A_369 : i32
      %multiple_of3A_371 = tpu.assume_multiple %shift_left3A_370, 128 : i32
      %dma_start3A_372 = arith.constant 128 : i32
      %dma_start3A_373 = arith.constant 0 : i32
      %dma_start3A_374 = tpu.memref_slice %arg10[%dma_start3A_372, %dma_start3A_373] : memref<448x128xf32, #tpu.memory_space<vmem>> -> memref<32x128xf32, #tpu.memory_space<vmem>>
      %dma_start3A_375 = arith.constant 0 : i32
      %dma_start3A_376 = tpu.memref_slice %arg5[%dma_start3A_375, %multiple_of3A_371] : memref<32x1000000xf32, #tpu.memory_space<hbm>> -> memref<32x128xf32, #tpu.memory_space<hbm>>
      %dma_start3A_377 = arith.constant 128 : i32
      %dma_start3A_378 = arith.constant 0 : i32
      %dma_start3A_379 = tpu.memref_slice %arg10[%dma_start3A_377, %dma_start3A_378] : memref<448x128xf32, #tpu.memory_space<vmem>> -> memref<32x128xf32, #tpu.memory_space<vmem>>
      %dma_start3A_380 = arith.constant 0 : i32
      %dma_start3A_381 = tpu.memref_slice %arg5[%dma_start3A_380, %multiple_of3A_371] : memref<32x1000000xf32, #tpu.memory_space<hbm>> -> memref<32x128xf32, #tpu.memory_space<hbm>>
      tpu.enqueue_dma source(%dma_start3A_381 : memref<32x128xf32, #tpu.memory_space<hbm>>) target(%dma_start3A_379 : memref<32x128xf32, #tpu.memory_space<vmem>>) target_semaphore(%arg14 : memref<!tpu.dma_semaphore, #tpu.memory_space<semaphore_mem>>)
      %slice3A_382 = vector.extract_strided_slice %get3A_30 {offsets = [5], sizes = [1], strides = [1]} : vector<16xi32> to vector<1xi32>
      %squeeze3A_383 = vector.extract %slice3A_382[0] : i32 from vector<1xi32>
      %shift_right_arithmetic3A_384 = arith.constant 7 : i32
      %shift_right_arithmetic3A_385 = arith.shrsi %squeeze3A_383, %shift_right_arithmetic3A_384 : i32
      %shift_left3A_386 = arith.constant 7 : i32
      %shift_left3A_387 = arith.shli %shift_right_arithmetic3A_385, %shift_left3A_386 : i32
      %multiple_of3A_388 = tpu.assume_multiple %shift_left3A_387, 128 : i32
      %dma_start3A_389 = arith.constant 160 : i32
      %dma_start3A_390 = arith.constant 0 : i32
      %dma_start3A_391 = tpu.memref_slice %arg10[%dma_start3A_389, %dma_start3A_390] : memref<448x128xf32, #tpu.memory_space<vmem>> -> memref<32x128xf32, #tpu.memory_space<vmem>>
      %dma_start3A_392 = arith.constant 0 : i32
      %dma_start3A_393 = tpu.memref_slice %arg5[%dma_start3A_392, %multiple_of3A_388] : memref<32x1000000xf32, #tpu.memory_space<hbm>> -> memref<32x128xf32, #tpu.memory_space<hbm>>
      %dma_start3A_394 = arith.constant 160 : i32
      %dma_start3A_395 = arith.constant 0 : i32
      %dma_start3A_396 = tpu.memref_slice %arg10[%dma_start3A_394, %dma_start3A_395] : memref<448x128xf32, #tpu.memory_space<vmem>> -> memref<32x128xf32, #tpu.memory_space<vmem>>
      %dma_start3A_397 = arith.constant 0 : i32
      %dma_start3A_398 = tpu.memref_slice %arg5[%dma_start3A_397, %multiple_of3A_388] : memref<32x1000000xf32, #tpu.memory_space<hbm>> -> memref<32x128xf32, #tpu.memory_space<hbm>>
      tpu.enqueue_dma source(%dma_start3A_398 : memref<32x128xf32, #tpu.memory_space<hbm>>) target(%dma_start3A_396 : memref<32x128xf32, #tpu.memory_space<vmem>>) target_semaphore(%arg14 : memref<!tpu.dma_semaphore, #tpu.memory_space<semaphore_mem>>)
      %slice3A_399 = vector.extract_strided_slice %get3A_30 {offsets = [6], sizes = [1], strides = [1]} : vector<16xi32> to vector<1xi32>
      %squeeze3A_400 = vector.extract %slice3A_399[0] : i32 from vector<1xi32>
      %shift_right_arithmetic3A_401 = arith.constant 7 : i32
      %shift_right_arithmetic3A_402 = arith.shrsi %squeeze3A_400, %shift_right_arithmetic3A_401 : i32
      %shift_left3A_403 = arith.constant 7 : i32
      %shift_left3A_404 = arith.shli %shift_right_arithmetic3A_402, %shift_left3A_403 : i32
      %multiple_of3A_405 = tpu.assume_multiple %shift_left3A_404, 128 : i32
      %dma_start3A_406 = arith.constant 192 : i32
      %dma_start3A_407 = arith.constant 0 : i32
      %dma_start3A_408 = tpu.memref_slice %arg10[%dma_start3A_406, %dma_start3A_407] : memref<448x128xf32, #tpu.memory_space<vmem>> -> memref<32x128xf32, #tpu.memory_space<vmem>>
      %dma_start3A_409 = arith.constant 0 : i32
      %dma_start3A_410 = tpu.memref_slice %arg5[%dma_start3A_409, %multiple_of3A_405] : memref<32x1000000xf32, #tpu.memory_space<hbm>> -> memref<32x128xf32, #tpu.memory_space<hbm>>
      %dma_start3A_411 = arith.constant 192 : i32
      %dma_start3A_412 = arith.constant 0 : i32
      %dma_start3A_413 = tpu.memref_slice %arg10[%dma_start3A_411, %dma_start3A_412] : memref<448x128xf32, #tpu.memory_space<vmem>> -> memref<32x128xf32, #tpu.memory_space<vmem>>
      %dma_start3A_414 = arith.constant 0 : i32
      %dma_start3A_415 = tpu.memref_slice %arg5[%dma_start3A_414, %multiple_of3A_405] : memref<32x1000000xf32, #tpu.memory_space<hbm>> -> memref<32x128xf32, #tpu.memory_space<hbm>>
      tpu.enqueue_dma source(%dma_start3A_415 : memref<32x128xf32, #tpu.memory_space<hbm>>) target(%dma_start3A_413 : memref<32x128xf32, #tpu.memory_space<vmem>>) target_semaphore(%arg14 : memref<!tpu.dma_semaphore, #tpu.memory_space<semaphore_mem>>)
      %slice3A_416 = vector.extract_strided_slice %get3A_30 {offsets = [7], sizes = [1], strides = [1]} : vector<16xi32> to vector<1xi32>
      %squeeze3A_417 = vector.extract %slice3A_416[0] : i32 from vector<1xi32>
      %shift_right_arithmetic3A_418 = arith.constant 7 : i32
      %shift_right_arithmetic3A_419 = arith.shrsi %squeeze3A_417, %shift_right_arithmetic3A_418 : i32
      %shift_left3A_420 = arith.constant 7 : i32
      %shift_left3A_421 = arith.shli %shift_right_arithmetic3A_419, %shift_left3A_420 : i32
      %multiple_of3A_422 = tpu.assume_multiple %shift_left3A_421, 128 : i32
      %dma_start3A_423 = arith.constant 224 : i32
      %dma_start3A_424 = arith.constant 0 : i32
      %dma_start3A_425 = tpu.memref_slice %arg10[%dma_start3A_423, %dma_start3A_424] : memref<448x128xf32, #tpu.memory_space<vmem>> -> memref<32x128xf32, #tpu.memory_space<vmem>>
      %dma_start3A_426 = arith.constant 0 : i32
      %dma_start3A_427 = tpu.memref_slice %arg5[%dma_start3A_426, %multiple_of3A_422] : memref<32x1000000xf32, #tpu.memory_space<hbm>> -> memref<32x128xf32, #tpu.memory_space<hbm>>
      %dma_start3A_428 = arith.constant 224 : i32
      %dma_start3A_429 = arith.constant 0 : i32
      %dma_start3A_430 = tpu.memref_slice %arg10[%dma_start3A_428, %dma_start3A_429] : memref<448x128xf32, #tpu.memory_space<vmem>> -> memref<32x128xf32, #tpu.memory_space<vmem>>
      %dma_start3A_431 = arith.constant 0 : i32
      %dma_start3A_432 = tpu.memref_slice %arg5[%dma_start3A_431, %multiple_of3A_422] : memref<32x1000000xf32, #tpu.memory_space<hbm>> -> memref<32x128xf32, #tpu.memory_space<hbm>>
      tpu.enqueue_dma source(%dma_start3A_432 : memref<32x128xf32, #tpu.memory_space<hbm>>) target(%dma_start3A_430 : memref<32x128xf32, #tpu.memory_space<vmem>>) target_semaphore(%arg14 : memref<!tpu.dma_semaphore, #tpu.memory_space<semaphore_mem>>)
      %slice3A_433 = vector.extract_strided_slice %get3A_30 {offsets = [8], sizes = [1], strides = [1]} : vector<16xi32> to vector<1xi32>
      %squeeze3A_434 = vector.extract %slice3A_433[0] : i32 from vector<1xi32>
      %shift_right_arithmetic3A_435 = arith.constant 7 : i32
      %shift_right_arithmetic3A_436 = arith.shrsi %squeeze3A_434, %shift_right_arithmetic3A_435 : i32
      %shift_left3A_437 = arith.constant 7 : i32
      %shift_left3A_438 = arith.shli %shift_right_arithmetic3A_436, %shift_left3A_437 : i32
      %multiple_of3A_439 = tpu.assume_multiple %shift_left3A_438, 128 : i32
      %dma_start3A_440 = arith.constant 256 : i32
      %dma_start3A_441 = arith.constant 0 : i32
      %dma_start3A_442 = tpu.memref_slice %arg10[%dma_start3A_440, %dma_start3A_441] : memref<448x128xf32, #tpu.memory_space<vmem>> -> memref<32x128xf32, #tpu.memory_space<vmem>>
      %dma_start3A_443 = arith.constant 0 : i32
      %dma_start3A_444 = tpu.memref_slice %arg5[%dma_start3A_443, %multiple_of3A_439] : memref<32x1000000xf32, #tpu.memory_space<hbm>> -> memref<32x128xf32, #tpu.memory_space<hbm>>
      %dma_start3A_445 = arith.constant 256 : i32
      %dma_start3A_446 = arith.constant 0 : i32
      %dma_start3A_447 = tpu.memref_slice %arg10[%dma_start3A_445, %dma_start3A_446] : memref<448x128xf32, #tpu.memory_space<vmem>> -> memref<32x128xf32, #tpu.memory_space<vmem>>
      %dma_start3A_448 = arith.constant 0 : i32
      %dma_start3A_449 = tpu.memref_slice %arg5[%dma_start3A_448, %multiple_of3A_439] : memref<32x1000000xf32, #tpu.memory_space<hbm>> -> memref<32x128xf32, #tpu.memory_space<hbm>>
      tpu.enqueue_dma source(%dma_start3A_449 : memref<32x128xf32, #tpu.memory_space<hbm>>) target(%dma_start3A_447 : memref<32x128xf32, #tpu.memory_space<vmem>>) target_semaphore(%arg14 : memref<!tpu.dma_semaphore, #tpu.memory_space<semaphore_mem>>)
      %slice3A_450 = vector.extract_strided_slice %get3A_30 {offsets = [9], sizes = [1], strides = [1]} : vector<16xi32> to vector<1xi32>
      %squeeze3A_451 = vector.extract %slice3A_450[0] : i32 from vector<1xi32>
      %shift_right_arithmetic3A_452 = arith.constant 7 : i32
      %shift_right_arithmetic3A_453 = arith.shrsi %squeeze3A_451, %shift_right_arithmetic3A_452 : i32
      %shift_left3A_454 = arith.constant 7 : i32
      %shift_left3A_455 = arith.shli %shift_right_arithmetic3A_453, %shift_left3A_454 : i32
      %multiple_of3A_456 = tpu.assume_multiple %shift_left3A_455, 128 : i32
      %dma_start3A_457 = arith.constant 288 : i32
      %dma_start3A_458 = arith.constant 0 : i32
      %dma_start3A_459 = tpu.memref_slice %arg10[%dma_start3A_457, %dma_start3A_458] : memref<448x128xf32, #tpu.memory_space<vmem>> -> memref<32x128xf32, #tpu.memory_space<vmem>>
      %dma_start3A_460 = arith.constant 0 : i32
      %dma_start3A_461 = tpu.memref_slice %arg5[%dma_start3A_460, %multiple_of3A_456] : memref<32x1000000xf32, #tpu.memory_space<hbm>> -> memref<32x128xf32, #tpu.memory_space<hbm>>
      %dma_start3A_462 = arith.constant 288 : i32
      %dma_start3A_463 = arith.constant 0 : i32
      %dma_start3A_464 = tpu.memref_slice %arg10[%dma_start3A_462, %dma_start3A_463] : memref<448x128xf32, #tpu.memory_space<vmem>> -> memref<32x128xf32, #tpu.memory_space<vmem>>
      %dma_start3A_465 = arith.constant 0 : i32
      %dma_start3A_466 = tpu.memref_slice %arg5[%dma_start3A_465, %multiple_of3A_456] : memref<32x1000000xf32, #tpu.memory_space<hbm>> -> memref<32x128xf32, #tpu.memory_space<hbm>>
      tpu.enqueue_dma source(%dma_start3A_466 : memref<32x128xf32, #tpu.memory_space<hbm>>) target(%dma_start3A_464 : memref<32x128xf32, #tpu.memory_space<vmem>>) target_semaphore(%arg14 : memref<!tpu.dma_semaphore, #tpu.memory_space<semaphore_mem>>)
      %slice3A_467 = vector.extract_strided_slice %get3A_30 {offsets = [10], sizes = [1], strides = [1]} : vector<16xi32> to vector<1xi32>
      %squeeze3A_468 = vector.extract %slice3A_467[0] : i32 from vector<1xi32>
      %shift_right_arithmetic3A_469 = arith.constant 7 : i32
      %shift_right_arithmetic3A_470 = arith.shrsi %squeeze3A_468, %shift_right_arithmetic3A_469 : i32
      %shift_left3A_471 = arith.constant 7 : i32
      %shift_left3A_472 = arith.shli %shift_right_arithmetic3A_470, %shift_left3A_471 : i32
      %multiple_of3A_473 = tpu.assume_multiple %shift_left3A_472, 128 : i32
      %dma_start3A_474 = arith.constant 320 : i32
      %dma_start3A_475 = arith.constant 0 : i32
      %dma_start3A_476 = tpu.memref_slice %arg10[%dma_start3A_474, %dma_start3A_475] : memref<448x128xf32, #tpu.memory_space<vmem>> -> memref<32x128xf32, #tpu.memory_space<vmem>>
      %dma_start3A_477 = arith.constant 0 : i32
      %dma_start3A_478 = tpu.memref_slice %arg5[%dma_start3A_477, %multiple_of3A_473] : memref<32x1000000xf32, #tpu.memory_space<hbm>> -> memref<32x128xf32, #tpu.memory_space<hbm>>
      %dma_start3A_479 = arith.constant 320 : i32
      %dma_start3A_480 = arith.constant 0 : i32
      %dma_start3A_481 = tpu.memref_slice %arg10[%dma_start3A_479, %dma_start3A_480] : memref<448x128xf32, #tpu.memory_space<vmem>> -> memref<32x128xf32, #tpu.memory_space<vmem>>
      %dma_start3A_482 = arith.constant 0 : i32
      %dma_start3A_483 = tpu.memref_slice %arg5[%dma_start3A_482, %multiple_of3A_473] : memref<32x1000000xf32, #tpu.memory_space<hbm>> -> memref<32x128xf32, #tpu.memory_space<hbm>>
      tpu.enqueue_dma source(%dma_start3A_483 : memref<32x128xf32, #tpu.memory_space<hbm>>) target(%dma_start3A_481 : memref<32x128xf32, #tpu.memory_space<vmem>>) target_semaphore(%arg14 : memref<!tpu.dma_semaphore, #tpu.memory_space<semaphore_mem>>)
      %slice3A_484 = vector.extract_strided_slice %get3A_30 {offsets = [11], sizes = [1], strides = [1]} : vector<16xi32> to vector<1xi32>
      %squeeze3A_485 = vector.extract %slice3A_484[0] : i32 from vector<1xi32>
      %shift_right_arithmetic3A_486 = arith.constant 7 : i32
      %shift_right_arithmetic3A_487 = arith.shrsi %squeeze3A_485, %shift_right_arithmetic3A_486 : i32
      %shift_left3A_488 = arith.constant 7 : i32
      %shift_left3A_489 = arith.shli %shift_right_arithmetic3A_487, %shift_left3A_488 : i32
      %multiple_of3A_490 = tpu.assume_multiple %shift_left3A_489, 128 : i32
      %dma_start3A_491 = arith.constant 352 : i32
      %dma_start3A_492 = arith.constant 0 : i32
      %dma_start3A_493 = tpu.memref_slice %arg10[%dma_start3A_491, %dma_start3A_492] : memref<448x128xf32, #tpu.memory_space<vmem>> -> memref<32x128xf32, #tpu.memory_space<vmem>>
      %dma_start3A_494 = arith.constant 0 : i32
      %dma_start3A_495 = tpu.memref_slice %arg5[%dma_start3A_494, %multiple_of3A_490] : memref<32x1000000xf32, #tpu.memory_space<hbm>> -> memref<32x128xf32, #tpu.memory_space<hbm>>
      %dma_start3A_496 = arith.constant 352 : i32
      %dma_start3A_497 = arith.constant 0 : i32
      %dma_start3A_498 = tpu.memref_slice %arg10[%dma_start3A_496, %dma_start3A_497] : memref<448x128xf32, #tpu.memory_space<vmem>> -> memref<32x128xf32, #tpu.memory_space<vmem>>
      %dma_start3A_499 = arith.constant 0 : i32
      %dma_start3A_500 = tpu.memref_slice %arg5[%dma_start3A_499, %multiple_of3A_490] : memref<32x1000000xf32, #tpu.memory_space<hbm>> -> memref<32x128xf32, #tpu.memory_space<hbm>>
      tpu.enqueue_dma source(%dma_start3A_500 : memref<32x128xf32, #tpu.memory_space<hbm>>) target(%dma_start3A_498 : memref<32x128xf32, #tpu.memory_space<vmem>>) target_semaphore(%arg14 : memref<!tpu.dma_semaphore, #tpu.memory_space<semaphore_mem>>)
      %slice3A_501 = vector.extract_strided_slice %get3A_30 {offsets = [12], sizes = [1], strides = [1]} : vector<16xi32> to vector<1xi32>
      %squeeze3A_502 = vector.extract %slice3A_501[0] : i32 from vector<1xi32>
      %shift_right_arithmetic3A_503 = arith.constant 7 : i32
      %shift_right_arithmetic3A_504 = arith.shrsi %squeeze3A_502, %shift_right_arithmetic3A_503 : i32
      %shift_left3A_505 = arith.constant 7 : i32
      %shift_left3A_506 = arith.shli %shift_right_arithmetic3A_504, %shift_left3A_505 : i32
      %multiple_of3A_507 = tpu.assume_multiple %shift_left3A_506, 128 : i32
      %dma_start3A_508 = arith.constant 384 : i32
      %dma_start3A_509 = arith.constant 0 : i32
      %dma_start3A_510 = tpu.memref_slice %arg10[%dma_start3A_508, %dma_start3A_509] : memref<448x128xf32, #tpu.memory_space<vmem>> -> memref<32x128xf32, #tpu.memory_space<vmem>>
      %dma_start3A_511 = arith.constant 0 : i32
      %dma_start3A_512 = tpu.memref_slice %arg5[%dma_start3A_511, %multiple_of3A_507] : memref<32x1000000xf32, #tpu.memory_space<hbm>> -> memref<32x128xf32, #tpu.memory_space<hbm>>
      %dma_start3A_513 = arith.constant 384 : i32
      %dma_start3A_514 = arith.constant 0 : i32
      %dma_start3A_515 = tpu.memref_slice %arg10[%dma_start3A_513, %dma_start3A_514] : memref<448x128xf32, #tpu.memory_space<vmem>> -> memref<32x128xf32, #tpu.memory_space<vmem>>
      %dma_start3A_516 = arith.constant 0 : i32
      %dma_start3A_517 = tpu.memref_slice %arg5[%dma_start3A_516, %multiple_of3A_507] : memref<32x1000000xf32, #tpu.memory_space<hbm>> -> memref<32x128xf32, #tpu.memory_space<hbm>>
      tpu.enqueue_dma source(%dma_start3A_517 : memref<32x128xf32, #tpu.memory_space<hbm>>) target(%dma_start3A_515 : memref<32x128xf32, #tpu.memory_space<vmem>>) target_semaphore(%arg14 : memref<!tpu.dma_semaphore, #tpu.memory_space<semaphore_mem>>)
      %slice3A_518 = vector.extract_strided_slice %get3A_30 {offsets = [13], sizes = [1], strides = [1]} : vector<16xi32> to vector<1xi32>
      %squeeze3A_519 = vector.extract %slice3A_518[0] : i32 from vector<1xi32>
      %shift_right_arithmetic3A_520 = arith.constant 7 : i32
      %shift_right_arithmetic3A_521 = arith.shrsi %squeeze3A_519, %shift_right_arithmetic3A_520 : i32
      %shift_left3A_522 = arith.constant 7 : i32
      %shift_left3A_523 = arith.shli %shift_right_arithmetic3A_521, %shift_left3A_522 : i32
      %multiple_of3A_524 = tpu.assume_multiple %shift_left3A_523, 128 : i32
      %dma_start3A_525 = arith.constant 416 : i32
      %dma_start3A_526 = arith.constant 0 : i32
      %dma_start3A_527 = tpu.memref_slice %arg10[%dma_start3A_525, %dma_start3A_526] : memref<448x128xf32, #tpu.memory_space<vmem>> -> memref<32x128xf32, #tpu.memory_space<vmem>>
      %dma_start3A_528 = arith.constant 0 : i32
      %dma_start3A_529 = tpu.memref_slice %arg5[%dma_start3A_528, %multiple_of3A_524] : memref<32x1000000xf32, #tpu.memory_space<hbm>> -> memref<32x128xf32, #tpu.memory_space<hbm>>
      %dma_start3A_530 = arith.constant 416 : i32
      %dma_start3A_531 = arith.constant 0 : i32
      %dma_start3A_532 = tpu.memref_slice %arg10[%dma_start3A_530, %dma_start3A_531] : memref<448x128xf32, #tpu.memory_space<vmem>> -> memref<32x128xf32, #tpu.memory_space<vmem>>
      %dma_start3A_533 = arith.constant 0 : i32
      %dma_start3A_534 = tpu.memref_slice %arg5[%dma_start3A_533, %multiple_of3A_524] : memref<32x1000000xf32, #tpu.memory_space<hbm>> -> memref<32x128xf32, #tpu.memory_space<hbm>>
      tpu.enqueue_dma source(%dma_start3A_534 : memref<32x128xf32, #tpu.memory_space<hbm>>) target(%dma_start3A_532 : memref<32x128xf32, #tpu.memory_space<vmem>>) target_semaphore(%arg14 : memref<!tpu.dma_semaphore, #tpu.memory_space<semaphore_mem>>)
      %dma_wait3A = arith.constant 0 : i32
      %dma_wait3A_535 = arith.constant 0 : i32
      %dma_wait3A_536 = tpu.memref_slice %arg9[%dma_wait3A, %dma_wait3A_535] : memref<512x128xf32, #tpu.memory_space<vmem>> -> memref<32x128xf32, #tpu.memory_space<vmem>>
      %dma_wait3A_537 = arith.constant 0 : i32
      %dma_wait3A_538 = tpu.memref_slice %arg4[%dma_wait3A_537, %multiple_of3A] : memref<32x1000000xf32, #tpu.memory_space<hbm>> -> memref<32x128xf32, #tpu.memory_space<hbm>>
      %dma_wait3A_539 = arith.constant 0 : i32
      %dma_wait3A_540 = arith.constant 0 : i32
      %dma_wait3A_541 = tpu.memref_slice %arg9[%dma_wait3A_539, %dma_wait3A_540] : memref<512x128xf32, #tpu.memory_space<vmem>> -> memref<32x128xf32, #tpu.memory_space<vmem>>
      %dma_wait3A_542 = arith.constant 0 : i32
      %dma_wait3A_543 = tpu.memref_slice %arg4[%dma_wait3A_542, %multiple_of3A] : memref<32x1000000xf32, #tpu.memory_space<hbm>> -> memref<32x128xf32, #tpu.memory_space<hbm>>
      tpu.wait_dma2 semaphore(%arg13 : memref<!tpu.dma_semaphore, #tpu.memory_space<semaphore_mem>>) src(%dma_wait3A_543 : memref<32x128xf32, #tpu.memory_space<hbm>>) dst(%dma_wait3A_541 : memref<32x128xf32, #tpu.memory_space<vmem>>)
      %dma_wait3A_544 = arith.constant 32 : i32
      %dma_wait3A_545 = arith.constant 0 : i32
      %dma_wait3A_546 = tpu.memref_slice %arg9[%dma_wait3A_544, %dma_wait3A_545] : memref<512x128xf32, #tpu.memory_space<vmem>> -> memref<32x128xf32, #tpu.memory_space<vmem>>
      %dma_wait3A_547 = arith.constant 0 : i32
      %dma_wait3A_548 = tpu.memref_slice %arg4[%dma_wait3A_547, %multiple_of3A_48] : memref<32x1000000xf32, #tpu.memory_space<hbm>> -> memref<32x128xf32, #tpu.memory_space<hbm>>
      %dma_wait3A_549 = arith.constant 32 : i32
      %dma_wait3A_550 = arith.constant 0 : i32
      %dma_wait3A_551 = tpu.memref_slice %arg9[%dma_wait3A_549, %dma_wait3A_550] : memref<512x128xf32, #tpu.memory_space<vmem>> -> memref<32x128xf32, #tpu.memory_space<vmem>>
      %dma_wait3A_552 = arith.constant 0 : i32
      %dma_wait3A_553 = tpu.memref_slice %arg4[%dma_wait3A_552, %multiple_of3A_48] : memref<32x1000000xf32, #tpu.memory_space<hbm>> -> memref<32x128xf32, #tpu.memory_space<hbm>>
      tpu.wait_dma2 semaphore(%arg13 : memref<!tpu.dma_semaphore, #tpu.memory_space<semaphore_mem>>) src(%dma_wait3A_553 : memref<32x128xf32, #tpu.memory_space<hbm>>) dst(%dma_wait3A_551 : memref<32x128xf32, #tpu.memory_space<vmem>>)
      %dma_wait3A_554 = arith.constant 64 : i32
      %dma_wait3A_555 = arith.constant 0 : i32
      %dma_wait3A_556 = tpu.memref_slice %arg9[%dma_wait3A_554, %dma_wait3A_555] : memref<512x128xf32, #tpu.memory_space<vmem>> -> memref<32x128xf32, #tpu.memory_space<vmem>>
      %dma_wait3A_557 = arith.constant 0 : i32
      %dma_wait3A_558 = tpu.memref_slice %arg4[%dma_wait3A_557, %multiple_of3A_65] : memref<32x1000000xf32, #tpu.memory_space<hbm>> -> memref<32x128xf32, #tpu.memory_space<hbm>>
      %dma_wait3A_559 = arith.constant 64 : i32
      %dma_wait3A_560 = arith.constant 0 : i32
      %dma_wait3A_561 = tpu.memref_slice %arg9[%dma_wait3A_559, %dma_wait3A_560] : memref<512x128xf32, #tpu.memory_space<vmem>> -> memref<32x128xf32, #tpu.memory_space<vmem>>
      %dma_wait3A_562 = arith.constant 0 : i32
      %dma_wait3A_563 = tpu.memref_slice %arg4[%dma_wait3A_562, %multiple_of3A_65] : memref<32x1000000xf32, #tpu.memory_space<hbm>> -> memref<32x128xf32, #tpu.memory_space<hbm>>
      tpu.wait_dma2 semaphore(%arg13 : memref<!tpu.dma_semaphore, #tpu.memory_space<semaphore_mem>>) src(%dma_wait3A_563 : memref<32x128xf32, #tpu.memory_space<hbm>>) dst(%dma_wait3A_561 : memref<32x128xf32, #tpu.memory_space<vmem>>)
      %dma_wait3A_564 = arith.constant 96 : i32
      %dma_wait3A_565 = arith.constant 0 : i32
      %dma_wait3A_566 = tpu.memref_slice %arg9[%dma_wait3A_564, %dma_wait3A_565] : memref<512x128xf32, #tpu.memory_space<vmem>> -> memref<32x128xf32, #tpu.memory_space<vmem>>
      %dma_wait3A_567 = arith.constant 0 : i32
      %dma_wait3A_568 = tpu.memref_slice %arg4[%dma_wait3A_567, %multiple_of3A_82] : memref<32x1000000xf32, #tpu.memory_space<hbm>> -> memref<32x128xf32, #tpu.memory_space<hbm>>
      %dma_wait3A_569 = arith.constant 96 : i32
      %dma_wait3A_570 = arith.constant 0 : i32
      %dma_wait3A_571 = tpu.memref_slice %arg9[%dma_wait3A_569, %dma_wait3A_570] : memref<512x128xf32, #tpu.memory_space<vmem>> -> memref<32x128xf32, #tpu.memory_space<vmem>>
      %dma_wait3A_572 = arith.constant 0 : i32
      %dma_wait3A_573 = tpu.memref_slice %arg4[%dma_wait3A_572, %multiple_of3A_82] : memref<32x1000000xf32, #tpu.memory_space<hbm>> -> memref<32x128xf32, #tpu.memory_space<hbm>>
      tpu.wait_dma2 semaphore(%arg13 : memref<!tpu.dma_semaphore, #tpu.memory_space<semaphore_mem>>) src(%dma_wait3A_573 : memref<32x128xf32, #tpu.memory_space<hbm>>) dst(%dma_wait3A_571 : memref<32x128xf32, #tpu.memory_space<vmem>>)
      %dma_wait3A_574 = arith.constant 128 : i32
      %dma_wait3A_575 = arith.constant 0 : i32
      %dma_wait3A_576 = tpu.memref_slice %arg9[%dma_wait3A_574, %dma_wait3A_575] : memref<512x128xf32, #tpu.memory_space<vmem>> -> memref<32x128xf32, #tpu.memory_space<vmem>>
      %dma_wait3A_577 = arith.constant 0 : i32
      %dma_wait3A_578 = tpu.memref_slice %arg4[%dma_wait3A_577, %multiple_of3A_99] : memref<32x1000000xf32, #tpu.memory_space<hbm>> -> memref<32x128xf32, #tpu.memory_space<hbm>>
      %dma_wait3A_579 = arith.constant 128 : i32
      %dma_wait3A_580 = arith.constant 0 : i32
      %dma_wait3A_581 = tpu.memref_slice %arg9[%dma_wait3A_579, %dma_wait3A_580] : memref<512x128xf32, #tpu.memory_space<vmem>> -> memref<32x128xf32, #tpu.memory_space<vmem>>
      %dma_wait3A_582 = arith.constant 0 : i32
      %dma_wait3A_583 = tpu.memref_slice %arg4[%dma_wait3A_582, %multiple_of3A_99] : memref<32x1000000xf32, #tpu.memory_space<hbm>> -> memref<32x128xf32, #tpu.memory_space<hbm>>
      tpu.wait_dma2 semaphore(%arg13 : memref<!tpu.dma_semaphore, #tpu.memory_space<semaphore_mem>>) src(%dma_wait3A_583 : memref<32x128xf32, #tpu.memory_space<hbm>>) dst(%dma_wait3A_581 : memref<32x128xf32, #tpu.memory_space<vmem>>)
      %dma_wait3A_584 = arith.constant 160 : i32
      %dma_wait3A_585 = arith.constant 0 : i32
      %dma_wait3A_586 = tpu.memref_slice %arg9[%dma_wait3A_584, %dma_wait3A_585] : memref<512x128xf32, #tpu.memory_space<vmem>> -> memref<32x128xf32, #tpu.memory_space<vmem>>
      %dma_wait3A_587 = arith.constant 0 : i32
      %dma_wait3A_588 = tpu.memref_slice %arg4[%dma_wait3A_587, %multiple_of3A_116] : memref<32x1000000xf32, #tpu.memory_space<hbm>> -> memref<32x128xf32, #tpu.memory_space<hbm>>
      %dma_wait3A_589 = arith.constant 160 : i32
      %dma_wait3A_590 = arith.constant 0 : i32
      %dma_wait3A_591 = tpu.memref_slice %arg9[%dma_wait3A_589, %dma_wait3A_590] : memref<512x128xf32, #tpu.memory_space<vmem>> -> memref<32x128xf32, #tpu.memory_space<vmem>>
      %dma_wait3A_592 = arith.constant 0 : i32
      %dma_wait3A_593 = tpu.memref_slice %arg4[%dma_wait3A_592, %multiple_of3A_116] : memref<32x1000000xf32, #tpu.memory_space<hbm>> -> memref<32x128xf32, #tpu.memory_space<hbm>>
      tpu.wait_dma2 semaphore(%arg13 : memref<!tpu.dma_semaphore, #tpu.memory_space<semaphore_mem>>) src(%dma_wait3A_593 : memref<32x128xf32, #tpu.memory_space<hbm>>) dst(%dma_wait3A_591 : memref<32x128xf32, #tpu.memory_space<vmem>>)
      %dma_wait3A_594 = arith.constant 192 : i32
      %dma_wait3A_595 = arith.constant 0 : i32
      %dma_wait3A_596 = tpu.memref_slice %arg9[%dma_wait3A_594, %dma_wait3A_595] : memref<512x128xf32, #tpu.memory_space<vmem>> -> memref<32x128xf32, #tpu.memory_space<vmem>>
      %dma_wait3A_597 = arith.constant 0 : i32
      %dma_wait3A_598 = tpu.memref_slice %arg4[%dma_wait3A_597, %multiple_of3A_133] : memref<32x1000000xf32, #tpu.memory_space<hbm>> -> memref<32x128xf32, #tpu.memory_space<hbm>>
      %dma_wait3A_599 = arith.constant 192 : i32
      %dma_wait3A_600 = arith.constant 0 : i32
      %dma_wait3A_601 = tpu.memref_slice %arg9[%dma_wait3A_599, %dma_wait3A_600] : memref<512x128xf32, #tpu.memory_space<vmem>> -> memref<32x128xf32, #tpu.memory_space<vmem>>
      %dma_wait3A_602 = arith.constant 0 : i32
      %dma_wait3A_603 = tpu.memref_slice %arg4[%dma_wait3A_602, %multiple_of3A_133] : memref<32x1000000xf32, #tpu.memory_space<hbm>> -> memref<32x128xf32, #tpu.memory_space<hbm>>
      tpu.wait_dma2 semaphore(%arg13 : memref<!tpu.dma_semaphore, #tpu.memory_space<semaphore_mem>>) src(%dma_wait3A_603 : memref<32x128xf32, #tpu.memory_space<hbm>>) dst(%dma_wait3A_601 : memref<32x128xf32, #tpu.memory_space<vmem>>)
      %dma_wait3A_604 = arith.constant 224 : i32
      %dma_wait3A_605 = arith.constant 0 : i32
      %dma_wait3A_606 = tpu.memref_slice %arg9[%dma_wait3A_604, %dma_wait3A_605] : memref<512x128xf32, #tpu.memory_space<vmem>> -> memref<32x128xf32, #tpu.memory_space<vmem>>
      %dma_wait3A_607 = arith.constant 0 : i32
      %dma_wait3A_608 = tpu.memref_slice %arg4[%dma_wait3A_607, %multiple_of3A_150] : memref<32x1000000xf32, #tpu.memory_space<hbm>> -> memref<32x128xf32, #tpu.memory_space<hbm>>
      %dma_wait3A_609 = arith.constant 224 : i32
      %dma_wait3A_610 = arith.constant 0 : i32
      %dma_wait3A_611 = tpu.memref_slice %arg9[%dma_wait3A_609, %dma_wait3A_610] : memref<512x128xf32, #tpu.memory_space<vmem>> -> memref<32x128xf32, #tpu.memory_space<vmem>>
      %dma_wait3A_612 = arith.constant 0 : i32
      %dma_wait3A_613 = tpu.memref_slice %arg4[%dma_wait3A_612, %multiple_of3A_150] : memref<32x1000000xf32, #tpu.memory_space<hbm>> -> memref<32x128xf32, #tpu.memory_space<hbm>>
      tpu.wait_dma2 semaphore(%arg13 : memref<!tpu.dma_semaphore, #tpu.memory_space<semaphore_mem>>) src(%dma_wait3A_613 : memref<32x128xf32, #tpu.memory_space<hbm>>) dst(%dma_wait3A_611 : memref<32x128xf32, #tpu.memory_space<vmem>>)
      %dma_wait3A_614 = arith.constant 256 : i32
      %dma_wait3A_615 = arith.constant 0 : i32
      %dma_wait3A_616 = tpu.memref_slice %arg9[%dma_wait3A_614, %dma_wait3A_615] : memref<512x128xf32, #tpu.memory_space<vmem>> -> memref<32x128xf32, #tpu.memory_space<vmem>>
      %dma_wait3A_617 = arith.constant 0 : i32
      %dma_wait3A_618 = tpu.memref_slice %arg4[%dma_wait3A_617, %multiple_of3A_167] : memref<32x1000000xf32, #tpu.memory_space<hbm>> -> memref<32x128xf32, #tpu.memory_space<hbm>>
      %dma_wait3A_619 = arith.constant 256 : i32
      %dma_wait3A_620 = arith.constant 0 : i32
      %dma_wait3A_621 = tpu.memref_slice %arg9[%dma_wait3A_619, %dma_wait3A_620] : memref<512x128xf32, #tpu.memory_space<vmem>> -> memref<32x128xf32, #tpu.memory_space<vmem>>
      %dma_wait3A_622 = arith.constant 0 : i32
      %dma_wait3A_623 = tpu.memref_slice %arg4[%dma_wait3A_622, %multiple_of3A_167] : memref<32x1000000xf32, #tpu.memory_space<hbm>> -> memref<32x128xf32, #tpu.memory_space<hbm>>
      tpu.wait_dma2 semaphore(%arg13 : memref<!tpu.dma_semaphore, #tpu.memory_space<semaphore_mem>>) src(%dma_wait3A_623 : memref<32x128xf32, #tpu.memory_space<hbm>>) dst(%dma_wait3A_621 : memref<32x128xf32, #tpu.memory_space<vmem>>)
      %dma_wait3A_624 = arith.constant 288 : i32
      %dma_wait3A_625 = arith.constant 0 : i32
      %dma_wait3A_626 = tpu.memref_slice %arg9[%dma_wait3A_624, %dma_wait3A_625] : memref<512x128xf32, #tpu.memory_space<vmem>> -> memref<32x128xf32, #tpu.memory_space<vmem>>
      %dma_wait3A_627 = arith.constant 0 : i32
      %dma_wait3A_628 = tpu.memref_slice %arg4[%dma_wait3A_627, %multiple_of3A_184] : memref<32x1000000xf32, #tpu.memory_space<hbm>> -> memref<32x128xf32, #tpu.memory_space<hbm>>
      %dma_wait3A_629 = arith.constant 288 : i32
      %dma_wait3A_630 = arith.constant 0 : i32
      %dma_wait3A_631 = tpu.memref_slice %arg9[%dma_wait3A_629, %dma_wait3A_630] : memref<512x128xf32, #tpu.memory_space<vmem>> -> memref<32x128xf32, #tpu.memory_space<vmem>>
      %dma_wait3A_632 = arith.constant 0 : i32
      %dma_wait3A_633 = tpu.memref_slice %arg4[%dma_wait3A_632, %multiple_of3A_184] : memref<32x1000000xf32, #tpu.memory_space<hbm>> -> memref<32x128xf32, #tpu.memory_space<hbm>>
      tpu.wait_dma2 semaphore(%arg13 : memref<!tpu.dma_semaphore, #tpu.memory_space<semaphore_mem>>) src(%dma_wait3A_633 : memref<32x128xf32, #tpu.memory_space<hbm>>) dst(%dma_wait3A_631 : memref<32x128xf32, #tpu.memory_space<vmem>>)
      %dma_wait3A_634 = arith.constant 320 : i32
      %dma_wait3A_635 = arith.constant 0 : i32
      %dma_wait3A_636 = tpu.memref_slice %arg9[%dma_wait3A_634, %dma_wait3A_635] : memref<512x128xf32, #tpu.memory_space<vmem>> -> memref<32x128xf32, #tpu.memory_space<vmem>>
      %dma_wait3A_637 = arith.constant 0 : i32
      %dma_wait3A_638 = tpu.memref_slice %arg4[%dma_wait3A_637, %multiple_of3A_201] : memref<32x1000000xf32, #tpu.memory_space<hbm>> -> memref<32x128xf32, #tpu.memory_space<hbm>>
      %dma_wait3A_639 = arith.constant 320 : i32
      %dma_wait3A_640 = arith.constant 0 : i32
      %dma_wait3A_641 = tpu.memref_slice %arg9[%dma_wait3A_639, %dma_wait3A_640] : memref<512x128xf32, #tpu.memory_space<vmem>> -> memref<32x128xf32, #tpu.memory_space<vmem>>
      %dma_wait3A_642 = arith.constant 0 : i32
      %dma_wait3A_643 = tpu.memref_slice %arg4[%dma_wait3A_642, %multiple_of3A_201] : memref<32x1000000xf32, #tpu.memory_space<hbm>> -> memref<32x128xf32, #tpu.memory_space<hbm>>
      tpu.wait_dma2 semaphore(%arg13 : memref<!tpu.dma_semaphore, #tpu.memory_space<semaphore_mem>>) src(%dma_wait3A_643 : memref<32x128xf32, #tpu.memory_space<hbm>>) dst(%dma_wait3A_641 : memref<32x128xf32, #tpu.memory_space<vmem>>)
      %dma_wait3A_644 = arith.constant 352 : i32
      %dma_wait3A_645 = arith.constant 0 : i32
      %dma_wait3A_646 = tpu.memref_slice %arg9[%dma_wait3A_644, %dma_wait3A_645] : memref<512x128xf32, #tpu.memory_space<vmem>> -> memref<32x128xf32, #tpu.memory_space<vmem>>
      %dma_wait3A_647 = arith.constant 0 : i32
      %dma_wait3A_648 = tpu.memref_slice %arg4[%dma_wait3A_647, %multiple_of3A_218] : memref<32x1000000xf32, #tpu.memory_space<hbm>> -> memref<32x128xf32, #tpu.memory_space<hbm>>
      %dma_wait3A_649 = arith.constant 352 : i32
      %dma_wait3A_650 = arith.constant 0 : i32
      %dma_wait3A_651 = tpu.memref_slice %arg9[%dma_wait3A_649, %dma_wait3A_650] : memref<512x128xf32, #tpu.memory_space<vmem>> -> memref<32x128xf32, #tpu.memory_space<vmem>>
      %dma_wait3A_652 = arith.constant 0 : i32
      %dma_wait3A_653 = tpu.memref_slice %arg4[%dma_wait3A_652, %multiple_of3A_218] : memref<32x1000000xf32, #tpu.memory_space<hbm>> -> memref<32x128xf32, #tpu.memory_space<hbm>>
      tpu.wait_dma2 semaphore(%arg13 : memref<!tpu.dma_semaphore, #tpu.memory_space<semaphore_mem>>) src(%dma_wait3A_653 : memref<32x128xf32, #tpu.memory_space<hbm>>) dst(%dma_wait3A_651 : memref<32x128xf32, #tpu.memory_space<vmem>>)
      %dma_wait3A_654 = arith.constant 384 : i32
      %dma_wait3A_655 = arith.constant 0 : i32
      %dma_wait3A_656 = tpu.memref_slice %arg9[%dma_wait3A_654, %dma_wait3A_655] : memref<512x128xf32, #tpu.memory_space<vmem>> -> memref<32x128xf32, #tpu.memory_space<vmem>>
      %dma_wait3A_657 = arith.constant 0 : i32
      %dma_wait3A_658 = tpu.memref_slice %arg4[%dma_wait3A_657, %multiple_of3A_235] : memref<32x1000000xf32, #tpu.memory_space<hbm>> -> memref<32x128xf32, #tpu.memory_space<hbm>>
      %dma_wait3A_659 = arith.constant 384 : i32
      %dma_wait3A_660 = arith.constant 0 : i32
      %dma_wait3A_661 = tpu.memref_slice %arg9[%dma_wait3A_659, %dma_wait3A_660] : memref<512x128xf32, #tpu.memory_space<vmem>> -> memref<32x128xf32, #tpu.memory_space<vmem>>
      %dma_wait3A_662 = arith.constant 0 : i32
      %dma_wait3A_663 = tpu.memref_slice %arg4[%dma_wait3A_662, %multiple_of3A_235] : memref<32x1000000xf32, #tpu.memory_space<hbm>> -> memref<32x128xf32, #tpu.memory_space<hbm>>
      tpu.wait_dma2 semaphore(%arg13 : memref<!tpu.dma_semaphore, #tpu.memory_space<semaphore_mem>>) src(%dma_wait3A_663 : memref<32x128xf32, #tpu.memory_space<hbm>>) dst(%dma_wait3A_661 : memref<32x128xf32, #tpu.memory_space<vmem>>)
      %dma_wait3A_664 = arith.constant 416 : i32
      %dma_wait3A_665 = arith.constant 0 : i32
      %dma_wait3A_666 = tpu.memref_slice %arg9[%dma_wait3A_664, %dma_wait3A_665] : memref<512x128xf32, #tpu.memory_space<vmem>> -> memref<32x128xf32, #tpu.memory_space<vmem>>
      %dma_wait3A_667 = arith.constant 0 : i32
      %dma_wait3A_668 = tpu.memref_slice %arg4[%dma_wait3A_667, %multiple_of3A_252] : memref<32x1000000xf32, #tpu.memory_space<hbm>> -> memref<32x128xf32, #tpu.memory_space<hbm>>
      %dma_wait3A_669 = arith.constant 416 : i32
      %dma_wait3A_670 = arith.constant 0 : i32
      %dma_wait3A_671 = tpu.memref_slice %arg9[%dma_wait3A_669, %dma_wait3A_670] : memref<512x128xf32, #tpu.memory_space<vmem>> -> memref<32x128xf32, #tpu.memory_space<vmem>>
      %dma_wait3A_672 = arith.constant 0 : i32
      %dma_wait3A_673 = tpu.memref_slice %arg4[%dma_wait3A_672, %multiple_of3A_252] : memref<32x1000000xf32, #tpu.memory_space<hbm>> -> memref<32x128xf32, #tpu.memory_space<hbm>>
      tpu.wait_dma2 semaphore(%arg13 : memref<!tpu.dma_semaphore, #tpu.memory_space<semaphore_mem>>) src(%dma_wait3A_673 : memref<32x128xf32, #tpu.memory_space<hbm>>) dst(%dma_wait3A_671 : memref<32x128xf32, #tpu.memory_space<vmem>>)
      %dma_wait3A_674 = arith.constant 448 : i32
      %dma_wait3A_675 = arith.constant 0 : i32
      %dma_wait3A_676 = tpu.memref_slice %arg9[%dma_wait3A_674, %dma_wait3A_675] : memref<512x128xf32, #tpu.memory_space<vmem>> -> memref<32x128xf32, #tpu.memory_space<vmem>>
      %dma_wait3A_677 = arith.constant 0 : i32
      %dma_wait3A_678 = tpu.memref_slice %arg4[%dma_wait3A_677, %multiple_of3A_269] : memref<32x1000000xf32, #tpu.memory_space<hbm>> -> memref<32x128xf32, #tpu.memory_space<hbm>>
      %dma_wait3A_679 = arith.constant 448 : i32
      %dma_wait3A_680 = arith.constant 0 : i32
      %dma_wait3A_681 = tpu.memref_slice %arg9[%dma_wait3A_679, %dma_wait3A_680] : memref<512x128xf32, #tpu.memory_space<vmem>> -> memref<32x128xf32, #tpu.memory_space<vmem>>
      %dma_wait3A_682 = arith.constant 0 : i32
      %dma_wait3A_683 = tpu.memref_slice %arg4[%dma_wait3A_682, %multiple_of3A_269] : memref<32x1000000xf32, #tpu.memory_space<hbm>> -> memref<32x128xf32, #tpu.memory_space<hbm>>
      tpu.wait_dma2 semaphore(%arg13 : memref<!tpu.dma_semaphore, #tpu.memory_space<semaphore_mem>>) src(%dma_wait3A_683 : memref<32x128xf32, #tpu.memory_space<hbm>>) dst(%dma_wait3A_681 : memref<32x128xf32, #tpu.memory_space<vmem>>)
      %dma_wait3A_684 = arith.constant 480 : i32
      %dma_wait3A_685 = arith.constant 0 : i32
      %dma_wait3A_686 = tpu.memref_slice %arg9[%dma_wait3A_684, %dma_wait3A_685] : memref<512x128xf32, #tpu.memory_space<vmem>> -> memref<32x128xf32, #tpu.memory_space<vmem>>
      %dma_wait3A_687 = arith.constant 0 : i32
      %dma_wait3A_688 = tpu.memref_slice %arg4[%dma_wait3A_687, %multiple_of3A_286] : memref<32x1000000xf32, #tpu.memory_space<hbm>> -> memref<32x128xf32, #tpu.memory_space<hbm>>
      %dma_wait3A_689 = arith.constant 480 : i32
      %dma_wait3A_690 = arith.constant 0 : i32
      %dma_wait3A_691 = tpu.memref_slice %arg9[%dma_wait3A_689, %dma_wait3A_690] : memref<512x128xf32, #tpu.memory_space<vmem>> -> memref<32x128xf32, #tpu.memory_space<vmem>>
      %dma_wait3A_692 = arith.constant 0 : i32
      %dma_wait3A_693 = tpu.memref_slice %arg4[%dma_wait3A_692, %multiple_of3A_286] : memref<32x1000000xf32, #tpu.memory_space<hbm>> -> memref<32x128xf32, #tpu.memory_space<hbm>>
      tpu.wait_dma2 semaphore(%arg13 : memref<!tpu.dma_semaphore, #tpu.memory_space<semaphore_mem>>) src(%dma_wait3A_693 : memref<32x128xf32, #tpu.memory_space<hbm>>) dst(%dma_wait3A_691 : memref<32x128xf32, #tpu.memory_space<vmem>>)
      %and3A = arith.constant 127 : i32
      %and3A_694 = vector.broadcast %and3A : i32 to vector<16xi32>
      %and3A_695 = arith.andi %get3A_28, %and3A_694 : vector<16xi32>
      %add3A_696 = arith.constant 0 : i32
      %add3A_697 = vector.broadcast %add3A_696 : i32 to vector<16xi32>
      %add3A_698 = arith.addi %mul3A_5, %add3A_697 : vector<16xi32>
      %gather3A = tpu.vector_load_idx %arg9[%add3A_698, %and3A_695] : memref<512x128xf32, #tpu.memory_space<vmem>>[vector<16xi32>, vector<16xi32>], vector<16xf32>,
      %swap3A = arith.constant 0 : i32
      %swap3A_699 = arith.index_cast %swap3A : i32 to index
      %swap3A_700 = arith.constant 0 : index
      %swap3A_701 = tpu.vector_load %arg11[%swap3A_699, %swap3A_700] {strides = array<i32>} : memref<32x16xf32, #tpu.memory_space<vmem>>, vector<16xf32>,
      tpu.vector_store %arg11[%swap3A_699, %swap3A_700], %gather3A {strides = array<i32>} : memref<32x16xf32, #tpu.memory_space<vmem>>, vector<16xf32>,
      %add3A_702 = arith.constant 1 : i32
      %add3A_703 = vector.broadcast %add3A_702 : i32 to vector<16xi32>
      %add3A_704 = arith.addi %mul3A_5, %add3A_703 : vector<16xi32>
      %gather3A_705 = tpu.vector_load_idx %arg9[%add3A_704, %and3A_695] : memref<512x128xf32, #tpu.memory_space<vmem>>[vector<16xi32>, vector<16xi32>], vector<16xf32>,
      %swap3A_706 = arith.constant 1 : i32
      %swap3A_707 = arith.index_cast %swap3A_706 : i32 to index
      %swap3A_708 = arith.constant 0 : index
      %swap3A_709 = tpu.vector_load %arg11[%swap3A_707, %swap3A_708] {strides = array<i32>} : memref<32x16xf32, #tpu.memory_space<vmem>>, vector<16xf32>,
      tpu.vector_store %arg11[%swap3A_707, %swap3A_708], %gather3A_705 {strides = array<i32>} : memref<32x16xf32, #tpu.memory_space<vmem>>, vector<16xf32>,
      %add3A_710 = arith.constant 2 : i32
      %add3A_711 = vector.broadcast %add3A_710 : i32 to vector<16xi32>
      %add3A_712 = arith.addi %mul3A_5, %add3A_711 : vector<16xi32>
      %gather3A_713 = tpu.vector_load_idx %arg9[%add3A_712, %and3A_695] : memref<512x128xf32, #tpu.memory_space<vmem>>[vector<16xi32>, vector<16xi32>], vector<16xf32>,
      %swap3A_714 = arith.constant 2 : i32
      %swap3A_715 = arith.index_cast %swap3A_714 : i32 to index
      %swap3A_716 = arith.constant 0 : index
      %swap3A_717 = tpu.vector_load %arg11[%swap3A_715, %swap3A_716] {strides = array<i32>} : memref<32x16xf32, #tpu.memory_space<vmem>>, vector<16xf32>,
      tpu.vector_store %arg11[%swap3A_715, %swap3A_716], %gather3A_713 {strides = array<i32>} : memref<32x16xf32, #tpu.memory_space<vmem>>, vector<16xf32>,
      %add3A_718 = arith.constant 3 : i32
      %add3A_719 = vector.broadcast %add3A_718 : i32 to vector<16xi32>
      %add3A_720 = arith.addi %mul3A_5, %add3A_719 : vector<16xi32>
      %gather3A_721 = tpu.vector_load_idx %arg9[%add3A_720, %and3A_695] : memref<512x128xf32, #tpu.memory_space<vmem>>[vector<16xi32>, vector<16xi32>], vector<16xf32>,
      %swap3A_722 = arith.constant 3 : i32
      %swap3A_723 = arith.index_cast %swap3A_722 : i32 to index
      %swap3A_724 = arith.constant 0 : index
      %swap3A_725 = tpu.vector_load %arg11[%swap3A_723, %swap3A_724] {strides = array<i32>} : memref<32x16xf32, #tpu.memory_space<vmem>>, vector<16xf32>,
      tpu.vector_store %arg11[%swap3A_723, %swap3A_724], %gather3A_721 {strides = array<i32>} : memref<32x16xf32, #tpu.memory_space<vmem>>, vector<16xf32>,
      %add3A_726 = arith.constant 4 : i32
      %add3A_727 = vector.broadcast %add3A_726 : i32 to vector<16xi32>
      %add3A_728 = arith.addi %mul3A_5, %add3A_727 : vector<16xi32>
      %gather3A_729 = tpu.vector_load_idx %arg9[%add3A_728, %and3A_695] : memref<512x128xf32, #tpu.memory_space<vmem>>[vector<16xi32>, vector<16xi32>], vector<16xf32>,
      %swap3A_730 = arith.constant 4 : i32
      %swap3A_731 = arith.index_cast %swap3A_730 : i32 to index
      %swap3A_732 = arith.constant 0 : index
      %swap3A_733 = tpu.vector_load %arg11[%swap3A_731, %swap3A_732] {strides = array<i32>} : memref<32x16xf32, #tpu.memory_space<vmem>>, vector<16xf32>,
      tpu.vector_store %arg11[%swap3A_731, %swap3A_732], %gather3A_729 {strides = array<i32>} : memref<32x16xf32, #tpu.memory_space<vmem>>, vector<16xf32>,
      %add3A_734 = arith.constant 5 : i32
      %add3A_735 = vector.broadcast %add3A_734 : i32 to vector<16xi32>
      %add3A_736 = arith.addi %mul3A_5, %add3A_735 : vector<16xi32>
      %gather3A_737 = tpu.vector_load_idx %arg9[%add3A_736, %and3A_695] : memref<512x128xf32, #tpu.memory_space<vmem>>[vector<16xi32>, vector<16xi32>], vector<16xf32>,
      %swap3A_738 = arith.constant 5 : i32
      %swap3A_739 = arith.index_cast %swap3A_738 : i32 to index
      %swap3A_740 = arith.constant 0 : index
      %swap3A_741 = tpu.vector_load %arg11[%swap3A_739, %swap3A_740] {strides = array<i32>} : memref<32x16xf32, #tpu.memory_space<vmem>>, vector<16xf32>,
      tpu.vector_store %arg11[%swap3A_739, %swap3A_740], %gather3A_737 {strides = array<i32>} : memref<32x16xf32, #tpu.memory_space<vmem>>, vector<16xf32>,
      %add3A_742 = arith.constant 6 : i32
      %add3A_743 = vector.broadcast %add3A_742 : i32 to vector<16xi32>
      %add3A_744 = arith.addi %mul3A_5, %add3A_743 : vector<16xi32>
      %gather3A_745 = tpu.vector_load_idx %arg9[%add3A_744, %and3A_695] : memref<512x128xf32, #tpu.memory_space<vmem>>[vector<16xi32>, vector<16xi32>], vector<16xf32>,
      %swap3A_746 = arith.constant 6 : i32
      %swap3A_747 = arith.index_cast %swap3A_746 : i32 to index
      %swap3A_748 = arith.constant 0 : index
      %swap3A_749 = tpu.vector_load %arg11[%swap3A_747, %swap3A_748] {strides = array<i32>} : memref<32x16xf32, #tpu.memory_space<vmem>>, vector<16xf32>,
      tpu.vector_store %arg11[%swap3A_747, %swap3A_748], %gather3A_745 {strides = array<i32>} : memref<32x16xf32, #tpu.memory_space<vmem>>, vector<16xf32>,
      %add3A_750 = arith.constant 7 : i32
      %add3A_751 = vector.broadcast %add3A_750 : i32 to vector<16xi32>
      %add3A_752 = arith.addi %mul3A_5, %add3A_751 : vector<16xi32>
      %gather3A_753 = tpu.vector_load_idx %arg9[%add3A_752, %and3A_695] : memref<512x128xf32, #tpu.memory_space<vmem>>[vector<16xi32>, vector<16xi32>], vector<16xf32>,
      %swap3A_754 = arith.constant 7 : i32
      %swap3A_755 = arith.index_cast %swap3A_754 : i32 to index
      %swap3A_756 = arith.constant 0 : index
      %swap3A_757 = tpu.vector_load %arg11[%swap3A_755, %swap3A_756] {strides = array<i32>} : memref<32x16xf32, #tpu.memory_space<vmem>>, vector<16xf32>,
      tpu.vector_store %arg11[%swap3A_755, %swap3A_756], %gather3A_753 {strides = array<i32>} : memref<32x16xf32, #tpu.memory_space<vmem>>, vector<16xf32>,
      %add3A_758 = arith.constant 8 : i32
      %add3A_759 = vector.broadcast %add3A_758 : i32 to vector<16xi32>
      %add3A_760 = arith.addi %mul3A_5, %add3A_759 : vector<16xi32>
      %gather3A_761 = tpu.vector_load_idx %arg9[%add3A_760, %and3A_695] : memref<512x128xf32, #tpu.memory_space<vmem>>[vector<16xi32>, vector<16xi32>], vector<16xf32>,
      %swap3A_762 = arith.constant 8 : i32
      %swap3A_763 = arith.index_cast %swap3A_762 : i32 to index
      %swap3A_764 = arith.constant 0 : index
      %swap3A_765 = tpu.vector_load %arg11[%swap3A_763, %swap3A_764] {strides = array<i32>} : memref<32x16xf32, #tpu.memory_space<vmem>>, vector<16xf32>,
      tpu.vector_store %arg11[%swap3A_763, %swap3A_764], %gather3A_761 {strides = array<i32>} : memref<32x16xf32, #tpu.memory_space<vmem>>, vector<16xf32>,
      %add3A_766 = arith.constant 9 : i32
      %add3A_767 = vector.broadcast %add3A_766 : i32 to vector<16xi32>
      %add3A_768 = arith.addi %mul3A_5, %add3A_767 : vector<16xi32>
      %gather3A_769 = tpu.vector_load_idx %arg9[%add3A_768, %and3A_695] : memref<512x128xf32, #tpu.memory_space<vmem>>[vector<16xi32>, vector<16xi32>], vector<16xf32>,
      %swap3A_770 = arith.constant 9 : i32
      %swap3A_771 = arith.index_cast %swap3A_770 : i32 to index
      %swap3A_772 = arith.constant 0 : index
      %swap3A_773 = tpu.vector_load %arg11[%swap3A_771, %swap3A_772] {strides = array<i32>} : memref<32x16xf32, #tpu.memory_space<vmem>>, vector<16xf32>,
      tpu.vector_store %arg11[%swap3A_771, %swap3A_772], %gather3A_769 {strides = array<i32>} : memref<32x16xf32, #tpu.memory_space<vmem>>, vector<16xf32>,
      %add3A_774 = arith.constant 10 : i32
      %add3A_775 = vector.broadcast %add3A_774 : i32 to vector<16xi32>
      %add3A_776 = arith.addi %mul3A_5, %add3A_775 : vector<16xi32>
      %gather3A_777 = tpu.vector_load_idx %arg9[%add3A_776, %and3A_695] : memref<512x128xf32, #tpu.memory_space<vmem>>[vector<16xi32>, vector<16xi32>], vector<16xf32>,
      %swap3A_778 = arith.constant 10 : i32
      %swap3A_779 = arith.index_cast %swap3A_778 : i32 to index
      %swap3A_780 = arith.constant 0 : index
      %swap3A_781 = tpu.vector_load %arg11[%swap3A_779, %swap3A_780] {strides = array<i32>} : memref<32x16xf32, #tpu.memory_space<vmem>>, vector<16xf32>,
      tpu.vector_store %arg11[%swap3A_779, %swap3A_780], %gather3A_777 {strides = array<i32>} : memref<32x16xf32, #tpu.memory_space<vmem>>, vector<16xf32>,
      %add3A_782 = arith.constant 11 : i32
      %add3A_783 = vector.broadcast %add3A_782 : i32 to vector<16xi32>
      %add3A_784 = arith.addi %mul3A_5, %add3A_783 : vector<16xi32>
      %gather3A_785 = tpu.vector_load_idx %arg9[%add3A_784, %and3A_695] : memref<512x128xf32, #tpu.memory_space<vmem>>[vector<16xi32>, vector<16xi32>], vector<16xf32>,
      %swap3A_786 = arith.constant 11 : i32
      %swap3A_787 = arith.index_cast %swap3A_786 : i32 to index
      %swap3A_788 = arith.constant 0 : index
      %swap3A_789 = tpu.vector_load %arg11[%swap3A_787, %swap3A_788] {strides = array<i32>} : memref<32x16xf32, #tpu.memory_space<vmem>>, vector<16xf32>,
      tpu.vector_store %arg11[%swap3A_787, %swap3A_788], %gather3A_785 {strides = array<i32>} : memref<32x16xf32, #tpu.memory_space<vmem>>, vector<16xf32>,
      %add3A_790 = arith.constant 12 : i32
      %add3A_791 = vector.broadcast %add3A_790 : i32 to vector<16xi32>
      %add3A_792 = arith.addi %mul3A_5, %add3A_791 : vector<16xi32>
      %gather3A_793 = tpu.vector_load_idx %arg9[%add3A_792, %and3A_695] : memref<512x128xf32, #tpu.memory_space<vmem>>[vector<16xi32>, vector<16xi32>], vector<16xf32>,
      %swap3A_794 = arith.constant 12 : i32
      %swap3A_795 = arith.index_cast %swap3A_794 : i32 to index
      %swap3A_796 = arith.constant 0 : index
      %swap3A_797 = tpu.vector_load %arg11[%swap3A_795, %swap3A_796] {strides = array<i32>} : memref<32x16xf32, #tpu.memory_space<vmem>>, vector<16xf32>,
      tpu.vector_store %arg11[%swap3A_795, %swap3A_796], %gather3A_793 {strides = array<i32>} : memref<32x16xf32, #tpu.memory_space<vmem>>, vector<16xf32>,
      %add3A_798 = arith.constant 13 : i32
      %add3A_799 = vector.broadcast %add3A_798 : i32 to vector<16xi32>
      %add3A_800 = arith.addi %mul3A_5, %add3A_799 : vector<16xi32>
      %gather3A_801 = tpu.vector_load_idx %arg9[%add3A_800, %and3A_695] : memref<512x128xf32, #tpu.memory_space<vmem>>[vector<16xi32>, vector<16xi32>], vector<16xf32>,
      %swap3A_802 = arith.constant 13 : i32
      %swap3A_803 = arith.index_cast %swap3A_802 : i32 to index
      %swap3A_804 = arith.constant 0 : index
      %swap3A_805 = tpu.vector_load %arg11[%swap3A_803, %swap3A_804] {strides = array<i32>} : memref<32x16xf32, #tpu.memory_space<vmem>>, vector<16xf32>,
      tpu.vector_store %arg11[%swap3A_803, %swap3A_804], %gather3A_801 {strides = array<i32>} : memref<32x16xf32, #tpu.memory_space<vmem>>, vector<16xf32>,
      %add3A_806 = arith.constant 14 : i32
      %add3A_807 = vector.broadcast %add3A_806 : i32 to vector<16xi32>
      %add3A_808 = arith.addi %mul3A_5, %add3A_807 : vector<16xi32>
      %gather3A_809 = tpu.vector_load_idx %arg9[%add3A_808, %and3A_695] : memref<512x128xf32, #tpu.memory_space<vmem>>[vector<16xi32>, vector<16xi32>], vector<16xf32>,
      %swap3A_810 = arith.constant 14 : i32
      %swap3A_811 = arith.index_cast %swap3A_810 : i32 to index
      %swap3A_812 = arith.constant 0 : index
      %swap3A_813 = tpu.vector_load %arg11[%swap3A_811, %swap3A_812] {strides = array<i32>} : memref<32x16xf32, #tpu.memory_space<vmem>>, vector<16xf32>,
      tpu.vector_store %arg11[%swap3A_811, %swap3A_812], %gather3A_809 {strides = array<i32>} : memref<32x16xf32, #tpu.memory_space<vmem>>, vector<16xf32>,
      %add3A_814 = arith.constant 15 : i32
      %add3A_815 = vector.broadcast %add3A_814 : i32 to vector<16xi32>
      %add3A_816 = arith.addi %mul3A_5, %add3A_815 : vector<16xi32>
      %gather3A_817 = tpu.vector_load_idx %arg9[%add3A_816, %and3A_695] : memref<512x128xf32, #tpu.memory_space<vmem>>[vector<16xi32>, vector<16xi32>], vector<16xf32>,
      %swap3A_818 = arith.constant 15 : i32
      %swap3A_819 = arith.index_cast %swap3A_818 : i32 to index
      %swap3A_820 = arith.constant 0 : index
      %swap3A_821 = tpu.vector_load %arg11[%swap3A_819, %swap3A_820] {strides = array<i32>} : memref<32x16xf32, #tpu.memory_space<vmem>>, vector<16xf32>,
      tpu.vector_store %arg11[%swap3A_819, %swap3A_820], %gather3A_817 {strides = array<i32>} : memref<32x16xf32, #tpu.memory_space<vmem>>, vector<16xf32>,
      %add3A_822 = arith.constant 16 : i32
      %add3A_823 = vector.broadcast %add3A_822 : i32 to vector<16xi32>
      %add3A_824 = arith.addi %mul3A_5, %add3A_823 : vector<16xi32>
      %gather3A_825 = tpu.vector_load_idx %arg9[%add3A_824, %and3A_695] : memref<512x128xf32, #tpu.memory_space<vmem>>[vector<16xi32>, vector<16xi32>], vector<16xf32>,
      %swap3A_826 = arith.constant 16 : i32
      %swap3A_827 = arith.index_cast %swap3A_826 : i32 to index
      %swap3A_828 = arith.constant 0 : index
      %swap3A_829 = tpu.vector_load %arg11[%swap3A_827, %swap3A_828] {strides = array<i32>} : memref<32x16xf32, #tpu.memory_space<vmem>>, vector<16xf32>,
      tpu.vector_store %arg11[%swap3A_827, %swap3A_828], %gather3A_825 {strides = array<i32>} : memref<32x16xf32, #tpu.memory_space<vmem>>, vector<16xf32>,
      %add3A_830 = arith.constant 17 : i32
      %add3A_831 = vector.broadcast %add3A_830 : i32 to vector<16xi32>
      %add3A_832 = arith.addi %mul3A_5, %add3A_831 : vector<16xi32>
      %gather3A_833 = tpu.vector_load_idx %arg9[%add3A_832, %and3A_695] : memref<512x128xf32, #tpu.memory_space<vmem>>[vector<16xi32>, vector<16xi32>], vector<16xf32>,
      %swap3A_834 = arith.constant 17 : i32
      %swap3A_835 = arith.index_cast %swap3A_834 : i32 to index
      %swap3A_836 = arith.constant 0 : index
      %swap3A_837 = tpu.vector_load %arg11[%swap3A_835, %swap3A_836] {strides = array<i32>} : memref<32x16xf32, #tpu.memory_space<vmem>>, vector<16xf32>,
      tpu.vector_store %arg11[%swap3A_835, %swap3A_836], %gather3A_833 {strides = array<i32>} : memref<32x16xf32, #tpu.memory_space<vmem>>, vector<16xf32>,
      %add3A_838 = arith.constant 18 : i32
      %add3A_839 = vector.broadcast %add3A_838 : i32 to vector<16xi32>
      %add3A_840 = arith.addi %mul3A_5, %add3A_839 : vector<16xi32>
      %gather3A_841 = tpu.vector_load_idx %arg9[%add3A_840, %and3A_695] : memref<512x128xf32, #tpu.memory_space<vmem>>[vector<16xi32>, vector<16xi32>], vector<16xf32>,
      %swap3A_842 = arith.constant 18 : i32
      %swap3A_843 = arith.index_cast %swap3A_842 : i32 to index
      %swap3A_844 = arith.constant 0 : index
      %swap3A_845 = tpu.vector_load %arg11[%swap3A_843, %swap3A_844] {strides = array<i32>} : memref<32x16xf32, #tpu.memory_space<vmem>>, vector<16xf32>,
      tpu.vector_store %arg11[%swap3A_843, %swap3A_844], %gather3A_841 {strides = array<i32>} : memref<32x16xf32, #tpu.memory_space<vmem>>, vector<16xf32>,
      %add3A_846 = arith.constant 19 : i32
      %add3A_847 = vector.broadcast %add3A_846 : i32 to vector<16xi32>
      %add3A_848 = arith.addi %mul3A_5, %add3A_847 : vector<16xi32>
      %gather3A_849 = tpu.vector_load_idx %arg9[%add3A_848, %and3A_695] : memref<512x128xf32, #tpu.memory_space<vmem>>[vector<16xi32>, vector<16xi32>], vector<16xf32>,
      %swap3A_850 = arith.constant 19 : i32
      %swap3A_851 = arith.index_cast %swap3A_850 : i32 to index
      %swap3A_852 = arith.constant 0 : index
      %swap3A_853 = tpu.vector_load %arg11[%swap3A_851, %swap3A_852] {strides = array<i32>} : memref<32x16xf32, #tpu.memory_space<vmem>>, vector<16xf32>,
      tpu.vector_store %arg11[%swap3A_851, %swap3A_852], %gather3A_849 {strides = array<i32>} : memref<32x16xf32, #tpu.memory_space<vmem>>, vector<16xf32>,
      %add3A_854 = arith.constant 20 : i32
      %add3A_855 = vector.broadcast %add3A_854 : i32 to vector<16xi32>
      %add3A_856 = arith.addi %mul3A_5, %add3A_855 : vector<16xi32>
      %gather3A_857 = tpu.vector_load_idx %arg9[%add3A_856, %and3A_695] : memref<512x128xf32, #tpu.memory_space<vmem>>[vector<16xi32>, vector<16xi32>], vector<16xf32>,
      %swap3A_858 = arith.constant 20 : i32
      %swap3A_859 = arith.index_cast %swap3A_858 : i32 to index
      %swap3A_860 = arith.constant 0 : index
      %swap3A_861 = tpu.vector_load %arg11[%swap3A_859, %swap3A_860] {strides = array<i32>} : memref<32x16xf32, #tpu.memory_space<vmem>>, vector<16xf32>,
      tpu.vector_store %arg11[%swap3A_859, %swap3A_860], %gather3A_857 {strides = array<i32>} : memref<32x16xf32, #tpu.memory_space<vmem>>, vector<16xf32>,
      %add3A_862 = arith.constant 21 : i32
      %add3A_863 = vector.broadcast %add3A_862 : i32 to vector<16xi32>
      %add3A_864 = arith.addi %mul3A_5, %add3A_863 : vector<16xi32>
      %gather3A_865 = tpu.vector_load_idx %arg9[%add3A_864, %and3A_695] : memref<512x128xf32, #tpu.memory_space<vmem>>[vector<16xi32>, vector<16xi32>], vector<16xf32>,
      %swap3A_866 = arith.constant 21 : i32
      %swap3A_867 = arith.index_cast %swap3A_866 : i32 to index
      %swap3A_868 = arith.constant 0 : index
      %swap3A_869 = tpu.vector_load %arg11[%swap3A_867, %swap3A_868] {strides = array<i32>} : memref<32x16xf32, #tpu.memory_space<vmem>>, vector<16xf32>,
      tpu.vector_store %arg11[%swap3A_867, %swap3A_868], %gather3A_865 {strides = array<i32>} : memref<32x16xf32, #tpu.memory_space<vmem>>, vector<16xf32>,
      %add3A_870 = arith.constant 22 : i32
      %add3A_871 = vector.broadcast %add3A_870 : i32 to vector<16xi32>
      %add3A_872 = arith.addi %mul3A_5, %add3A_871 : vector<16xi32>
      %gather3A_873 = tpu.vector_load_idx %arg9[%add3A_872, %and3A_695] : memref<512x128xf32, #tpu.memory_space<vmem>>[vector<16xi32>, vector<16xi32>], vector<16xf32>,
      %swap3A_874 = arith.constant 22 : i32
      %swap3A_875 = arith.index_cast %swap3A_874 : i32 to index
      %swap3A_876 = arith.constant 0 : index
      %swap3A_877 = tpu.vector_load %arg11[%swap3A_875, %swap3A_876] {strides = array<i32>} : memref<32x16xf32, #tpu.memory_space<vmem>>, vector<16xf32>,
      tpu.vector_store %arg11[%swap3A_875, %swap3A_876], %gather3A_873 {strides = array<i32>} : memref<32x16xf32, #tpu.memory_space<vmem>>, vector<16xf32>,
      %add3A_878 = arith.constant 23 : i32
      %add3A_879 = vector.broadcast %add3A_878 : i32 to vector<16xi32>
      %add3A_880 = arith.addi %mul3A_5, %add3A_879 : vector<16xi32>
      %gather3A_881 = tpu.vector_load_idx %arg9[%add3A_880, %and3A_695] : memref<512x128xf32, #tpu.memory_space<vmem>>[vector<16xi32>, vector<16xi32>], vector<16xf32>,
      %swap3A_882 = arith.constant 23 : i32
      %swap3A_883 = arith.index_cast %swap3A_882 : i32 to index
      %swap3A_884 = arith.constant 0 : index
      %swap3A_885 = tpu.vector_load %arg11[%swap3A_883, %swap3A_884] {strides = array<i32>} : memref<32x16xf32, #tpu.memory_space<vmem>>, vector<16xf32>,
      tpu.vector_store %arg11[%swap3A_883, %swap3A_884], %gather3A_881 {strides = array<i32>} : memref<32x16xf32, #tpu.memory_space<vmem>>, vector<16xf32>,
      %add3A_886 = arith.constant 24 : i32
      %add3A_887 = vector.broadcast %add3A_886 : i32 to vector<16xi32>
      %add3A_888 = arith.addi %mul3A_5, %add3A_887 : vector<16xi32>
      %gather3A_889 = tpu.vector_load_idx %arg9[%add3A_888, %and3A_695] : memref<512x128xf32, #tpu.memory_space<vmem>>[vector<16xi32>, vector<16xi32>], vector<16xf32>,
      %swap3A_890 = arith.constant 24 : i32
      %swap3A_891 = arith.index_cast %swap3A_890 : i32 to index
      %swap3A_892 = arith.constant 0 : index
      %swap3A_893 = tpu.vector_load %arg11[%swap3A_891, %swap3A_892] {strides = array<i32>} : memref<32x16xf32, #tpu.memory_space<vmem>>, vector<16xf32>,
      tpu.vector_store %arg11[%swap3A_891, %swap3A_892], %gather3A_889 {strides = array<i32>} : memref<32x16xf32, #tpu.memory_space<vmem>>, vector<16xf32>,
      %add3A_894 = arith.constant 25 : i32
      %add3A_895 = vector.broadcast %add3A_894 : i32 to vector<16xi32>
      %add3A_896 = arith.addi %mul3A_5, %add3A_895 : vector<16xi32>
      %gather3A_897 = tpu.vector_load_idx %arg9[%add3A_896, %and3A_695] : memref<512x128xf32, #tpu.memory_space<vmem>>[vector<16xi32>, vector<16xi32>], vector<16xf32>,
      %swap3A_898 = arith.constant 25 : i32
      %swap3A_899 = arith.index_cast %swap3A_898 : i32 to index
      %swap3A_900 = arith.constant 0 : index
      %swap3A_901 = tpu.vector_load %arg11[%swap3A_899, %swap3A_900] {strides = array<i32>} : memref<32x16xf32, #tpu.memory_space<vmem>>, vector<16xf32>,
      tpu.vector_store %arg11[%swap3A_899, %swap3A_900], %gather3A_897 {strides = array<i32>} : memref<32x16xf32, #tpu.memory_space<vmem>>, vector<16xf32>,
      %add3A_902 = arith.constant 26 : i32
      %add3A_903 = vector.broadcast %add3A_902 : i32 to vector<16xi32>
      %add3A_904 = arith.addi %mul3A_5, %add3A_903 : vector<16xi32>
      %gather3A_905 = tpu.vector_load_idx %arg9[%add3A_904, %and3A_695] : memref<512x128xf32, #tpu.memory_space<vmem>>[vector<16xi32>, vector<16xi32>], vector<16xf32>,
      %swap3A_906 = arith.constant 26 : i32
      %swap3A_907 = arith.index_cast %swap3A_906 : i32 to index
      %swap3A_908 = arith.constant 0 : index
      %swap3A_909 = tpu.vector_load %arg11[%swap3A_907, %swap3A_908] {strides = array<i32>} : memref<32x16xf32, #tpu.memory_space<vmem>>, vector<16xf32>,
      tpu.vector_store %arg11[%swap3A_907, %swap3A_908], %gather3A_905 {strides = array<i32>} : memref<32x16xf32, #tpu.memory_space<vmem>>, vector<16xf32>,
      %add3A_910 = arith.constant 27 : i32
      %add3A_911 = vector.broadcast %add3A_910 : i32 to vector<16xi32>
      %add3A_912 = arith.addi %mul3A_5, %add3A_911 : vector<16xi32>
      %gather3A_913 = tpu.vector_load_idx %arg9[%add3A_912, %and3A_695] : memref<512x128xf32, #tpu.memory_space<vmem>>[vector<16xi32>, vector<16xi32>], vector<16xf32>,
      %swap3A_914 = arith.constant 27 : i32
      %swap3A_915 = arith.index_cast %swap3A_914 : i32 to index
      %swap3A_916 = arith.constant 0 : index
      %swap3A_917 = tpu.vector_load %arg11[%swap3A_915, %swap3A_916] {strides = array<i32>} : memref<32x16xf32, #tpu.memory_space<vmem>>, vector<16xf32>,
      tpu.vector_store %arg11[%swap3A_915, %swap3A_916], %gather3A_913 {strides = array<i32>} : memref<32x16xf32, #tpu.memory_space<vmem>>, vector<16xf32>,
      %add3A_918 = arith.constant 28 : i32
      %add3A_919 = vector.broadcast %add3A_918 : i32 to vector<16xi32>
      %add3A_920 = arith.addi %mul3A_5, %add3A_919 : vector<16xi32>
      %gather3A_921 = tpu.vector_load_idx %arg9[%add3A_920, %and3A_695] : memref<512x128xf32, #tpu.memory_space<vmem>>[vector<16xi32>, vector<16xi32>], vector<16xf32>,
      %swap3A_922 = arith.constant 28 : i32
      %swap3A_923 = arith.index_cast %swap3A_922 : i32 to index
      %swap3A_924 = arith.constant 0 : index
      %swap3A_925 = tpu.vector_load %arg11[%swap3A_923, %swap3A_924] {strides = array<i32>} : memref<32x16xf32, #tpu.memory_space<vmem>>, vector<16xf32>,
      tpu.vector_store %arg11[%swap3A_923, %swap3A_924], %gather3A_921 {strides = array<i32>} : memref<32x16xf32, #tpu.memory_space<vmem>>, vector<16xf32>,
      %add3A_926 = arith.constant 29 : i32
      %add3A_927 = vector.broadcast %add3A_926 : i32 to vector<16xi32>
      %add3A_928 = arith.addi %mul3A_5, %add3A_927 : vector<16xi32>
      %gather3A_929 = tpu.vector_load_idx %arg9[%add3A_928, %and3A_695] : memref<512x128xf32, #tpu.memory_space<vmem>>[vector<16xi32>, vector<16xi32>], vector<16xf32>,
      %swap3A_930 = arith.constant 29 : i32
      %swap3A_931 = arith.index_cast %swap3A_930 : i32 to index
      %swap3A_932 = arith.constant 0 : index
      %swap3A_933 = tpu.vector_load %arg11[%swap3A_931, %swap3A_932] {strides = array<i32>} : memref<32x16xf32, #tpu.memory_space<vmem>>, vector<16xf32>,
      tpu.vector_store %arg11[%swap3A_931, %swap3A_932], %gather3A_929 {strides = array<i32>} : memref<32x16xf32, #tpu.memory_space<vmem>>, vector<16xf32>,
      %add3A_934 = arith.constant 30 : i32
      %add3A_935 = vector.broadcast %add3A_934 : i32 to vector<16xi32>
      %add3A_936 = arith.addi %mul3A_5, %add3A_935 : vector<16xi32>
      %gather3A_937 = tpu.vector_load_idx %arg9[%add3A_936, %and3A_695] : memref<512x128xf32, #tpu.memory_space<vmem>>[vector<16xi32>, vector<16xi32>], vector<16xf32>,
      %swap3A_938 = arith.constant 30 : i32
      %swap3A_939 = arith.index_cast %swap3A_938 : i32 to index
      %swap3A_940 = arith.constant 0 : index
      %swap3A_941 = tpu.vector_load %arg11[%swap3A_939, %swap3A_940] {strides = array<i32>} : memref<32x16xf32, #tpu.memory_space<vmem>>, vector<16xf32>,
      tpu.vector_store %arg11[%swap3A_939, %swap3A_940], %gather3A_937 {strides = array<i32>} : memref<32x16xf32, #tpu.memory_space<vmem>>, vector<16xf32>,
      %add3A_942 = arith.constant 31 : i32
      %add3A_943 = vector.broadcast %add3A_942 : i32 to vector<16xi32>
      %add3A_944 = arith.addi %mul3A_5, %add3A_943 : vector<16xi32>
      %gather3A_945 = tpu.vector_load_idx %arg9[%add3A_944, %and3A_695] : memref<512x128xf32, #tpu.memory_space<vmem>>[vector<16xi32>, vector<16xi32>], vector<16xf32>,
      %swap3A_946 = arith.constant 31 : i32
      %swap3A_947 = arith.index_cast %swap3A_946 : i32 to index
      %swap3A_948 = arith.constant 0 : index
      %swap3A_949 = tpu.vector_load %arg11[%swap3A_947, %swap3A_948] {strides = array<i32>} : memref<32x16xf32, #tpu.memory_space<vmem>>, vector<16xf32>,
      tpu.vector_store %arg11[%swap3A_947, %swap3A_948], %gather3A_945 {strides = array<i32>} : memref<32x16xf32, #tpu.memory_space<vmem>>, vector<16xf32>,
      %slice3A_950 = vector.extract_strided_slice %get3A_30 {offsets = [14], sizes = [1], strides = [1]} : vector<16xi32> to vector<1xi32>
      %squeeze3A_951 = vector.extract %slice3A_950[0] : i32 from vector<1xi32>
      %shift_right_arithmetic3A_952 = arith.constant 7 : i32
      %shift_right_arithmetic3A_953 = arith.shrsi %squeeze3A_951, %shift_right_arithmetic3A_952 : i32
      %shift_left3A_954 = arith.constant 7 : i32
      %shift_left3A_955 = arith.shli %shift_right_arithmetic3A_953, %shift_left3A_954 : i32
      %multiple_of3A_956 = tpu.assume_multiple %shift_left3A_955, 128 : i32
      %dma_start3A_957 = arith.constant 0 : i32
      %dma_start3A_958 = arith.constant 0 : i32
      %dma_start3A_959 = tpu.memref_slice %arg9[%dma_start3A_957, %dma_start3A_958] : memref<512x128xf32, #tpu.memory_space<vmem>> -> memref<32x128xf32, #tpu.memory_space<vmem>>
      %dma_start3A_960 = arith.constant 0 : i32
      %dma_start3A_961 = tpu.memref_slice %arg5[%dma_start3A_960, %multiple_of3A_956] : memref<32x1000000xf32, #tpu.memory_space<hbm>> -> memref<32x128xf32, #tpu.memory_space<hbm>>
      %dma_start3A_962 = arith.constant 0 : i32
      %dma_start3A_963 = arith.constant 0 : i32
      %dma_start3A_964 = tpu.memref_slice %arg9[%dma_start3A_962, %dma_start3A_963] : memref<512x128xf32, #tpu.memory_space<vmem>> -> memref<32x128xf32, #tpu.memory_space<vmem>>
      %dma_start3A_965 = arith.constant 0 : i32
      %dma_start3A_966 = tpu.memref_slice %arg5[%dma_start3A_965, %multiple_of3A_956] : memref<32x1000000xf32, #tpu.memory_space<hbm>> -> memref<32x128xf32, #tpu.memory_space<hbm>>
      tpu.enqueue_dma source(%dma_start3A_966 : memref<32x128xf32, #tpu.memory_space<hbm>>) target(%dma_start3A_964 : memref<32x128xf32, #tpu.memory_space<vmem>>) target_semaphore(%arg14 : memref<!tpu.dma_semaphore, #tpu.memory_space<semaphore_mem>>)
      %slice3A_967 = vector.extract_strided_slice %get3A_30 {offsets = [15], sizes = [1], strides = [1]} : vector<16xi32> to vector<1xi32>
      %squeeze3A_968 = vector.extract %slice3A_967[0] : i32 from vector<1xi32>
      %shift_right_arithmetic3A_969 = arith.constant 7 : i32
      %shift_right_arithmetic3A_970 = arith.shrsi %squeeze3A_968, %shift_right_arithmetic3A_969 : i32
      %shift_left3A_971 = arith.constant 7 : i32
      %shift_left3A_972 = arith.shli %shift_right_arithmetic3A_970, %shift_left3A_971 : i32
      %multiple_of3A_973 = tpu.assume_multiple %shift_left3A_972, 128 : i32
      %dma_start3A_974 = arith.constant 32 : i32
      %dma_start3A_975 = arith.constant 0 : i32
      %dma_start3A_976 = tpu.memref_slice %arg9[%dma_start3A_974, %dma_start3A_975] : memref<512x128xf32, #tpu.memory_space<vmem>> -> memref<32x128xf32, #tpu.memory_space<vmem>>
      %dma_start3A_977 = arith.constant 0 : i32
      %dma_start3A_978 = tpu.memref_slice %arg5[%dma_start3A_977, %multiple_of3A_973] : memref<32x1000000xf32, #tpu.memory_space<hbm>> -> memref<32x128xf32, #tpu.memory_space<hbm>>
      %dma_start3A_979 = arith.constant 32 : i32
      %dma_start3A_980 = arith.constant 0 : i32
      %dma_start3A_981 = tpu.memref_slice %arg9[%dma_start3A_979, %dma_start3A_980] : memref<512x128xf32, #tpu.memory_space<vmem>> -> memref<32x128xf32, #tpu.memory_space<vmem>>
      %dma_start3A_982 = arith.constant 0 : i32
      %dma_start3A_983 = tpu.memref_slice %arg5[%dma_start3A_982, %multiple_of3A_973] : memref<32x1000000xf32, #tpu.memory_space<hbm>> -> memref<32x128xf32, #tpu.memory_space<hbm>>
      tpu.enqueue_dma source(%dma_start3A_983 : memref<32x128xf32, #tpu.memory_space<hbm>>) target(%dma_start3A_981 : memref<32x128xf32, #tpu.memory_space<vmem>>) target_semaphore(%arg14 : memref<!tpu.dma_semaphore, #tpu.memory_space<semaphore_mem>>)
      %dma_wait3A_984 = arith.constant 0 : i32
      %dma_wait3A_985 = arith.constant 0 : i32
      %dma_wait3A_986 = tpu.memref_slice %arg10[%dma_wait3A_984, %dma_wait3A_985] : memref<448x128xf32, #tpu.memory_space<vmem>> -> memref<32x128xf32, #tpu.memory_space<vmem>>
      %dma_wait3A_987 = arith.constant 0 : i32
      %dma_wait3A_988 = tpu.memref_slice %arg5[%dma_wait3A_987, %multiple_of3A_303] : memref<32x1000000xf32, #tpu.memory_space<hbm>> -> memref<32x128xf32, #tpu.memory_space<hbm>>
      %dma_wait3A_989 = arith.constant 0 : i32
      %dma_wait3A_990 = arith.constant 0 : i32
      %dma_wait3A_991 = tpu.memref_slice %arg10[%dma_wait3A_989, %dma_wait3A_990] : memref<448x128xf32, #tpu.memory_space<vmem>> -> memref<32x128xf32, #tpu.memory_space<vmem>>
      %dma_wait3A_992 = arith.constant 0 : i32
      %dma_wait3A_993 = tpu.memref_slice %arg5[%dma_wait3A_992, %multiple_of3A_303] : memref<32x1000000xf32, #tpu.memory_space<hbm>> -> memref<32x128xf32, #tpu.memory_space<hbm>>
      tpu.wait_dma2 semaphore(%arg14 : memref<!tpu.dma_semaphore, #tpu.memory_space<semaphore_mem>>) src(%dma_wait3A_993 : memref<32x128xf32, #tpu.memory_space<hbm>>) dst(%dma_wait3A_991 : memref<32x128xf32, #tpu.memory_space<vmem>>)
      %dma_wait3A_994 = arith.constant 32 : i32
      %dma_wait3A_995 = arith.constant 0 : i32
      %dma_wait3A_996 = tpu.memref_slice %arg10[%dma_wait3A_994, %dma_wait3A_995] : memref<448x128xf32, #tpu.memory_space<vmem>> -> memref<32x128xf32, #tpu.memory_space<vmem>>
      %dma_wait3A_997 = arith.constant 0 : i32
      %dma_wait3A_998 = tpu.memref_slice %arg5[%dma_wait3A_997, %multiple_of3A_320] : memref<32x1000000xf32, #tpu.memory_space<hbm>> -> memref<32x128xf32, #tpu.memory_space<hbm>>
      %dma_wait3A_999 = arith.constant 32 : i32
      %dma_wait3A_1000 = arith.constant 0 : i32
      %dma_wait3A_1001 = tpu.memref_slice %arg10[%dma_wait3A_999, %dma_wait3A_1000] : memref<448x128xf32, #tpu.memory_space<vmem>> -> memref<32x128xf32, #tpu.memory_space<vmem>>
      %dma_wait3A_1002 = arith.constant 0 : i32
      %dma_wait3A_1003 = tpu.memref_slice %arg5[%dma_wait3A_1002, %multiple_of3A_320] : memref<32x1000000xf32, #tpu.memory_space<hbm>> -> memref<32x128xf32, #tpu.memory_space<hbm>>
      tpu.wait_dma2 semaphore(%arg14 : memref<!tpu.dma_semaphore, #tpu.memory_space<semaphore_mem>>) src(%dma_wait3A_1003 : memref<32x128xf32, #tpu.memory_space<hbm>>) dst(%dma_wait3A_1001 : memref<32x128xf32, #tpu.memory_space<vmem>>)
      %dma_wait3A_1004 = arith.constant 64 : i32
      %dma_wait3A_1005 = arith.constant 0 : i32
      %dma_wait3A_1006 = tpu.memref_slice %arg10[%dma_wait3A_1004, %dma_wait3A_1005] : memref<448x128xf32, #tpu.memory_space<vmem>> -> memref<32x128xf32, #tpu.memory_space<vmem>>
      %dma_wait3A_1007 = arith.constant 0 : i32
      %dma_wait3A_1008 = tpu.memref_slice %arg5[%dma_wait3A_1007, %multiple_of3A_337] : memref<32x1000000xf32, #tpu.memory_space<hbm>> -> memref<32x128xf32, #tpu.memory_space<hbm>>
      %dma_wait3A_1009 = arith.constant 64 : i32
      %dma_wait3A_1010 = arith.constant 0 : i32
      %dma_wait3A_1011 = tpu.memref_slice %arg10[%dma_wait3A_1009, %dma_wait3A_1010] : memref<448x128xf32, #tpu.memory_space<vmem>> -> memref<32x128xf32, #tpu.memory_space<vmem>>
      %dma_wait3A_1012 = arith.constant 0 : i32
      %dma_wait3A_1013 = tpu.memref_slice %arg5[%dma_wait3A_1012, %multiple_of3A_337] : memref<32x1000000xf32, #tpu.memory_space<hbm>> -> memref<32x128xf32, #tpu.memory_space<hbm>>
      tpu.wait_dma2 semaphore(%arg14 : memref<!tpu.dma_semaphore, #tpu.memory_space<semaphore_mem>>) src(%dma_wait3A_1013 : memref<32x128xf32, #tpu.memory_space<hbm>>) dst(%dma_wait3A_1011 : memref<32x128xf32, #tpu.memory_space<vmem>>)
      %dma_wait3A_1014 = arith.constant 96 : i32
      %dma_wait3A_1015 = arith.constant 0 : i32
      %dma_wait3A_1016 = tpu.memref_slice %arg10[%dma_wait3A_1014, %dma_wait3A_1015] : memref<448x128xf32, #tpu.memory_space<vmem>> -> memref<32x128xf32, #tpu.memory_space<vmem>>
      %dma_wait3A_1017 = arith.constant 0 : i32
      %dma_wait3A_1018 = tpu.memref_slice %arg5[%dma_wait3A_1017, %multiple_of3A_354] : memref<32x1000000xf32, #tpu.memory_space<hbm>> -> memref<32x128xf32, #tpu.memory_space<hbm>>
      %dma_wait3A_1019 = arith.constant 96 : i32
      %dma_wait3A_1020 = arith.constant 0 : i32
      %dma_wait3A_1021 = tpu.memref_slice %arg10[%dma_wait3A_1019, %dma_wait3A_1020] : memref<448x128xf32, #tpu.memory_space<vmem>> -> memref<32x128xf32, #tpu.memory_space<vmem>>
      %dma_wait3A_1022 = arith.constant 0 : i32
      %dma_wait3A_1023 = tpu.memref_slice %arg5[%dma_wait3A_1022, %multiple_of3A_354] : memref<32x1000000xf32, #tpu.memory_space<hbm>> -> memref<32x128xf32, #tpu.memory_space<hbm>>
      tpu.wait_dma2 semaphore(%arg14 : memref<!tpu.dma_semaphore, #tpu.memory_space<semaphore_mem>>) src(%dma_wait3A_1023 : memref<32x128xf32, #tpu.memory_space<hbm>>) dst(%dma_wait3A_1021 : memref<32x128xf32, #tpu.memory_space<vmem>>)
      %dma_wait3A_1024 = arith.constant 128 : i32
      %dma_wait3A_1025 = arith.constant 0 : i32
      %dma_wait3A_1026 = tpu.memref_slice %arg10[%dma_wait3A_1024, %dma_wait3A_1025] : memref<448x128xf32, #tpu.memory_space<vmem>> -> memref<32x128xf32, #tpu.memory_space<vmem>>
      %dma_wait3A_1027 = arith.constant 0 : i32
      %dma_wait3A_1028 = tpu.memref_slice %arg5[%dma_wait3A_1027, %multiple_of3A_371] : memref<32x1000000xf32, #tpu.memory_space<hbm>> -> memref<32x128xf32, #tpu.memory_space<hbm>>
      %dma_wait3A_1029 = arith.constant 128 : i32
      %dma_wait3A_1030 = arith.constant 0 : i32
      %dma_wait3A_1031 = tpu.memref_slice %arg10[%dma_wait3A_1029, %dma_wait3A_1030] : memref<448x128xf32, #tpu.memory_space<vmem>> -> memref<32x128xf32, #tpu.memory_space<vmem>>
      %dma_wait3A_1032 = arith.constant 0 : i32
      %dma_wait3A_1033 = tpu.memref_slice %arg5[%dma_wait3A_1032, %multiple_of3A_371] : memref<32x1000000xf32, #tpu.memory_space<hbm>> -> memref<32x128xf32, #tpu.memory_space<hbm>>
      tpu.wait_dma2 semaphore(%arg14 : memref<!tpu.dma_semaphore, #tpu.memory_space<semaphore_mem>>) src(%dma_wait3A_1033 : memref<32x128xf32, #tpu.memory_space<hbm>>) dst(%dma_wait3A_1031 : memref<32x128xf32, #tpu.memory_space<vmem>>)
      %dma_wait3A_1034 = arith.constant 160 : i32
      %dma_wait3A_1035 = arith.constant 0 : i32
      %dma_wait3A_1036 = tpu.memref_slice %arg10[%dma_wait3A_1034, %dma_wait3A_1035] : memref<448x128xf32, #tpu.memory_space<vmem>> -> memref<32x128xf32, #tpu.memory_space<vmem>>
      %dma_wait3A_1037 = arith.constant 0 : i32
      %dma_wait3A_1038 = tpu.memref_slice %arg5[%dma_wait3A_1037, %multiple_of3A_388] : memref<32x1000000xf32, #tpu.memory_space<hbm>> -> memref<32x128xf32, #tpu.memory_space<hbm>>
      %dma_wait3A_1039 = arith.constant 160 : i32
      %dma_wait3A_1040 = arith.constant 0 : i32
      %dma_wait3A_1041 = tpu.memref_slice %arg10[%dma_wait3A_1039, %dma_wait3A_1040] : memref<448x128xf32, #tpu.memory_space<vmem>> -> memref<32x128xf32, #tpu.memory_space<vmem>>
      %dma_wait3A_1042 = arith.constant 0 : i32
      %dma_wait3A_1043 = tpu.memref_slice %arg5[%dma_wait3A_1042, %multiple_of3A_388] : memref<32x1000000xf32, #tpu.memory_space<hbm>> -> memref<32x128xf32, #tpu.memory_space<hbm>>
      tpu.wait_dma2 semaphore(%arg14 : memref<!tpu.dma_semaphore, #tpu.memory_space<semaphore_mem>>) src(%dma_wait3A_1043 : memref<32x128xf32, #tpu.memory_space<hbm>>) dst(%dma_wait3A_1041 : memref<32x128xf32, #tpu.memory_space<vmem>>)
      %dma_wait3A_1044 = arith.constant 192 : i32
      %dma_wait3A_1045 = arith.constant 0 : i32
      %dma_wait3A_1046 = tpu.memref_slice %arg10[%dma_wait3A_1044, %dma_wait3A_1045] : memref<448x128xf32, #tpu.memory_space<vmem>> -> memref<32x128xf32, #tpu.memory_space<vmem>>
      %dma_wait3A_1047 = arith.constant 0 : i32
      %dma_wait3A_1048 = tpu.memref_slice %arg5[%dma_wait3A_1047, %multiple_of3A_405] : memref<32x1000000xf32, #tpu.memory_space<hbm>> -> memref<32x128xf32, #tpu.memory_space<hbm>>
      %dma_wait3A_1049 = arith.constant 192 : i32
      %dma_wait3A_1050 = arith.constant 0 : i32
      %dma_wait3A_1051 = tpu.memref_slice %arg10[%dma_wait3A_1049, %dma_wait3A_1050] : memref<448x128xf32, #tpu.memory_space<vmem>> -> memref<32x128xf32, #tpu.memory_space<vmem>>
      %dma_wait3A_1052 = arith.constant 0 : i32
      %dma_wait3A_1053 = tpu.memref_slice %arg5[%dma_wait3A_1052, %multiple_of3A_405] : memref<32x1000000xf32, #tpu.memory_space<hbm>> -> memref<32x128xf32, #tpu.memory_space<hbm>>
      tpu.wait_dma2 semaphore(%arg14 : memref<!tpu.dma_semaphore, #tpu.memory_space<semaphore_mem>>) src(%dma_wait3A_1053 : memref<32x128xf32, #tpu.memory_space<hbm>>) dst(%dma_wait3A_1051 : memref<32x128xf32, #tpu.memory_space<vmem>>)
      %dma_wait3A_1054 = arith.constant 224 : i32
      %dma_wait3A_1055 = arith.constant 0 : i32
      %dma_wait3A_1056 = tpu.memref_slice %arg10[%dma_wait3A_1054, %dma_wait3A_1055] : memref<448x128xf32, #tpu.memory_space<vmem>> -> memref<32x128xf32, #tpu.memory_space<vmem>>
      %dma_wait3A_1057 = arith.constant 0 : i32
      %dma_wait3A_1058 = tpu.memref_slice %arg5[%dma_wait3A_1057, %multiple_of3A_422] : memref<32x1000000xf32, #tpu.memory_space<hbm>> -> memref<32x128xf32, #tpu.memory_space<hbm>>
      %dma_wait3A_1059 = arith.constant 224 : i32
      %dma_wait3A_1060 = arith.constant 0 : i32
      %dma_wait3A_1061 = tpu.memref_slice %arg10[%dma_wait3A_1059, %dma_wait3A_1060] : memref<448x128xf32, #tpu.memory_space<vmem>> -> memref<32x128xf32, #tpu.memory_space<vmem>>
      %dma_wait3A_1062 = arith.constant 0 : i32
      %dma_wait3A_1063 = tpu.memref_slice %arg5[%dma_wait3A_1062, %multiple_of3A_422] : memref<32x1000000xf32, #tpu.memory_space<hbm>> -> memref<32x128xf32, #tpu.memory_space<hbm>>
      tpu.wait_dma2 semaphore(%arg14 : memref<!tpu.dma_semaphore, #tpu.memory_space<semaphore_mem>>) src(%dma_wait3A_1063 : memref<32x128xf32, #tpu.memory_space<hbm>>) dst(%dma_wait3A_1061 : memref<32x128xf32, #tpu.memory_space<vmem>>)
      %dma_wait3A_1064 = arith.constant 256 : i32
      %dma_wait3A_1065 = arith.constant 0 : i32
      %dma_wait3A_1066 = tpu.memref_slice %arg10[%dma_wait3A_1064, %dma_wait3A_1065] : memref<448x128xf32, #tpu.memory_space<vmem>> -> memref<32x128xf32, #tpu.memory_space<vmem>>
      %dma_wait3A_1067 = arith.constant 0 : i32
      %dma_wait3A_1068 = tpu.memref_slice %arg5[%dma_wait3A_1067, %multiple_of3A_439] : memref<32x1000000xf32, #tpu.memory_space<hbm>> -> memref<32x128xf32, #tpu.memory_space<hbm>>
      %dma_wait3A_1069 = arith.constant 256 : i32
      %dma_wait3A_1070 = arith.constant 0 : i32
      %dma_wait3A_1071 = tpu.memref_slice %arg10[%dma_wait3A_1069, %dma_wait3A_1070] : memref<448x128xf32, #tpu.memory_space<vmem>> -> memref<32x128xf32, #tpu.memory_space<vmem>>
      %dma_wait3A_1072 = arith.constant 0 : i32
      %dma_wait3A_1073 = tpu.memref_slice %arg5[%dma_wait3A_1072, %multiple_of3A_439] : memref<32x1000000xf32, #tpu.memory_space<hbm>> -> memref<32x128xf32, #tpu.memory_space<hbm>>
      tpu.wait_dma2 semaphore(%arg14 : memref<!tpu.dma_semaphore, #tpu.memory_space<semaphore_mem>>) src(%dma_wait3A_1073 : memref<32x128xf32, #tpu.memory_space<hbm>>) dst(%dma_wait3A_1071 : memref<32x128xf32, #tpu.memory_space<vmem>>)
      %dma_wait3A_1074 = arith.constant 288 : i32
      %dma_wait3A_1075 = arith.constant 0 : i32
      %dma_wait3A_1076 = tpu.memref_slice %arg10[%dma_wait3A_1074, %dma_wait3A_1075] : memref<448x128xf32, #tpu.memory_space<vmem>> -> memref<32x128xf32, #tpu.memory_space<vmem>>
      %dma_wait3A_1077 = arith.constant 0 : i32
      %dma_wait3A_1078 = tpu.memref_slice %arg5[%dma_wait3A_1077, %multiple_of3A_456] : memref<32x1000000xf32, #tpu.memory_space<hbm>> -> memref<32x128xf32, #tpu.memory_space<hbm>>
      %dma_wait3A_1079 = arith.constant 288 : i32
      %dma_wait3A_1080 = arith.constant 0 : i32
      %dma_wait3A_1081 = tpu.memref_slice %arg10[%dma_wait3A_1079, %dma_wait3A_1080] : memref<448x128xf32, #tpu.memory_space<vmem>> -> memref<32x128xf32, #tpu.memory_space<vmem>>
      %dma_wait3A_1082 = arith.constant 0 : i32
      %dma_wait3A_1083 = tpu.memref_slice %arg5[%dma_wait3A_1082, %multiple_of3A_456] : memref<32x1000000xf32, #tpu.memory_space<hbm>> -> memref<32x128xf32, #tpu.memory_space<hbm>>
      tpu.wait_dma2 semaphore(%arg14 : memref<!tpu.dma_semaphore, #tpu.memory_space<semaphore_mem>>) src(%dma_wait3A_1083 : memref<32x128xf32, #tpu.memory_space<hbm>>) dst(%dma_wait3A_1081 : memref<32x128xf32, #tpu.memory_space<vmem>>)
      %dma_wait3A_1084 = arith.constant 320 : i32
      %dma_wait3A_1085 = arith.constant 0 : i32
      %dma_wait3A_1086 = tpu.memref_slice %arg10[%dma_wait3A_1084, %dma_wait3A_1085] : memref<448x128xf32, #tpu.memory_space<vmem>> -> memref<32x128xf32, #tpu.memory_space<vmem>>
      %dma_wait3A_1087 = arith.constant 0 : i32
      %dma_wait3A_1088 = tpu.memref_slice %arg5[%dma_wait3A_1087, %multiple_of3A_473] : memref<32x1000000xf32, #tpu.memory_space<hbm>> -> memref<32x128xf32, #tpu.memory_space<hbm>>
      %dma_wait3A_1089 = arith.constant 320 : i32
      %dma_wait3A_1090 = arith.constant 0 : i32
      %dma_wait3A_1091 = tpu.memref_slice %arg10[%dma_wait3A_1089, %dma_wait3A_1090] : memref<448x128xf32, #tpu.memory_space<vmem>> -> memref<32x128xf32, #tpu.memory_space<vmem>>
      %dma_wait3A_1092 = arith.constant 0 : i32
      %dma_wait3A_1093 = tpu.memref_slice %arg5[%dma_wait3A_1092, %multiple_of3A_473] : memref<32x1000000xf32, #tpu.memory_space<hbm>> -> memref<32x128xf32, #tpu.memory_space<hbm>>
      tpu.wait_dma2 semaphore(%arg14 : memref<!tpu.dma_semaphore, #tpu.memory_space<semaphore_mem>>) src(%dma_wait3A_1093 : memref<32x128xf32, #tpu.memory_space<hbm>>) dst(%dma_wait3A_1091 : memref<32x128xf32, #tpu.memory_space<vmem>>)
      %dma_wait3A_1094 = arith.constant 352 : i32
      %dma_wait3A_1095 = arith.constant 0 : i32
      %dma_wait3A_1096 = tpu.memref_slice %arg10[%dma_wait3A_1094, %dma_wait3A_1095] : memref<448x128xf32, #tpu.memory_space<vmem>> -> memref<32x128xf32, #tpu.memory_space<vmem>>
      %dma_wait3A_1097 = arith.constant 0 : i32
      %dma_wait3A_1098 = tpu.memref_slice %arg5[%dma_wait3A_1097, %multiple_of3A_490] : memref<32x1000000xf32, #tpu.memory_space<hbm>> -> memref<32x128xf32, #tpu.memory_space<hbm>>
      %dma_wait3A_1099 = arith.constant 352 : i32
      %dma_wait3A_1100 = arith.constant 0 : i32
      %dma_wait3A_1101 = tpu.memref_slice %arg10[%dma_wait3A_1099, %dma_wait3A_1100] : memref<448x128xf32, #tpu.memory_space<vmem>> -> memref<32x128xf32, #tpu.memory_space<vmem>>
      %dma_wait3A_1102 = arith.constant 0 : i32
      %dma_wait3A_1103 = tpu.memref_slice %arg5[%dma_wait3A_1102, %multiple_of3A_490] : memref<32x1000000xf32, #tpu.memory_space<hbm>> -> memref<32x128xf32, #tpu.memory_space<hbm>>
      tpu.wait_dma2 semaphore(%arg14 : memref<!tpu.dma_semaphore, #tpu.memory_space<semaphore_mem>>) src(%dma_wait3A_1103 : memref<32x128xf32, #tpu.memory_space<hbm>>) dst(%dma_wait3A_1101 : memref<32x128xf32, #tpu.memory_space<vmem>>)
      %dma_wait3A_1104 = arith.constant 384 : i32
      %dma_wait3A_1105 = arith.constant 0 : i32
      %dma_wait3A_1106 = tpu.memref_slice %arg10[%dma_wait3A_1104, %dma_wait3A_1105] : memref<448x128xf32, #tpu.memory_space<vmem>> -> memref<32x128xf32, #tpu.memory_space<vmem>>
      %dma_wait3A_1107 = arith.constant 0 : i32
      %dma_wait3A_1108 = tpu.memref_slice %arg5[%dma_wait3A_1107, %multiple_of3A_507] : memref<32x1000000xf32, #tpu.memory_space<hbm>> -> memref<32x128xf32, #tpu.memory_space<hbm>>
      %dma_wait3A_1109 = arith.constant 384 : i32
      %dma_wait3A_1110 = arith.constant 0 : i32
      %dma_wait3A_1111 = tpu.memref_slice %arg10[%dma_wait3A_1109, %dma_wait3A_1110] : memref<448x128xf32, #tpu.memory_space<vmem>> -> memref<32x128xf32, #tpu.memory_space<vmem>>
      %dma_wait3A_1112 = arith.constant 0 : i32
      %dma_wait3A_1113 = tpu.memref_slice %arg5[%dma_wait3A_1112, %multiple_of3A_507] : memref<32x1000000xf32, #tpu.memory_space<hbm>> -> memref<32x128xf32, #tpu.memory_space<hbm>>
      tpu.wait_dma2 semaphore(%arg14 : memref<!tpu.dma_semaphore, #tpu.memory_space<semaphore_mem>>) src(%dma_wait3A_1113 : memref<32x128xf32, #tpu.memory_space<hbm>>) dst(%dma_wait3A_1111 : memref<32x128xf32, #tpu.memory_space<vmem>>)
      %dma_wait3A_1114 = arith.constant 416 : i32
      %dma_wait3A_1115 = arith.constant 0 : i32
      %dma_wait3A_1116 = tpu.memref_slice %arg10[%dma_wait3A_1114, %dma_wait3A_1115] : memref<448x128xf32, #tpu.memory_space<vmem>> -> memref<32x128xf32, #tpu.memory_space<vmem>>
      %dma_wait3A_1117 = arith.constant 0 : i32
      %dma_wait3A_1118 = tpu.memref_slice %arg5[%dma_wait3A_1117, %multiple_of3A_524] : memref<32x1000000xf32, #tpu.memory_space<hbm>> -> memref<32x128xf32, #tpu.memory_space<hbm>>
      %dma_wait3A_1119 = arith.constant 416 : i32
      %dma_wait3A_1120 = arith.constant 0 : i32
      %dma_wait3A_1121 = tpu.memref_slice %arg10[%dma_wait3A_1119, %dma_wait3A_1120] : memref<448x128xf32, #tpu.memory_space<vmem>> -> memref<32x128xf32, #tpu.memory_space<vmem>>
      %dma_wait3A_1122 = arith.constant 0 : i32
      %dma_wait3A_1123 = tpu.memref_slice %arg5[%dma_wait3A_1122, %multiple_of3A_524] : memref<32x1000000xf32, #tpu.memory_space<hbm>> -> memref<32x128xf32, #tpu.memory_space<hbm>>
      tpu.wait_dma2 semaphore(%arg14 : memref<!tpu.dma_semaphore, #tpu.memory_space<semaphore_mem>>) src(%dma_wait3A_1123 : memref<32x128xf32, #tpu.memory_space<hbm>>) dst(%dma_wait3A_1121 : memref<32x128xf32, #tpu.memory_space<vmem>>)
      %dma_wait3A_1124 = arith.constant 0 : i32
      %dma_wait3A_1125 = arith.constant 0 : i32
      %dma_wait3A_1126 = tpu.memref_slice %arg9[%dma_wait3A_1124, %dma_wait3A_1125] : memref<512x128xf32, #tpu.memory_space<vmem>> -> memref<32x128xf32, #tpu.memory_space<vmem>>
      %dma_wait3A_1127 = arith.constant 0 : i32
      %dma_wait3A_1128 = tpu.memref_slice %arg5[%dma_wait3A_1127, %multiple_of3A_956] : memref<32x1000000xf32, #tpu.memory_space<hbm>> -> memref<32x128xf32, #tpu.memory_space<hbm>>
      %dma_wait3A_1129 = arith.constant 0 : i32
      %dma_wait3A_1130 = arith.constant 0 : i32
      %dma_wait3A_1131 = tpu.memref_slice %arg9[%dma_wait3A_1129, %dma_wait3A_1130] : memref<512x128xf32, #tpu.memory_space<vmem>> -> memref<32x128xf32, #tpu.memory_space<vmem>>
      %dma_wait3A_1132 = arith.constant 0 : i32
      %dma_wait3A_1133 = tpu.memref_slice %arg5[%dma_wait3A_1132, %multiple_of3A_956] : memref<32x1000000xf32, #tpu.memory_space<hbm>> -> memref<32x128xf32, #tpu.memory_space<hbm>>
      tpu.wait_dma2 semaphore(%arg14 : memref<!tpu.dma_semaphore, #tpu.memory_space<semaphore_mem>>) src(%dma_wait3A_1133 : memref<32x128xf32, #tpu.memory_space<hbm>>) dst(%dma_wait3A_1131 : memref<32x128xf32, #tpu.memory_space<vmem>>)
      %dma_wait3A_1134 = arith.constant 32 : i32
      %dma_wait3A_1135 = arith.constant 0 : i32
      %dma_wait3A_1136 = tpu.memref_slice %arg9[%dma_wait3A_1134, %dma_wait3A_1135] : memref<512x128xf32, #tpu.memory_space<vmem>> -> memref<32x128xf32, #tpu.memory_space<vmem>>
      %dma_wait3A_1137 = arith.constant 0 : i32
      %dma_wait3A_1138 = tpu.memref_slice %arg5[%dma_wait3A_1137, %multiple_of3A_973] : memref<32x1000000xf32, #tpu.memory_space<hbm>> -> memref<32x128xf32, #tpu.memory_space<hbm>>
      %dma_wait3A_1139 = arith.constant 32 : i32
      %dma_wait3A_1140 = arith.constant 0 : i32
      %dma_wait3A_1141 = tpu.memref_slice %arg9[%dma_wait3A_1139, %dma_wait3A_1140] : memref<512x128xf32, #tpu.memory_space<vmem>> -> memref<32x128xf32, #tpu.memory_space<vmem>>
      %dma_wait3A_1142 = arith.constant 0 : i32
      %dma_wait3A_1143 = tpu.memref_slice %arg5[%dma_wait3A_1142, %multiple_of3A_973] : memref<32x1000000xf32, #tpu.memory_space<hbm>> -> memref<32x128xf32, #tpu.memory_space<hbm>>
      tpu.wait_dma2 semaphore(%arg14 : memref<!tpu.dma_semaphore, #tpu.memory_space<semaphore_mem>>) src(%dma_wait3A_1143 : memref<32x128xf32, #tpu.memory_space<hbm>>) dst(%dma_wait3A_1141 : memref<32x128xf32, #tpu.memory_space<vmem>>)
      %and3A_1144 = arith.constant 127 : i32
      %and3A_1145 = vector.broadcast %and3A_1144 : i32 to vector<16xi32>
      %and3A_1146 = arith.andi %get3A_30, %and3A_1145 : vector<16xi32>
      %ge3A = arith.constant 14 : i32
      %ge3A_1147 = vector.broadcast %ge3A : i32 to vector<16xi32>
      %ge3A_1148 = arith.cmpi sge, %iota3A, %ge3A_1147 : vector<16xi32>
      %broadcast_in_dim3A = arith.constant 0.000000e+00 : f32
      %broadcast_in_dim3A_1149 = vector.broadcast %broadcast_in_dim3A : f32 to vector<16xf32>
      %add3A_1150 = arith.constant 0 : i32
      %add3A_1151 = vector.broadcast %add3A_1150 : i32 to vector<16xi32>
      %add3A_1152 = arith.addi %mul3A_10, %add3A_1151 : vector<16xi32>
      %gather3A_1153 = tpu.vector_load_idx %arg10[%add3A_1152, %and3A_1146] : memref<448x128xf32, #tpu.memory_space<vmem>>[vector<16xi32>, vector<16xi32>], vector<16xf32>,
      %add3A_1154 = arith.constant 0 : i32
      %add3A_1155 = vector.broadcast %add3A_1154 : i32 to vector<16xi32>
      %add3A_1156 = arith.addi %mul3A_19, %add3A_1155 : vector<16xi32>
      %gather3A_1157 = tpu.vector_load_idx %arg9[%add3A_1156, %and3A_1146] : memref<512x128xf32, #tpu.memory_space<vmem>>[vector<16xi32>, vector<16xi32>], vector<16xf32>,
      %get3A_1158 = arith.constant 0 : i32
      %get3A_1159 = arith.index_cast %get3A_1158 : i32 to index
      %get3A_1160 = arith.constant 0 : index
      %get3A_1161 = tpu.vector_load %arg11[%get3A_1159, %get3A_1160] {strides = array<i32>} : memref<32x16xf32, #tpu.memory_space<vmem>>, vector<16xf32>,
      %select_n3A = arith.select %ge3A_1148, %gather3A_1157, %gather3A_1153 : vector<16xi1>, vector<16xf32>
      %mul3A_1162 = arith.mulf %get3A_1161, %select_n3A : vector<16xf32>
      %add3A_1163 = arith.addf %broadcast_in_dim3A_1149, %mul3A_1162 : vector<16xf32>
      %add3A_1164 = arith.constant 1 : i32
      %add3A_1165 = vector.broadcast %add3A_1164 : i32 to vector<16xi32>
      %add3A_1166 = arith.addi %mul3A_10, %add3A_1165 : vector<16xi32>
      %gather3A_1167 = tpu.vector_load_idx %arg10[%add3A_1166, %and3A_1146] : memref<448x128xf32, #tpu.memory_space<vmem>>[vector<16xi32>, vector<16xi32>], vector<16xf32>,
      %add3A_1168 = arith.constant 1 : i32
      %add3A_1169 = vector.broadcast %add3A_1168 : i32 to vector<16xi32>
      %add3A_1170 = arith.addi %mul3A_19, %add3A_1169 : vector<16xi32>
      %gather3A_1171 = tpu.vector_load_idx %arg9[%add3A_1170, %and3A_1146] : memref<512x128xf32, #tpu.memory_space<vmem>>[vector<16xi32>, vector<16xi32>], vector<16xf32>,
      %get3A_1172 = arith.constant 1 : i32
      %get3A_1173 = arith.index_cast %get3A_1172 : i32 to index
      %get3A_1174 = arith.constant 0 : index
      %get3A_1175 = tpu.vector_load %arg11[%get3A_1173, %get3A_1174] {strides = array<i32>} : memref<32x16xf32, #tpu.memory_space<vmem>>, vector<16xf32>,
      %select_n3A_1176 = arith.select %ge3A_1148, %gather3A_1171, %gather3A_1167 : vector<16xi1>, vector<16xf32>
      %mul3A_1177 = arith.mulf %get3A_1175, %select_n3A_1176 : vector<16xf32>
      %add3A_1178 = arith.addf %add3A_1163, %mul3A_1177 : vector<16xf32>
      %add3A_1179 = arith.constant 2 : i32
      %add3A_1180 = vector.broadcast %add3A_1179 : i32 to vector<16xi32>
      %add3A_1181 = arith.addi %mul3A_10, %add3A_1180 : vector<16xi32>
      %gather3A_1182 = tpu.vector_load_idx %arg10[%add3A_1181, %and3A_1146] : memref<448x128xf32, #tpu.memory_space<vmem>>[vector<16xi32>, vector<16xi32>], vector<16xf32>,
      %add3A_1183 = arith.constant 2 : i32
      %add3A_1184 = vector.broadcast %add3A_1183 : i32 to vector<16xi32>
      %add3A_1185 = arith.addi %mul3A_19, %add3A_1184 : vector<16xi32>
      %gather3A_1186 = tpu.vector_load_idx %arg9[%add3A_1185, %and3A_1146] : memref<512x128xf32, #tpu.memory_space<vmem>>[vector<16xi32>, vector<16xi32>], vector<16xf32>,
      %get3A_1187 = arith.constant 2 : i32
      %get3A_1188 = arith.index_cast %get3A_1187 : i32 to index
      %get3A_1189 = arith.constant 0 : index
      %get3A_1190 = tpu.vector_load %arg11[%get3A_1188, %get3A_1189] {strides = array<i32>} : memref<32x16xf32, #tpu.memory_space<vmem>>, vector<16xf32>,
      %select_n3A_1191 = arith.select %ge3A_1148, %gather3A_1186, %gather3A_1182 : vector<16xi1>, vector<16xf32>
      %mul3A_1192 = arith.mulf %get3A_1190, %select_n3A_1191 : vector<16xf32>
      %add3A_1193 = arith.addf %add3A_1178, %mul3A_1192 : vector<16xf32>
      %add3A_1194 = arith.constant 3 : i32
      %add3A_1195 = vector.broadcast %add3A_1194 : i32 to vector<16xi32>
      %add3A_1196 = arith.addi %mul3A_10, %add3A_1195 : vector<16xi32>
      %gather3A_1197 = tpu.vector_load_idx %arg10[%add3A_1196, %and3A_1146] : memref<448x128xf32, #tpu.memory_space<vmem>>[vector<16xi32>, vector<16xi32>], vector<16xf32>,
      %add3A_1198 = arith.constant 3 : i32
      %add3A_1199 = vector.broadcast %add3A_1198 : i32 to vector<16xi32>
      %add3A_1200 = arith.addi %mul3A_19, %add3A_1199 : vector<16xi32>
      %gather3A_1201 = tpu.vector_load_idx %arg9[%add3A_1200, %and3A_1146] : memref<512x128xf32, #tpu.memory_space<vmem>>[vector<16xi32>, vector<16xi32>], vector<16xf32>,
      %get3A_1202 = arith.constant 3 : i32
      %get3A_1203 = arith.index_cast %get3A_1202 : i32 to index
      %get3A_1204 = arith.constant 0 : index
      %get3A_1205 = tpu.vector_load %arg11[%get3A_1203, %get3A_1204] {strides = array<i32>} : memref<32x16xf32, #tpu.memory_space<vmem>>, vector<16xf32>,
      %select_n3A_1206 = arith.select %ge3A_1148, %gather3A_1201, %gather3A_1197 : vector<16xi1>, vector<16xf32>
      %mul3A_1207 = arith.mulf %get3A_1205, %select_n3A_1206 : vector<16xf32>
      %add3A_1208 = arith.addf %add3A_1193, %mul3A_1207 : vector<16xf32>
      %add3A_1209 = arith.constant 4 : i32
      %add3A_1210 = vector.broadcast %add3A_1209 : i32 to vector<16xi32>
      %add3A_1211 = arith.addi %mul3A_10, %add3A_1210 : vector<16xi32>
      %gather3A_1212 = tpu.vector_load_idx %arg10[%add3A_1211, %and3A_1146] : memref<448x128xf32, #tpu.memory_space<vmem>>[vector<16xi32>, vector<16xi32>], vector<16xf32>,
      %add3A_1213 = arith.constant 4 : i32
      %add3A_1214 = vector.broadcast %add3A_1213 : i32 to vector<16xi32>
      %add3A_1215 = arith.addi %mul3A_19, %add3A_1214 : vector<16xi32>
      %gather3A_1216 = tpu.vector_load_idx %arg9[%add3A_1215, %and3A_1146] : memref<512x128xf32, #tpu.memory_space<vmem>>[vector<16xi32>, vector<16xi32>], vector<16xf32>,
      %get3A_1217 = arith.constant 4 : i32
      %get3A_1218 = arith.index_cast %get3A_1217 : i32 to index
      %get3A_1219 = arith.constant 0 : index
      %get3A_1220 = tpu.vector_load %arg11[%get3A_1218, %get3A_1219] {strides = array<i32>} : memref<32x16xf32, #tpu.memory_space<vmem>>, vector<16xf32>,
      %select_n3A_1221 = arith.select %ge3A_1148, %gather3A_1216, %gather3A_1212 : vector<16xi1>, vector<16xf32>
      %mul3A_1222 = arith.mulf %get3A_1220, %select_n3A_1221 : vector<16xf32>
      %add3A_1223 = arith.addf %add3A_1208, %mul3A_1222 : vector<16xf32>
      %add3A_1224 = arith.constant 5 : i32
      %add3A_1225 = vector.broadcast %add3A_1224 : i32 to vector<16xi32>
      %add3A_1226 = arith.addi %mul3A_10, %add3A_1225 : vector<16xi32>
      %gather3A_1227 = tpu.vector_load_idx %arg10[%add3A_1226, %and3A_1146] : memref<448x128xf32, #tpu.memory_space<vmem>>[vector<16xi32>, vector<16xi32>], vector<16xf32>,
      %add3A_1228 = arith.constant 5 : i32
      %add3A_1229 = vector.broadcast %add3A_1228 : i32 to vector<16xi32>
      %add3A_1230 = arith.addi %mul3A_19, %add3A_1229 : vector<16xi32>
      %gather3A_1231 = tpu.vector_load_idx %arg9[%add3A_1230, %and3A_1146] : memref<512x128xf32, #tpu.memory_space<vmem>>[vector<16xi32>, vector<16xi32>], vector<16xf32>,
      %get3A_1232 = arith.constant 5 : i32
      %get3A_1233 = arith.index_cast %get3A_1232 : i32 to index
      %get3A_1234 = arith.constant 0 : index
      %get3A_1235 = tpu.vector_load %arg11[%get3A_1233, %get3A_1234] {strides = array<i32>} : memref<32x16xf32, #tpu.memory_space<vmem>>, vector<16xf32>,
      %select_n3A_1236 = arith.select %ge3A_1148, %gather3A_1231, %gather3A_1227 : vector<16xi1>, vector<16xf32>
      %mul3A_1237 = arith.mulf %get3A_1235, %select_n3A_1236 : vector<16xf32>
      %add3A_1238 = arith.addf %add3A_1223, %mul3A_1237 : vector<16xf32>
      %add3A_1239 = arith.constant 6 : i32
      %add3A_1240 = vector.broadcast %add3A_1239 : i32 to vector<16xi32>
      %add3A_1241 = arith.addi %mul3A_10, %add3A_1240 : vector<16xi32>
      %gather3A_1242 = tpu.vector_load_idx %arg10[%add3A_1241, %and3A_1146] : memref<448x128xf32, #tpu.memory_space<vmem>>[vector<16xi32>, vector<16xi32>], vector<16xf32>,
      %add3A_1243 = arith.constant 6 : i32
      %add3A_1244 = vector.broadcast %add3A_1243 : i32 to vector<16xi32>
      %add3A_1245 = arith.addi %mul3A_19, %add3A_1244 : vector<16xi32>
      %gather3A_1246 = tpu.vector_load_idx %arg9[%add3A_1245, %and3A_1146] : memref<512x128xf32, #tpu.memory_space<vmem>>[vector<16xi32>, vector<16xi32>], vector<16xf32>,
      %get3A_1247 = arith.constant 6 : i32
      %get3A_1248 = arith.index_cast %get3A_1247 : i32 to index
      %get3A_1249 = arith.constant 0 : index
      %get3A_1250 = tpu.vector_load %arg11[%get3A_1248, %get3A_1249] {strides = array<i32>} : memref<32x16xf32, #tpu.memory_space<vmem>>, vector<16xf32>,
      %select_n3A_1251 = arith.select %ge3A_1148, %gather3A_1246, %gather3A_1242 : vector<16xi1>, vector<16xf32>
      %mul3A_1252 = arith.mulf %get3A_1250, %select_n3A_1251 : vector<16xf32>
      %add3A_1253 = arith.addf %add3A_1238, %mul3A_1252 : vector<16xf32>
      %add3A_1254 = arith.constant 7 : i32
      %add3A_1255 = vector.broadcast %add3A_1254 : i32 to vector<16xi32>
      %add3A_1256 = arith.addi %mul3A_10, %add3A_1255 : vector<16xi32>
      %gather3A_1257 = tpu.vector_load_idx %arg10[%add3A_1256, %and3A_1146] : memref<448x128xf32, #tpu.memory_space<vmem>>[vector<16xi32>, vector<16xi32>], vector<16xf32>,
      %add3A_1258 = arith.constant 7 : i32
      %add3A_1259 = vector.broadcast %add3A_1258 : i32 to vector<16xi32>
      %add3A_1260 = arith.addi %mul3A_19, %add3A_1259 : vector<16xi32>
      %gather3A_1261 = tpu.vector_load_idx %arg9[%add3A_1260, %and3A_1146] : memref<512x128xf32, #tpu.memory_space<vmem>>[vector<16xi32>, vector<16xi32>], vector<16xf32>,
      %get3A_1262 = arith.constant 7 : i32
      %get3A_1263 = arith.index_cast %get3A_1262 : i32 to index
      %get3A_1264 = arith.constant 0 : index
      %get3A_1265 = tpu.vector_load %arg11[%get3A_1263, %get3A_1264] {strides = array<i32>} : memref<32x16xf32, #tpu.memory_space<vmem>>, vector<16xf32>,
      %select_n3A_1266 = arith.select %ge3A_1148, %gather3A_1261, %gather3A_1257 : vector<16xi1>, vector<16xf32>
      %mul3A_1267 = arith.mulf %get3A_1265, %select_n3A_1266 : vector<16xf32>
      %add3A_1268 = arith.addf %add3A_1253, %mul3A_1267 : vector<16xf32>
      %add3A_1269 = arith.constant 8 : i32
      %add3A_1270 = vector.broadcast %add3A_1269 : i32 to vector<16xi32>
      %add3A_1271 = arith.addi %mul3A_10, %add3A_1270 : vector<16xi32>
      %gather3A_1272 = tpu.vector_load_idx %arg10[%add3A_1271, %and3A_1146] : memref<448x128xf32, #tpu.memory_space<vmem>>[vector<16xi32>, vector<16xi32>], vector<16xf32>,
      %add3A_1273 = arith.constant 8 : i32
      %add3A_1274 = vector.broadcast %add3A_1273 : i32 to vector<16xi32>
      %add3A_1275 = arith.addi %mul3A_19, %add3A_1274 : vector<16xi32>
      %gather3A_1276 = tpu.vector_load_idx %arg9[%add3A_1275, %and3A_1146] : memref<512x128xf32, #tpu.memory_space<vmem>>[vector<16xi32>, vector<16xi32>], vector<16xf32>,
      %get3A_1277 = arith.constant 8 : i32
      %get3A_1278 = arith.index_cast %get3A_1277 : i32 to index
      %get3A_1279 = arith.constant 0 : index
      %get3A_1280 = tpu.vector_load %arg11[%get3A_1278, %get3A_1279] {strides = array<i32>} : memref<32x16xf32, #tpu.memory_space<vmem>>, vector<16xf32>,
      %select_n3A_1281 = arith.select %ge3A_1148, %gather3A_1276, %gather3A_1272 : vector<16xi1>, vector<16xf32>
      %mul3A_1282 = arith.mulf %get3A_1280, %select_n3A_1281 : vector<16xf32>
      %add3A_1283 = arith.addf %add3A_1268, %mul3A_1282 : vector<16xf32>
      %add3A_1284 = arith.constant 9 : i32
      %add3A_1285 = vector.broadcast %add3A_1284 : i32 to vector<16xi32>
      %add3A_1286 = arith.addi %mul3A_10, %add3A_1285 : vector<16xi32>
      %gather3A_1287 = tpu.vector_load_idx %arg10[%add3A_1286, %and3A_1146] : memref<448x128xf32, #tpu.memory_space<vmem>>[vector<16xi32>, vector<16xi32>], vector<16xf32>,
      %add3A_1288 = arith.constant 9 : i32
      %add3A_1289 = vector.broadcast %add3A_1288 : i32 to vector<16xi32>
      %add3A_1290 = arith.addi %mul3A_19, %add3A_1289 : vector<16xi32>
      %gather3A_1291 = tpu.vector_load_idx %arg9[%add3A_1290, %and3A_1146] : memref<512x128xf32, #tpu.memory_space<vmem>>[vector<16xi32>, vector<16xi32>], vector<16xf32>,
      %get3A_1292 = arith.constant 9 : i32
      %get3A_1293 = arith.index_cast %get3A_1292 : i32 to index
      %get3A_1294 = arith.constant 0 : index
      %get3A_1295 = tpu.vector_load %arg11[%get3A_1293, %get3A_1294] {strides = array<i32>} : memref<32x16xf32, #tpu.memory_space<vmem>>, vector<16xf32>,
      %select_n3A_1296 = arith.select %ge3A_1148, %gather3A_1291, %gather3A_1287 : vector<16xi1>, vector<16xf32>
      %mul3A_1297 = arith.mulf %get3A_1295, %select_n3A_1296 : vector<16xf32>
      %add3A_1298 = arith.addf %add3A_1283, %mul3A_1297 : vector<16xf32>
      %add3A_1299 = arith.constant 10 : i32
      %add3A_1300 = vector.broadcast %add3A_1299 : i32 to vector<16xi32>
      %add3A_1301 = arith.addi %mul3A_10, %add3A_1300 : vector<16xi32>
      %gather3A_1302 = tpu.vector_load_idx %arg10[%add3A_1301, %and3A_1146] : memref<448x128xf32, #tpu.memory_space<vmem>>[vector<16xi32>, vector<16xi32>], vector<16xf32>,
      %add3A_1303 = arith.constant 10 : i32
      %add3A_1304 = vector.broadcast %add3A_1303 : i32 to vector<16xi32>
      %add3A_1305 = arith.addi %mul3A_19, %add3A_1304 : vector<16xi32>
      %gather3A_1306 = tpu.vector_load_idx %arg9[%add3A_1305, %and3A_1146] : memref<512x128xf32, #tpu.memory_space<vmem>>[vector<16xi32>, vector<16xi32>], vector<16xf32>,
      %get3A_1307 = arith.constant 10 : i32
      %get3A_1308 = arith.index_cast %get3A_1307 : i32 to index
      %get3A_1309 = arith.constant 0 : index
      %get3A_1310 = tpu.vector_load %arg11[%get3A_1308, %get3A_1309] {strides = array<i32>} : memref<32x16xf32, #tpu.memory_space<vmem>>, vector<16xf32>,
      %select_n3A_1311 = arith.select %ge3A_1148, %gather3A_1306, %gather3A_1302 : vector<16xi1>, vector<16xf32>
      %mul3A_1312 = arith.mulf %get3A_1310, %select_n3A_1311 : vector<16xf32>
      %add3A_1313 = arith.addf %add3A_1298, %mul3A_1312 : vector<16xf32>
      %add3A_1314 = arith.constant 11 : i32
      %add3A_1315 = vector.broadcast %add3A_1314 : i32 to vector<16xi32>
      %add3A_1316 = arith.addi %mul3A_10, %add3A_1315 : vector<16xi32>
      %gather3A_1317 = tpu.vector_load_idx %arg10[%add3A_1316, %and3A_1146] : memref<448x128xf32, #tpu.memory_space<vmem>>[vector<16xi32>, vector<16xi32>], vector<16xf32>,
      %add3A_1318 = arith.constant 11 : i32
      %add3A_1319 = vector.broadcast %add3A_1318 : i32 to vector<16xi32>
      %add3A_1320 = arith.addi %mul3A_19, %add3A_1319 : vector<16xi32>
      %gather3A_1321 = tpu.vector_load_idx %arg9[%add3A_1320, %and3A_1146] : memref<512x128xf32, #tpu.memory_space<vmem>>[vector<16xi32>, vector<16xi32>], vector<16xf32>,
      %get3A_1322 = arith.constant 11 : i32
      %get3A_1323 = arith.index_cast %get3A_1322 : i32 to index
      %get3A_1324 = arith.constant 0 : index
      %get3A_1325 = tpu.vector_load %arg11[%get3A_1323, %get3A_1324] {strides = array<i32>} : memref<32x16xf32, #tpu.memory_space<vmem>>, vector<16xf32>,
      %select_n3A_1326 = arith.select %ge3A_1148, %gather3A_1321, %gather3A_1317 : vector<16xi1>, vector<16xf32>
      %mul3A_1327 = arith.mulf %get3A_1325, %select_n3A_1326 : vector<16xf32>
      %add3A_1328 = arith.addf %add3A_1313, %mul3A_1327 : vector<16xf32>
      %add3A_1329 = arith.constant 12 : i32
      %add3A_1330 = vector.broadcast %add3A_1329 : i32 to vector<16xi32>
      %add3A_1331 = arith.addi %mul3A_10, %add3A_1330 : vector<16xi32>
      %gather3A_1332 = tpu.vector_load_idx %arg10[%add3A_1331, %and3A_1146] : memref<448x128xf32, #tpu.memory_space<vmem>>[vector<16xi32>, vector<16xi32>], vector<16xf32>,
      %add3A_1333 = arith.constant 12 : i32
      %add3A_1334 = vector.broadcast %add3A_1333 : i32 to vector<16xi32>
      %add3A_1335 = arith.addi %mul3A_19, %add3A_1334 : vector<16xi32>
      %gather3A_1336 = tpu.vector_load_idx %arg9[%add3A_1335, %and3A_1146] : memref<512x128xf32, #tpu.memory_space<vmem>>[vector<16xi32>, vector<16xi32>], vector<16xf32>,
      %get3A_1337 = arith.constant 12 : i32
      %get3A_1338 = arith.index_cast %get3A_1337 : i32 to index
      %get3A_1339 = arith.constant 0 : index
      %get3A_1340 = tpu.vector_load %arg11[%get3A_1338, %get3A_1339] {strides = array<i32>} : memref<32x16xf32, #tpu.memory_space<vmem>>, vector<16xf32>,
      %select_n3A_1341 = arith.select %ge3A_1148, %gather3A_1336, %gather3A_1332 : vector<16xi1>, vector<16xf32>
      %mul3A_1342 = arith.mulf %get3A_1340, %select_n3A_1341 : vector<16xf32>
      %add3A_1343 = arith.addf %add3A_1328, %mul3A_1342 : vector<16xf32>
      %add3A_1344 = arith.constant 13 : i32
      %add3A_1345 = vector.broadcast %add3A_1344 : i32 to vector<16xi32>
      %add3A_1346 = arith.addi %mul3A_10, %add3A_1345 : vector<16xi32>
      %gather3A_1347 = tpu.vector_load_idx %arg10[%add3A_1346, %and3A_1146] : memref<448x128xf32, #tpu.memory_space<vmem>>[vector<16xi32>, vector<16xi32>], vector<16xf32>,
      %add3A_1348 = arith.constant 13 : i32
      %add3A_1349 = vector.broadcast %add3A_1348 : i32 to vector<16xi32>
      %add3A_1350 = arith.addi %mul3A_19, %add3A_1349 : vector<16xi32>
      %gather3A_1351 = tpu.vector_load_idx %arg9[%add3A_1350, %and3A_1146] : memref<512x128xf32, #tpu.memory_space<vmem>>[vector<16xi32>, vector<16xi32>], vector<16xf32>,
      %get3A_1352 = arith.constant 13 : i32
      %get3A_1353 = arith.index_cast %get3A_1352 : i32 to index
      %get3A_1354 = arith.constant 0 : index
      %get3A_1355 = tpu.vector_load %arg11[%get3A_1353, %get3A_1354] {strides = array<i32>} : memref<32x16xf32, #tpu.memory_space<vmem>>, vector<16xf32>,
      %select_n3A_1356 = arith.select %ge3A_1148, %gather3A_1351, %gather3A_1347 : vector<16xi1>, vector<16xf32>
      %mul3A_1357 = arith.mulf %get3A_1355, %select_n3A_1356 : vector<16xf32>
      %add3A_1358 = arith.addf %add3A_1343, %mul3A_1357 : vector<16xf32>
      %add3A_1359 = arith.constant 14 : i32
      %add3A_1360 = vector.broadcast %add3A_1359 : i32 to vector<16xi32>
      %add3A_1361 = arith.addi %mul3A_10, %add3A_1360 : vector<16xi32>
      %gather3A_1362 = tpu.vector_load_idx %arg10[%add3A_1361, %and3A_1146] : memref<448x128xf32, #tpu.memory_space<vmem>>[vector<16xi32>, vector<16xi32>], vector<16xf32>,
      %add3A_1363 = arith.constant 14 : i32
      %add3A_1364 = vector.broadcast %add3A_1363 : i32 to vector<16xi32>
      %add3A_1365 = arith.addi %mul3A_19, %add3A_1364 : vector<16xi32>
      %gather3A_1366 = tpu.vector_load_idx %arg9[%add3A_1365, %and3A_1146] : memref<512x128xf32, #tpu.memory_space<vmem>>[vector<16xi32>, vector<16xi32>], vector<16xf32>,
      %get3A_1367 = arith.constant 14 : i32
      %get3A_1368 = arith.index_cast %get3A_1367 : i32 to index
      %get3A_1369 = arith.constant 0 : index
      %get3A_1370 = tpu.vector_load %arg11[%get3A_1368, %get3A_1369] {strides = array<i32>} : memref<32x16xf32, #tpu.memory_space<vmem>>, vector<16xf32>,
      %select_n3A_1371 = arith.select %ge3A_1148, %gather3A_1366, %gather3A_1362 : vector<16xi1>, vector<16xf32>
      %mul3A_1372 = arith.mulf %get3A_1370, %select_n3A_1371 : vector<16xf32>
      %add3A_1373 = arith.addf %add3A_1358, %mul3A_1372 : vector<16xf32>
      %add3A_1374 = arith.constant 15 : i32
      %add3A_1375 = vector.broadcast %add3A_1374 : i32 to vector<16xi32>
      %add3A_1376 = arith.addi %mul3A_10, %add3A_1375 : vector<16xi32>
      %gather3A_1377 = tpu.vector_load_idx %arg10[%add3A_1376, %and3A_1146] : memref<448x128xf32, #tpu.memory_space<vmem>>[vector<16xi32>, vector<16xi32>], vector<16xf32>,
      %add3A_1378 = arith.constant 15 : i32
      %add3A_1379 = vector.broadcast %add3A_1378 : i32 to vector<16xi32>
      %add3A_1380 = arith.addi %mul3A_19, %add3A_1379 : vector<16xi32>
      %gather3A_1381 = tpu.vector_load_idx %arg9[%add3A_1380, %and3A_1146] : memref<512x128xf32, #tpu.memory_space<vmem>>[vector<16xi32>, vector<16xi32>], vector<16xf32>,
      %get3A_1382 = arith.constant 15 : i32
      %get3A_1383 = arith.index_cast %get3A_1382 : i32 to index
      %get3A_1384 = arith.constant 0 : index
      %get3A_1385 = tpu.vector_load %arg11[%get3A_1383, %get3A_1384] {strides = array<i32>} : memref<32x16xf32, #tpu.memory_space<vmem>>, vector<16xf32>,
      %select_n3A_1386 = arith.select %ge3A_1148, %gather3A_1381, %gather3A_1377 : vector<16xi1>, vector<16xf32>
      %mul3A_1387 = arith.mulf %get3A_1385, %select_n3A_1386 : vector<16xf32>
      %add3A_1388 = arith.addf %add3A_1373, %mul3A_1387 : vector<16xf32>
      %add3A_1389 = arith.constant 16 : i32
      %add3A_1390 = vector.broadcast %add3A_1389 : i32 to vector<16xi32>
      %add3A_1391 = arith.addi %mul3A_10, %add3A_1390 : vector<16xi32>
      %gather3A_1392 = tpu.vector_load_idx %arg10[%add3A_1391, %and3A_1146] : memref<448x128xf32, #tpu.memory_space<vmem>>[vector<16xi32>, vector<16xi32>], vector<16xf32>,
      %add3A_1393 = arith.constant 16 : i32
      %add3A_1394 = vector.broadcast %add3A_1393 : i32 to vector<16xi32>
      %add3A_1395 = arith.addi %mul3A_19, %add3A_1394 : vector<16xi32>
      %gather3A_1396 = tpu.vector_load_idx %arg9[%add3A_1395, %and3A_1146] : memref<512x128xf32, #tpu.memory_space<vmem>>[vector<16xi32>, vector<16xi32>], vector<16xf32>,
      %get3A_1397 = arith.constant 16 : i32
      %get3A_1398 = arith.index_cast %get3A_1397 : i32 to index
      %get3A_1399 = arith.constant 0 : index
      %get3A_1400 = tpu.vector_load %arg11[%get3A_1398, %get3A_1399] {strides = array<i32>} : memref<32x16xf32, #tpu.memory_space<vmem>>, vector<16xf32>,
      %select_n3A_1401 = arith.select %ge3A_1148, %gather3A_1396, %gather3A_1392 : vector<16xi1>, vector<16xf32>
      %mul3A_1402 = arith.mulf %get3A_1400, %select_n3A_1401 : vector<16xf32>
      %add3A_1403 = arith.addf %add3A_1388, %mul3A_1402 : vector<16xf32>
      %add3A_1404 = arith.constant 17 : i32
      %add3A_1405 = vector.broadcast %add3A_1404 : i32 to vector<16xi32>
      %add3A_1406 = arith.addi %mul3A_10, %add3A_1405 : vector<16xi32>
      %gather3A_1407 = tpu.vector_load_idx %arg10[%add3A_1406, %and3A_1146] : memref<448x128xf32, #tpu.memory_space<vmem>>[vector<16xi32>, vector<16xi32>], vector<16xf32>,
      %add3A_1408 = arith.constant 17 : i32
      %add3A_1409 = vector.broadcast %add3A_1408 : i32 to vector<16xi32>
      %add3A_1410 = arith.addi %mul3A_19, %add3A_1409 : vector<16xi32>
      %gather3A_1411 = tpu.vector_load_idx %arg9[%add3A_1410, %and3A_1146] : memref<512x128xf32, #tpu.memory_space<vmem>>[vector<16xi32>, vector<16xi32>], vector<16xf32>,
      %get3A_1412 = arith.constant 17 : i32
      %get3A_1413 = arith.index_cast %get3A_1412 : i32 to index
      %get3A_1414 = arith.constant 0 : index
      %get3A_1415 = tpu.vector_load %arg11[%get3A_1413, %get3A_1414] {strides = array<i32>} : memref<32x16xf32, #tpu.memory_space<vmem>>, vector<16xf32>,
      %select_n3A_1416 = arith.select %ge3A_1148, %gather3A_1411, %gather3A_1407 : vector<16xi1>, vector<16xf32>
      %mul3A_1417 = arith.mulf %get3A_1415, %select_n3A_1416 : vector<16xf32>
      %add3A_1418 = arith.addf %add3A_1403, %mul3A_1417 : vector<16xf32>
      %add3A_1419 = arith.constant 18 : i32
      %add3A_1420 = vector.broadcast %add3A_1419 : i32 to vector<16xi32>
      %add3A_1421 = arith.addi %mul3A_10, %add3A_1420 : vector<16xi32>
      %gather3A_1422 = tpu.vector_load_idx %arg10[%add3A_1421, %and3A_1146] : memref<448x128xf32, #tpu.memory_space<vmem>>[vector<16xi32>, vector<16xi32>], vector<16xf32>,
      %add3A_1423 = arith.constant 18 : i32
      %add3A_1424 = vector.broadcast %add3A_1423 : i32 to vector<16xi32>
      %add3A_1425 = arith.addi %mul3A_19, %add3A_1424 : vector<16xi32>
      %gather3A_1426 = tpu.vector_load_idx %arg9[%add3A_1425, %and3A_1146] : memref<512x128xf32, #tpu.memory_space<vmem>>[vector<16xi32>, vector<16xi32>], vector<16xf32>,
      %get3A_1427 = arith.constant 18 : i32
      %get3A_1428 = arith.index_cast %get3A_1427 : i32 to index
      %get3A_1429 = arith.constant 0 : index
      %get3A_1430 = tpu.vector_load %arg11[%get3A_1428, %get3A_1429] {strides = array<i32>} : memref<32x16xf32, #tpu.memory_space<vmem>>, vector<16xf32>,
      %select_n3A_1431 = arith.select %ge3A_1148, %gather3A_1426, %gather3A_1422 : vector<16xi1>, vector<16xf32>
      %mul3A_1432 = arith.mulf %get3A_1430, %select_n3A_1431 : vector<16xf32>
      %add3A_1433 = arith.addf %add3A_1418, %mul3A_1432 : vector<16xf32>
      %add3A_1434 = arith.constant 19 : i32
      %add3A_1435 = vector.broadcast %add3A_1434 : i32 to vector<16xi32>
      %add3A_1436 = arith.addi %mul3A_10, %add3A_1435 : vector<16xi32>
      %gather3A_1437 = tpu.vector_load_idx %arg10[%add3A_1436, %and3A_1146] : memref<448x128xf32, #tpu.memory_space<vmem>>[vector<16xi32>, vector<16xi32>], vector<16xf32>,
      %add3A_1438 = arith.constant 19 : i32
      %add3A_1439 = vector.broadcast %add3A_1438 : i32 to vector<16xi32>
      %add3A_1440 = arith.addi %mul3A_19, %add3A_1439 : vector<16xi32>
      %gather3A_1441 = tpu.vector_load_idx %arg9[%add3A_1440, %and3A_1146] : memref<512x128xf32, #tpu.memory_space<vmem>>[vector<16xi32>, vector<16xi32>], vector<16xf32>,
      %get3A_1442 = arith.constant 19 : i32
      %get3A_1443 = arith.index_cast %get3A_1442 : i32 to index
      %get3A_1444 = arith.constant 0 : index
      %get3A_1445 = tpu.vector_load %arg11[%get3A_1443, %get3A_1444] {strides = array<i32>} : memref<32x16xf32, #tpu.memory_space<vmem>>, vector<16xf32>,
      %select_n3A_1446 = arith.select %ge3A_1148, %gather3A_1441, %gather3A_1437 : vector<16xi1>, vector<16xf32>
      %mul3A_1447 = arith.mulf %get3A_1445, %select_n3A_1446 : vector<16xf32>
      %add3A_1448 = arith.addf %add3A_1433, %mul3A_1447 : vector<16xf32>
      %add3A_1449 = arith.constant 20 : i32
      %add3A_1450 = vector.broadcast %add3A_1449 : i32 to vector<16xi32>
      %add3A_1451 = arith.addi %mul3A_10, %add3A_1450 : vector<16xi32>
      %gather3A_1452 = tpu.vector_load_idx %arg10[%add3A_1451, %and3A_1146] : memref<448x128xf32, #tpu.memory_space<vmem>>[vector<16xi32>, vector<16xi32>], vector<16xf32>,
      %add3A_1453 = arith.constant 20 : i32
      %add3A_1454 = vector.broadcast %add3A_1453 : i32 to vector<16xi32>
      %add3A_1455 = arith.addi %mul3A_19, %add3A_1454 : vector<16xi32>
      %gather3A_1456 = tpu.vector_load_idx %arg9[%add3A_1455, %and3A_1146] : memref<512x128xf32, #tpu.memory_space<vmem>>[vector<16xi32>, vector<16xi32>], vector<16xf32>,
      %get3A_1457 = arith.constant 20 : i32
      %get3A_1458 = arith.index_cast %get3A_1457 : i32 to index
      %get3A_1459 = arith.constant 0 : index
      %get3A_1460 = tpu.vector_load %arg11[%get3A_1458, %get3A_1459] {strides = array<i32>} : memref<32x16xf32, #tpu.memory_space<vmem>>, vector<16xf32>,
      %select_n3A_1461 = arith.select %ge3A_1148, %gather3A_1456, %gather3A_1452 : vector<16xi1>, vector<16xf32>
      %mul3A_1462 = arith.mulf %get3A_1460, %select_n3A_1461 : vector<16xf32>
      %add3A_1463 = arith.addf %add3A_1448, %mul3A_1462 : vector<16xf32>
      %add3A_1464 = arith.constant 21 : i32
      %add3A_1465 = vector.broadcast %add3A_1464 : i32 to vector<16xi32>
      %add3A_1466 = arith.addi %mul3A_10, %add3A_1465 : vector<16xi32>
      %gather3A_1467 = tpu.vector_load_idx %arg10[%add3A_1466, %and3A_1146] : memref<448x128xf32, #tpu.memory_space<vmem>>[vector<16xi32>, vector<16xi32>], vector<16xf32>,
      %add3A_1468 = arith.constant 21 : i32
      %add3A_1469 = vector.broadcast %add3A_1468 : i32 to vector<16xi32>
      %add3A_1470 = arith.addi %mul3A_19, %add3A_1469 : vector<16xi32>
      %gather3A_1471 = tpu.vector_load_idx %arg9[%add3A_1470, %and3A_1146] : memref<512x128xf32, #tpu.memory_space<vmem>>[vector<16xi32>, vector<16xi32>], vector<16xf32>,
      %get3A_1472 = arith.constant 21 : i32
      %get3A_1473 = arith.index_cast %get3A_1472 : i32 to index
      %get3A_1474 = arith.constant 0 : index
      %get3A_1475 = tpu.vector_load %arg11[%get3A_1473, %get3A_1474] {strides = array<i32>} : memref<32x16xf32, #tpu.memory_space<vmem>>, vector<16xf32>,
      %select_n3A_1476 = arith.select %ge3A_1148, %gather3A_1471, %gather3A_1467 : vector<16xi1>, vector<16xf32>
      %mul3A_1477 = arith.mulf %get3A_1475, %select_n3A_1476 : vector<16xf32>
      %add3A_1478 = arith.addf %add3A_1463, %mul3A_1477 : vector<16xf32>
      %add3A_1479 = arith.constant 22 : i32
      %add3A_1480 = vector.broadcast %add3A_1479 : i32 to vector<16xi32>
      %add3A_1481 = arith.addi %mul3A_10, %add3A_1480 : vector<16xi32>
      %gather3A_1482 = tpu.vector_load_idx %arg10[%add3A_1481, %and3A_1146] : memref<448x128xf32, #tpu.memory_space<vmem>>[vector<16xi32>, vector<16xi32>], vector<16xf32>,
      %add3A_1483 = arith.constant 22 : i32
      %add3A_1484 = vector.broadcast %add3A_1483 : i32 to vector<16xi32>
      %add3A_1485 = arith.addi %mul3A_19, %add3A_1484 : vector<16xi32>
      %gather3A_1486 = tpu.vector_load_idx %arg9[%add3A_1485, %and3A_1146] : memref<512x128xf32, #tpu.memory_space<vmem>>[vector<16xi32>, vector<16xi32>], vector<16xf32>,
      %get3A_1487 = arith.constant 22 : i32
      %get3A_1488 = arith.index_cast %get3A_1487 : i32 to index
      %get3A_1489 = arith.constant 0 : index
      %get3A_1490 = tpu.vector_load %arg11[%get3A_1488, %get3A_1489] {strides = array<i32>} : memref<32x16xf32, #tpu.memory_space<vmem>>, vector<16xf32>,
      %select_n3A_1491 = arith.select %ge3A_1148, %gather3A_1486, %gather3A_1482 : vector<16xi1>, vector<16xf32>
      %mul3A_1492 = arith.mulf %get3A_1490, %select_n3A_1491 : vector<16xf32>
      %add3A_1493 = arith.addf %add3A_1478, %mul3A_1492 : vector<16xf32>
      %add3A_1494 = arith.constant 23 : i32
      %add3A_1495 = vector.broadcast %add3A_1494 : i32 to vector<16xi32>
      %add3A_1496 = arith.addi %mul3A_10, %add3A_1495 : vector<16xi32>
      %gather3A_1497 = tpu.vector_load_idx %arg10[%add3A_1496, %and3A_1146] : memref<448x128xf32, #tpu.memory_space<vmem>>[vector<16xi32>, vector<16xi32>], vector<16xf32>,
      %add3A_1498 = arith.constant 23 : i32
      %add3A_1499 = vector.broadcast %add3A_1498 : i32 to vector<16xi32>
      %add3A_1500 = arith.addi %mul3A_19, %add3A_1499 : vector<16xi32>
      %gather3A_1501 = tpu.vector_load_idx %arg9[%add3A_1500, %and3A_1146] : memref<512x128xf32, #tpu.memory_space<vmem>>[vector<16xi32>, vector<16xi32>], vector<16xf32>,
      %get3A_1502 = arith.constant 23 : i32
      %get3A_1503 = arith.index_cast %get3A_1502 : i32 to index
      %get3A_1504 = arith.constant 0 : index
      %get3A_1505 = tpu.vector_load %arg11[%get3A_1503, %get3A_1504] {strides = array<i32>} : memref<32x16xf32, #tpu.memory_space<vmem>>, vector<16xf32>,
      %select_n3A_1506 = arith.select %ge3A_1148, %gather3A_1501, %gather3A_1497 : vector<16xi1>, vector<16xf32>
      %mul3A_1507 = arith.mulf %get3A_1505, %select_n3A_1506 : vector<16xf32>
      %add3A_1508 = arith.addf %add3A_1493, %mul3A_1507 : vector<16xf32>
      %add3A_1509 = arith.constant 24 : i32
      %add3A_1510 = vector.broadcast %add3A_1509 : i32 to vector<16xi32>
      %add3A_1511 = arith.addi %mul3A_10, %add3A_1510 : vector<16xi32>
      %gather3A_1512 = tpu.vector_load_idx %arg10[%add3A_1511, %and3A_1146] : memref<448x128xf32, #tpu.memory_space<vmem>>[vector<16xi32>, vector<16xi32>], vector<16xf32>,
      %add3A_1513 = arith.constant 24 : i32
      %add3A_1514 = vector.broadcast %add3A_1513 : i32 to vector<16xi32>
      %add3A_1515 = arith.addi %mul3A_19, %add3A_1514 : vector<16xi32>
      %gather3A_1516 = tpu.vector_load_idx %arg9[%add3A_1515, %and3A_1146] : memref<512x128xf32, #tpu.memory_space<vmem>>[vector<16xi32>, vector<16xi32>], vector<16xf32>,
      %get3A_1517 = arith.constant 24 : i32
      %get3A_1518 = arith.index_cast %get3A_1517 : i32 to index
      %get3A_1519 = arith.constant 0 : index
      %get3A_1520 = tpu.vector_load %arg11[%get3A_1518, %get3A_1519] {strides = array<i32>} : memref<32x16xf32, #tpu.memory_space<vmem>>, vector<16xf32>,
      %select_n3A_1521 = arith.select %ge3A_1148, %gather3A_1516, %gather3A_1512 : vector<16xi1>, vector<16xf32>
      %mul3A_1522 = arith.mulf %get3A_1520, %select_n3A_1521 : vector<16xf32>
      %add3A_1523 = arith.addf %add3A_1508, %mul3A_1522 : vector<16xf32>
      %add3A_1524 = arith.constant 25 : i32
      %add3A_1525 = vector.broadcast %add3A_1524 : i32 to vector<16xi32>
      %add3A_1526 = arith.addi %mul3A_10, %add3A_1525 : vector<16xi32>
      %gather3A_1527 = tpu.vector_load_idx %arg10[%add3A_1526, %and3A_1146] : memref<448x128xf32, #tpu.memory_space<vmem>>[vector<16xi32>, vector<16xi32>], vector<16xf32>,
      %add3A_1528 = arith.constant 25 : i32
      %add3A_1529 = vector.broadcast %add3A_1528 : i32 to vector<16xi32>
      %add3A_1530 = arith.addi %mul3A_19, %add3A_1529 : vector<16xi32>
      %gather3A_1531 = tpu.vector_load_idx %arg9[%add3A_1530, %and3A_1146] : memref<512x128xf32, #tpu.memory_space<vmem>>[vector<16xi32>, vector<16xi32>], vector<16xf32>,
      %get3A_1532 = arith.constant 25 : i32
      %get3A_1533 = arith.index_cast %get3A_1532 : i32 to index
      %get3A_1534 = arith.constant 0 : index
      %get3A_1535 = tpu.vector_load %arg11[%get3A_1533, %get3A_1534] {strides = array<i32>} : memref<32x16xf32, #tpu.memory_space<vmem>>, vector<16xf32>,
      %select_n3A_1536 = arith.select %ge3A_1148, %gather3A_1531, %gather3A_1527 : vector<16xi1>, vector<16xf32>
      %mul3A_1537 = arith.mulf %get3A_1535, %select_n3A_1536 : vector<16xf32>
      %add3A_1538 = arith.addf %add3A_1523, %mul3A_1537 : vector<16xf32>
      %add3A_1539 = arith.constant 26 : i32
      %add3A_1540 = vector.broadcast %add3A_1539 : i32 to vector<16xi32>
      %add3A_1541 = arith.addi %mul3A_10, %add3A_1540 : vector<16xi32>
      %gather3A_1542 = tpu.vector_load_idx %arg10[%add3A_1541, %and3A_1146] : memref<448x128xf32, #tpu.memory_space<vmem>>[vector<16xi32>, vector<16xi32>], vector<16xf32>,
      %add3A_1543 = arith.constant 26 : i32
      %add3A_1544 = vector.broadcast %add3A_1543 : i32 to vector<16xi32>
      %add3A_1545 = arith.addi %mul3A_19, %add3A_1544 : vector<16xi32>
      %gather3A_1546 = tpu.vector_load_idx %arg9[%add3A_1545, %and3A_1146] : memref<512x128xf32, #tpu.memory_space<vmem>>[vector<16xi32>, vector<16xi32>], vector<16xf32>,
      %get3A_1547 = arith.constant 26 : i32
      %get3A_1548 = arith.index_cast %get3A_1547 : i32 to index
      %get3A_1549 = arith.constant 0 : index
      %get3A_1550 = tpu.vector_load %arg11[%get3A_1548, %get3A_1549] {strides = array<i32>} : memref<32x16xf32, #tpu.memory_space<vmem>>, vector<16xf32>,
      %select_n3A_1551 = arith.select %ge3A_1148, %gather3A_1546, %gather3A_1542 : vector<16xi1>, vector<16xf32>
      %mul3A_1552 = arith.mulf %get3A_1550, %select_n3A_1551 : vector<16xf32>
      %add3A_1553 = arith.addf %add3A_1538, %mul3A_1552 : vector<16xf32>
      %add3A_1554 = arith.constant 27 : i32
      %add3A_1555 = vector.broadcast %add3A_1554 : i32 to vector<16xi32>
      %add3A_1556 = arith.addi %mul3A_10, %add3A_1555 : vector<16xi32>
      %gather3A_1557 = tpu.vector_load_idx %arg10[%add3A_1556, %and3A_1146] : memref<448x128xf32, #tpu.memory_space<vmem>>[vector<16xi32>, vector<16xi32>], vector<16xf32>,
      %add3A_1558 = arith.constant 27 : i32
      %add3A_1559 = vector.broadcast %add3A_1558 : i32 to vector<16xi32>
      %add3A_1560 = arith.addi %mul3A_19, %add3A_1559 : vector<16xi32>
      %gather3A_1561 = tpu.vector_load_idx %arg9[%add3A_1560, %and3A_1146] : memref<512x128xf32, #tpu.memory_space<vmem>>[vector<16xi32>, vector<16xi32>], vector<16xf32>,
      %get3A_1562 = arith.constant 27 : i32
      %get3A_1563 = arith.index_cast %get3A_1562 : i32 to index
      %get3A_1564 = arith.constant 0 : index
      %get3A_1565 = tpu.vector_load %arg11[%get3A_1563, %get3A_1564] {strides = array<i32>} : memref<32x16xf32, #tpu.memory_space<vmem>>, vector<16xf32>,
      %select_n3A_1566 = arith.select %ge3A_1148, %gather3A_1561, %gather3A_1557 : vector<16xi1>, vector<16xf32>
      %mul3A_1567 = arith.mulf %get3A_1565, %select_n3A_1566 : vector<16xf32>
      %add3A_1568 = arith.addf %add3A_1553, %mul3A_1567 : vector<16xf32>
      %add3A_1569 = arith.constant 28 : i32
      %add3A_1570 = vector.broadcast %add3A_1569 : i32 to vector<16xi32>
      %add3A_1571 = arith.addi %mul3A_10, %add3A_1570 : vector<16xi32>
      %gather3A_1572 = tpu.vector_load_idx %arg10[%add3A_1571, %and3A_1146] : memref<448x128xf32, #tpu.memory_space<vmem>>[vector<16xi32>, vector<16xi32>], vector<16xf32>,
      %add3A_1573 = arith.constant 28 : i32
      %add3A_1574 = vector.broadcast %add3A_1573 : i32 to vector<16xi32>
      %add3A_1575 = arith.addi %mul3A_19, %add3A_1574 : vector<16xi32>
      %gather3A_1576 = tpu.vector_load_idx %arg9[%add3A_1575, %and3A_1146] : memref<512x128xf32, #tpu.memory_space<vmem>>[vector<16xi32>, vector<16xi32>], vector<16xf32>,
      %get3A_1577 = arith.constant 28 : i32
      %get3A_1578 = arith.index_cast %get3A_1577 : i32 to index
      %get3A_1579 = arith.constant 0 : index
      %get3A_1580 = tpu.vector_load %arg11[%get3A_1578, %get3A_1579] {strides = array<i32>} : memref<32x16xf32, #tpu.memory_space<vmem>>, vector<16xf32>,
      %select_n3A_1581 = arith.select %ge3A_1148, %gather3A_1576, %gather3A_1572 : vector<16xi1>, vector<16xf32>
      %mul3A_1582 = arith.mulf %get3A_1580, %select_n3A_1581 : vector<16xf32>
      %add3A_1583 = arith.addf %add3A_1568, %mul3A_1582 : vector<16xf32>
      %add3A_1584 = arith.constant 29 : i32
      %add3A_1585 = vector.broadcast %add3A_1584 : i32 to vector<16xi32>
      %add3A_1586 = arith.addi %mul3A_10, %add3A_1585 : vector<16xi32>
      %gather3A_1587 = tpu.vector_load_idx %arg10[%add3A_1586, %and3A_1146] : memref<448x128xf32, #tpu.memory_space<vmem>>[vector<16xi32>, vector<16xi32>], vector<16xf32>,
      %add3A_1588 = arith.constant 29 : i32
      %add3A_1589 = vector.broadcast %add3A_1588 : i32 to vector<16xi32>
      %add3A_1590 = arith.addi %mul3A_19, %add3A_1589 : vector<16xi32>
      %gather3A_1591 = tpu.vector_load_idx %arg9[%add3A_1590, %and3A_1146] : memref<512x128xf32, #tpu.memory_space<vmem>>[vector<16xi32>, vector<16xi32>], vector<16xf32>,
      %get3A_1592 = arith.constant 29 : i32
      %get3A_1593 = arith.index_cast %get3A_1592 : i32 to index
      %get3A_1594 = arith.constant 0 : index
      %get3A_1595 = tpu.vector_load %arg11[%get3A_1593, %get3A_1594] {strides = array<i32>} : memref<32x16xf32, #tpu.memory_space<vmem>>, vector<16xf32>,
      %select_n3A_1596 = arith.select %ge3A_1148, %gather3A_1591, %gather3A_1587 : vector<16xi1>, vector<16xf32>
      %mul3A_1597 = arith.mulf %get3A_1595, %select_n3A_1596 : vector<16xf32>
      %add3A_1598 = arith.addf %add3A_1583, %mul3A_1597 : vector<16xf32>
      %add3A_1599 = arith.constant 30 : i32
      %add3A_1600 = vector.broadcast %add3A_1599 : i32 to vector<16xi32>
      %add3A_1601 = arith.addi %mul3A_10, %add3A_1600 : vector<16xi32>
      %gather3A_1602 = tpu.vector_load_idx %arg10[%add3A_1601, %and3A_1146] : memref<448x128xf32, #tpu.memory_space<vmem>>[vector<16xi32>, vector<16xi32>], vector<16xf32>,
      %add3A_1603 = arith.constant 30 : i32
      %add3A_1604 = vector.broadcast %add3A_1603 : i32 to vector<16xi32>
      %add3A_1605 = arith.addi %mul3A_19, %add3A_1604 : vector<16xi32>
      %gather3A_1606 = tpu.vector_load_idx %arg9[%add3A_1605, %and3A_1146] : memref<512x128xf32, #tpu.memory_space<vmem>>[vector<16xi32>, vector<16xi32>], vector<16xf32>,
      %get3A_1607 = arith.constant 30 : i32
      %get3A_1608 = arith.index_cast %get3A_1607 : i32 to index
      %get3A_1609 = arith.constant 0 : index
      %get3A_1610 = tpu.vector_load %arg11[%get3A_1608, %get3A_1609] {strides = array<i32>} : memref<32x16xf32, #tpu.memory_space<vmem>>, vector<16xf32>,
      %select_n3A_1611 = arith.select %ge3A_1148, %gather3A_1606, %gather3A_1602 : vector<16xi1>, vector<16xf32>
      %mul3A_1612 = arith.mulf %get3A_1610, %select_n3A_1611 : vector<16xf32>
      %add3A_1613 = arith.addf %add3A_1598, %mul3A_1612 : vector<16xf32>
      %add3A_1614 = arith.constant 31 : i32
      %add3A_1615 = vector.broadcast %add3A_1614 : i32 to vector<16xi32>
      %add3A_1616 = arith.addi %mul3A_10, %add3A_1615 : vector<16xi32>
      %gather3A_1617 = tpu.vector_load_idx %arg10[%add3A_1616, %and3A_1146] : memref<448x128xf32, #tpu.memory_space<vmem>>[vector<16xi32>, vector<16xi32>], vector<16xf32>,
      %add3A_1618 = arith.constant 31 : i32
      %add3A_1619 = vector.broadcast %add3A_1618 : i32 to vector<16xi32>
      %add3A_1620 = arith.addi %mul3A_19, %add3A_1619 : vector<16xi32>
      %gather3A_1621 = tpu.vector_load_idx %arg9[%add3A_1620, %and3A_1146] : memref<512x128xf32, #tpu.memory_space<vmem>>[vector<16xi32>, vector<16xi32>], vector<16xf32>,
      %get3A_1622 = arith.constant 31 : i32
      %get3A_1623 = arith.index_cast %get3A_1622 : i32 to index
      %get3A_1624 = arith.constant 0 : index
      %get3A_1625 = tpu.vector_load %arg11[%get3A_1623, %get3A_1624] {strides = array<i32>} : memref<32x16xf32, #tpu.memory_space<vmem>>, vector<16xf32>,
      %select_n3A_1626 = arith.select %ge3A_1148, %gather3A_1621, %gather3A_1617 : vector<16xi1>, vector<16xf32>
      %mul3A_1627 = arith.mulf %get3A_1625, %select_n3A_1626 : vector<16xf32>
      %add3A_1628 = arith.addf %add3A_1613, %mul3A_1627 : vector<16xf32>
      %swap3A_1629 = arith.index_cast %mul3A_27 : i32 to index
      %swap3A_1630 = tpu.vector_load %arg12[%swap3A_1629] {strides = array<i32>} : memref<512xf32, #tpu.memory_space<vmem>>, vector<16xf32>,
      tpu.vector_store %arg12[%swap3A_1629], %add3A_1628 {strides = array<i32>} : memref<512xf32, #tpu.memory_space<vmem>>, vector<16xf32>,
    }
    %scan3A_24 = arith.constant 32 : i32
    "tpu.region"() ({
      %run_scoped3A = tpu.sem_alloc : memref<!tpu.dma_semaphore, #tpu.memory_space<semaphore_mem>>
      %dma_start3A = tpu.memref_slice %arg6[%mul3A_2] : memref<16384xf32, #tpu.memory_space<hbm>> -> memref<512xf32, #tpu.memory_space<hbm>>
      %dma_start3A_25 = tpu.memref_slice %arg6[%mul3A_2] : memref<16384xf32, #tpu.memory_space<hbm>> -> memref<512xf32, #tpu.memory_space<hbm>>
      tpu.enqueue_dma source(%arg12 : memref<512xf32, #tpu.memory_space<vmem>>) target(%dma_start3A_25 : memref<512xf32, #tpu.memory_space<hbm>>) target_semaphore(%run_scoped3A : memref<!tpu.dma_semaphore, #tpu.memory_space<semaphore_mem>>)
      %dma_wait3A = tpu.memref_slice %arg6[%mul3A_2] : memref<16384xf32, #tpu.memory_space<hbm>> -> memref<512xf32, #tpu.memory_space<hbm>>
      %dma_wait3A_26 = tpu.memref_slice %arg6[%mul3A_2] : memref<16384xf32, #tpu.memory_space<hbm>> -> memref<512xf32, #tpu.memory_space<hbm>>
      tpu.wait_dma2 semaphore(%run_scoped3A : memref<!tpu.dma_semaphore, #tpu.memory_space<semaphore_mem>>) src(%arg12 : memref<512xf32, #tpu.memory_space<vmem>>) dst(%dma_wait3A_26 : memref<512xf32, #tpu.memory_space<hbm>>)
      tpu.yield
    }) : () -> ()
    return
  }
}

</mosaic_0001>

<sc_bundles>
// kernel: kernel.3.cloned.1.call-start
scs
__scs_entry_jumppad:
0x0: {  	(pc) =	sbr.rel $0x88, $3  }
0x1: {  	(tag) =	ssettag $0x0;
	lr =	simm.s32 $0x1  }
0x2: {  	[smem:$0x3F9D] =	sst lr;
	_ =	strace $0xD0000000  }
0x3: {  	_ = 	snop  }
0x4: {  	_ = 	snop  }
0x5: {  	_ = 	snop  }
0x6: {  	_ = 	snop  }
0x7: {  	_ = 	snop  }
__scs_overlays_trampoline_lowered:
0x8: {  	[smem:$0x3FAC] =	sst s0  }
0x9: {  	[smem:$0x3FAD] =	sst s1  }
0xa: {  	[smem:$0x3FAE] =	sst s2  }
0xb: {  	[smem:$0x3FAF] =	sst s3  }
0xc: {  	[smem:$0x3FB0] =	sst s4  }
0xd: {  	[smem:$0x3FB1] =	sst s5  }
0xe: {  	[smem:$0x3FB2] =	sst s6  }
0xf: {  	[smem:$0x3FB3] =	sst s7  }
0x10: {  	[smem:$0x3FB4] =	sst s8  }
0x11: {  	[smem:$0x3FB5] =	sst s9;
	s0 =	simm.s32 @!p0 $0x0  }
0x12: {  	s1 =	sld [smem:$0x3F9B];
	s0 =	simm.s32 @p0 $0x1  }
0x13: {  	[smem:$0x3FB6] =	sst s0;
	s0 =	simm.s32 @!p1 $0x0  }
0x14: {  	s2 =	sld [smem:$0x3F9A];
	s0 =	simm.s32 @p1 $0x1  }
0x15: {  	[smem:$0x3FB7] =	sst s0;
	s0 =	simm.s32 @!p2 $0x0  }
0x16: {  	s3 =	sld [smem:$0x3FDB];
	s0 =	simm.s32 @p2 $0x1  }
0x17: {  	s4 =	simm.s32 $0x1BF5;
	[smem:$0x3FB9] =	sst s0  }
0x18: {  	s0 =	sld [smem:$0x3F9C];
	_ =	swait.ge [sflag:s4], $0x0  }
0x19: {  	s7 =	sld [smem:$0x3F9D]  }
0x1a: {  	s8 =	sadd.s32 $0xFFFFE003, lr  }
0x1b: {  	s9 =	sadd.s32 $0xFFFFFEF7, lr;
	s5 =	simm.s32 $0xFFFFFFFF;
	p2 =	slt.u32 s8, $0xFFFFF086  }
0x1c: {  	p1 =	slt.u32 s9, $0xF7A;
	s5 =	simm.s32 @!p2 $0x0  }
0x1d: {  	s5 =	simm.s32 @p1 $0x1;
	p0 =	seq.s32 s7, s2  }
0x1e: {  	s7 =	smul.u32 @!p0 $0xF7A, s2;
	p2 =	seq.s32 @!p0 s5, $0x0  }
0x1f: {  	s9 =	smul.u32 $0xF7A, s1;
	s8 =	simm.s32 @!p0 $0x1BF5;
	p2 =	por !p2, p0  }
0x20: {  	[sflag:s8] =	ssyncset.s32 @!p0 $0xFFFFF086;
	s6 =	sadd.s32 @!p0 s3, s7;
	s7 =	simm.s32 @!p0 $0x108  }
0x21: {  	s3 =	sadd.s32 s3, s9;
	s6 =	sadd.s32 @!p0 $0x88, s6;
	s7 =	simm.s32 @p2 $0x1082  }
0x22: {  	[simem:s7], [sflag:s8] =	dma.local @!p0 [hbm:s6], $0xF7A  }
0x23: {  	s9 =	sor.u32 $0xD0000000, s2;
	s6 =	simm.s32 $0x108;
	_ =	swait.ge @!p0 [sflag:s8], $0x0  }
0x24: {  	s3 =	sadd.s32 $0x88, s3;
	s6 =	simm.s32 @!p1 $0x1082;
	[sflag:s4] =	ssyncset.s32 $0xFFFFF086  }
0x25: {  	[simem:s6], [sflag:s4] =	dma.local [hbm:s3], $0xF7A  }
0x26: {  	[smem:$0x3F9D] =	sst s1;
	(tag) =	ssettag s2;
	_ =	strace s9  }
0x27: {  	s1 =	sld [smem:$0x3FAD]  }
0x28: {  	s2 =	sld [smem:$0x3FAE]  }
0x29: {  	s4 =	sld [smem:$0x3FB0]  }
0x2a: {  	p0 =	seq.s32 s5, $0x0;
	s5 =	sld [smem:$0x3FB1]  }
0x2b: {  	s6 =	sld [smem:$0x3FB2]  }
0x2c: {  	s7 =	sld [smem:$0x3FB3]  }
0x2d: {  	s3 =	simm.s32 $0x108;
	s8 =	sld [smem:$0x3FB4]  }
0x2e: {  	s3 =	simm.s32 @!p0 $0x1082;
	s9 =	sld [smem:$0x3FB5]  }
0x2f: {  	lr =	sadd.s32 s0, s3;
	s0 =	sld [smem:$0x3FAC]  }
0x30: {  	s3 =	sld [smem:$0x3FAF]  }
0x31: {  	[smem:$0x3FB8] =	sst s10  }
0x32: {  	s10 =	sld [smem:$0x3FB6];
	_ =	sdelay $0x3  }
0x33: {  	p0 =	seq.s32 s10, $0x1;
	s10 =	sld [smem:$0x3FB8];
	_ =	sdelay $0x3  }
0x34: {  	[smem:$0x3FB8] =	sst s10  }
0x35: {  	s10 =	sld [smem:$0x3FB7];
	_ =	sdelay $0x3  }
0x36: {  	p1 =	seq.s32 s10, $0x1;
	s10 =	sld [smem:$0x3FB8];
	_ =	sdelay $0x3  }
0x37: {  	[smem:$0x3FB8] =	sst s10  }
0x38: {  	s10 =	sld [smem:$0x3FB9]  }
0x39: {  	_ = 	snop;
	(pc) =	sbr.ind lr, $3  }
0x3a: {  	_ = 	snop  }
0x3b: {  	_ = 	snop  }
0x3c: {  	p2 =	seq.s32 s10, $0x1;
	s10 =	sld [smem:$0x3FB8]  }
0x3d: {  	_ =	shalt  }
0x3e: {  	_ =	shalt  }
0x3f: {  	_ =	shalt  }
0x40: {  	_ =	shalt  }
0x41: {  	_ =	shalt  }
0x42: {  	_ =	shalt  }
0x43: {  	_ =	shalt  }
0x44: {  	_ =	shalt  }
0x45: {  	_ =	shalt  }
0x46: {  	_ =	shalt  }
0x47: {  	_ =	shalt  }
0x48: {  	_ =	shalt  }
0x49: {  	_ =	shalt  }
0x4a: {  	_ =	shalt  }
0x4b: {  	_ =	shalt  }
0x4c: {  	_ =	shalt  }
0x4d: {  	_ =	shalt  }
0x4e: {  	_ =	shalt  }
0x4f: {  	_ =	shalt  }
0x50: {  	_ =	shalt  }
0x51: {  	_ =	shalt  }
0x52: {  	_ =	shalt  }
0x53: {  	_ =	shalt  }
0x54: {  	_ =	shalt  }
0x55: {  	_ =	shalt  }
0x56: {  	_ =	shalt  }
0x57: {  	_ =	shalt  }
0x58: {  	_ =	shalt  }
0x59: {  	_ =	shalt  }
0x5a: {  	_ =	shalt  }
0x5b: {  	_ =	shalt  }
0x5c: {  	_ =	shalt  }
0x5d: {  	_ =	shalt  }
0x5e: {  	_ =	shalt  }
0x5f: {  	_ =	shalt  }
0x60: {  	_ =	shalt  }
0x61: {  	_ =	shalt  }
0x62: {  	_ =	shalt  }
0x63: {  	_ =	shalt  }
0x64: {  	_ =	shalt  }
0x65: {  	_ =	shalt  }
0x66: {  	_ =	shalt  }
0x67: {  	_ =	shalt  }
0x68: {  	_ =	shalt  }
0x69: {  	_ =	shalt  }
0x6a: {  	_ =	shalt  }
0x6b: {  	_ =	shalt  }
0x6c: {  	_ =	shalt  }
0x6d: {  	_ =	shalt  }
0x6e: {  	_ =	shalt  }
0x6f: {  	_ =	shalt  }
0x70: {  	_ =	shalt  }
0x71: {  	_ =	shalt  }
0x72: {  	_ =	shalt  }
0x73: {  	_ =	shalt  }
0x74: {  	_ =	shalt  }
0x75: {  	_ =	shalt  }
0x76: {  	_ =	shalt  }
0x77: {  	_ =	shalt  }
0x78: {  	_ =	shalt  }
0x79: {  	_ =	shalt  }
0x7a: {  	_ =	shalt  }
0x7b: {  	_ =	shalt  }
0x7c: {  	_ =	shalt  }
0x7d: {  	_ =	shalt  }
0x7e: {  	_ =	shalt  }
0x7f: {  	_ =	shalt  }
0x80: {  	_ =	shalt  }
0x81: {  	_ =	shalt  }
0x82: {  	_ =	shalt  }
0x83: {  	_ =	shalt  }
0x84: {  	_ =	shalt  }
0x85: {  	_ =	shalt  }
0x86: {  	_ =	shalt  }
0x87: {  	_ =	shalt  }
.Lfunc_end0:
.L_simem_size_0:
called_computation_lowered:
.L_overlay_start_0:
0x88: {  	s2 =	sld [smem:$0x3FD9]  }
0x89: {  	s3 =	sld [smem:$0x3FFE];
	_ =	sdelay $0x1  }
0x8a: {  	s1 =	srdreg.scid  }
0x8b: {  	s0 =	sand.u32 $0x1, s1  }
0x8c: {  	s18 =	sshll.u32 s0, $0xA;
	s2 =	sadd.s32 s3, s2  }
0x8d: {  	s2 =	sadd.s32 s2, s18  }
0x8e: {  	[smem:$0x3FC4] =	sst s2  }
0x8f: {  	_ = 	snop  }
0x90: {  	s2 =	sld [smem:$0x3FC9]  }
0x91: {  	s19 =	sld [smem:$0x3FC8]  }
0x92: {  	s4 =	sld [smem:$0x3FC7]  }
0x93: {  	s5 =	sld [smem:$0x3FC6]  }
0x94: {  	s6 =	sld [smem:$0x3FD0];
	(tm) =	ssettm $0x1  }
0x95: {  	s7 =	sld [smem:$0x3FFB];
	_ =	sdelay $0x3  }
0x96: {  	_ =	strace s7  }
0x97: {  	s7 =	sld [smem:$0x3FFC];
	_ =	sdelay $0x3  }
0x98: {  	_ =	strace s7  }
0x99: {  	s7 =	sld [smem:$0x3FFD];
	_ =	sdelay $0x3  }
0x9a: {  	_ =	strace s7  }
0x9b: {  	_ =	strace $0x8FFFFFFF  }
0x9c: {  	s20 =	sld [smem:$0x3FDB];
	_ =	sdelay $0x1  }
0x9d: {  	s8 =	simm.s32 $_scs_section_size  }
0x9e: {  	s9 =	simm.s32 $_size__tile_overlayer_lowered;
	s10 =	simm.s32 $_tile_overlayer_lowered  }
0x9f: {  	s23 =	simm.s32 $0x1BFF;
	s22 =	sshll.u32 s10, $0x1;
	s7 =	sadd.s32 s8, s20  }
0xa0: {  	s11 =	simm.s32 $0x0;
	s21 =	sshll.u32 s9, $0x1;
	s9 =	sadd.s32 s22, s7  }
0xa1: {  	[timem:s11], [sflag:s23] =	dma.local [hbm:s9], s21  }
0xa2: {  	_ =	swait.ge [sflag:s23], s21  }
0xa3: {  	s8 =	ssub.s32 $0x0, s21;
	[sflag:s23] =	ssyncset.done $0x0  }
0xa4: {  	[sflag:s23] =	ssyncadd.s32 s8;
	_ =	sdelay $0x1  }
0xa5: {  	s24 =	simm.s32 $0x1B8B  }
0xa6: {  	_ =	swait.ge [sflag:s24], $0x1  }
0xa7: {  	[sflag:s24] =	ssyncset.done $0x0  }
0xa8: {  	s25 =	simm.s32 $0x1B8E;
	[sflag:s24] =	ssyncadd.s32 $0xFFFFFFFF  }
0xa9: {  	s26 =	simm.s32 $execute0_lowered;
	[smem:$0x3FD2] =	sst s25  }
0xaa: {  	s8 =	sshll.u32 s26, $0x1;
	_ =	strace $0x80000046;
	[dreg:$0x1] =	wrdreg $0xFFFFFFFF  }
0xab: {  	s28 =	simm.s32 $_size_execute0_lowered;
	s7 =	sadd.s32 s7, s8;
	[dreg:$0x0] =	wrdreg $0x0  }
0xac: {  	s8 =	sshll.u32 s28, $0x1;
	[dreg:$0x2] =	wrdreg s7  }
0xad: {  	[dreg:$0x3] =	wrdreg s8  }
0xae: {  	[dreg:$0x4] =	wrdreg $0xC0  }
0xaf: {  	_ =	task [dreg:s11], $0x5FFFF  }
0xb0: {  	[dreg:$0x1] =	wrdreg $0xFFFFFFFF  }
0xb1: {  	[dreg:$0x0] =	wrdreg $0x60  }
0xb2: {  	[dreg:$0x2] =	wrdreg s2  }
0xb3: {  	[dreg:$0x3] =	wrdreg s19  }
0xb4: {  	[dreg:$0x4] =	wrdreg s4  }
0xb5: {  	[dreg:$0x5] =	wrdreg s5  }
0xb6: {  	[dreg:$0x6] =	wrdreg s6  }
0xb7: {  	[dreg:$0x7] =	wrdreg $0x9  }
0xb8: {  	_ =	task.clear_ibuf [dreg:s11], $0x8FFFF;
	_ =	strace $0x90000046  }
0xb9: {  	s29 =	simm.s32 $0x9;
	_ =	strace $0x80000048  }
0xba: {  	_ =	swait.ge [sflag:s29], $0x1  }
0xbb: {  	[sflag:s29] =	ssyncadd.s32 $0xFFFFFFFF  }
0xbc: {  	_ =	strace $0x90000048  }
0xbd: {  	_ =	sfence  }
0xbe: {  	s30 =	sld [smem:$0x0];
	_ =	sdelay $0x2  }
0xbf: {  	s31 =	sshll.u32 s1, $0xD;
	s1 =	sshrl.u32 s1, $0x2  }
0xc0: {  	s3 =	sand.u32 $0x4000, s31;
	s1 =	sadd.s32 s1, s30  }
0xc1: {  	s0 =	sor.u32 s3, s0;
	s1 =	sshll.u32 s1, $0x11  }
0xc2: {  	s0 =	sor.u32 s1, s0  }
0xc3: {  	s0 =	sadd.s32 $0x8F2B, s0  }
0xc4: {  	[sflag:s0] =	ssyncadd.remote.s32 $0x1  }
0xc5: {  	_ =	sfence.sel $0xFFFF  }
0xc6: {  	[dreg:$0x0] =	wrdreg $0xFFFFFFFF;
	(pc) =	sbr.abs _section_cstart, $3  }
0xc7: {  	[dreg:$0x1] =	wrdreg $0xFFFFFFFF  }
0xc8: {  	_ =	task.clear_ibuf [dreg:s11], $0x2FFFF;
	_ =	strace $0x9FFFFFFF  }
0xc9: {  	(tm) =	ssettm $0x7FFFFFFF  }
tec
execute0_lowered:
.L_overlay_start_1:
0x0: {  	(tag) =	ssettag $0x1  }
0x1: {  	v0 =	vimm.s32 $0xD000;
	vm14 =	vcmask $0x300  }
0x2: {  	v1 =	vlaneseq.u32;
	vm13 =	vcmask $0x704;
	vm12 =	vcmask $0xB08  }
0x3: {  	vm11 =	vcmask $0xF0C;
	vm10 =	vcmask $0x1310;
	v0 =	vsel vm14, $0x0, v0  }
0x4: {  	v25 =	vmul.u32 $0x1000, v1;
	v1 =	vimm.s32 $0xD080;
	v0 =	vsel vm13, $0x1000, v0  }
0x5: {  	vm9 =	vcmask $0x1714;
	v1 =	vsel vm14, $0x80, v1;
	v0 =	vsel vm12, $0x2000, v0  }
0x6: {  	vm8 =	vcmask $0x1B18;
	v1 =	vsel vm13, $0x1080, v1;
	v0 =	vsel vm11, $0x3000, v0  }
0x7: {  	vm7 =	vcmask $0x1F1C;
	v1 =	vsel vm12, $0x2080, v1;
	v0 =	vsel vm10, $0x4000, v0  }
0x8: {  	vm6 =	vcmask $0x2320;
	v1 =	vsel vm11, $0x3080, v1;
	v0 =	vsel vm9, $0x5000, v0  }
0x9: {  	vm5 =	vcmask $0x2724;
	v1 =	vsel vm10, $0x4080, v1;
	v0 =	vsel vm8, $0x6000, v0  }
0xa: {  	vm3 =	vcmask $0x2B28;
	v1 =	vsel vm9, $0x5080, v1;
	v0 =	vsel vm7, $0x7000, v0  }
0xb: {  	vm2 =	vcmask $0x2F2C;
	v1 =	vsel vm8, $0x6080, v1;
	v0 =	vsel vm6, $0x8000, v0  }
0xc: {  	vm1 =	vcmask $0x3330;
	v1 =	vsel vm7, $0x7080, v1;
	v0 =	vsel vm5, $0x9000, v0  }
0xd: {  	vm4 =	vcmask $0x3B00;
	v1 =	vsel vm6, $0x8080, v1;
	v0 =	vsel vm3, $0xA000, v0  }
0xe: {  	v2 =	vimm.s32 $0xD100;
	v1 =	vsel vm5, $0x9080, v1;
	v0 =	vsel vm2, $0xB000, v0  }
0xf: {  	v1 =	vsel vm3, $0xA080, v1;
	v13 =	vsel vm1, $0xC000, v0;
	v0 =	vimm.s32 $0x1000  }
0x10: {  	v5 =	vsel vm4, $0x0, v0;
	v0 =	vsel vm2, $0xB080, v1;
	v1 =	vsel vm14, $0x100, v2  }
0x11: {  	v36 =	vsel vm1, $0xC080, v0;
	v0 =	vsel vm13, $0x1100, v1  }
0x12: {  	v2 =	vimm.s32 $0xD180;
	v1 =	vimm.s32 $0x1080;
	v0 =	vsel vm12, $0x2100, v0  }
0x13: {  	v14 =	vsel vm4, $0x80, v1;
	v1 =	vsel vm14, $0x180, v2;
	v0 =	vsel vm11, $0x3100, v0  }
0x14: {  	v2 =	vimm.s32 $0xD200;
	v1 =	vsel vm13, $0x1180, v1;
	v0 =	vsel vm10, $0x4100, v0  }
0x15: {  	v2 =	vsel vm14, $0x200, v2;
	v1 =	vsel vm12, $0x2180, v1;
	v0 =	vsel vm9, $0x5100, v0  }
0x16: {  	v2 =	vsel vm13, $0x1200, v2;
	v1 =	vsel vm11, $0x3180, v1;
	v0 =	vsel vm8, $0x6100, v0  }
0x17: {  	v2 =	vsel vm12, $0x2200, v2;
	v1 =	vsel vm10, $0x4180, v1;
	v0 =	vsel vm7, $0x7100, v0  }
0x18: {  	v2 =	vsel vm11, $0x3200, v2;
	v1 =	vsel vm9, $0x5180, v1;
	v0 =	vsel vm6, $0x8100, v0  }
0x19: {  	v2 =	vsel vm10, $0x4200, v2;
	v1 =	vsel vm8, $0x6180, v1;
	v0 =	vsel vm5, $0x9100, v0  }
0x1a: {  	v2 =	vsel vm9, $0x5200, v2;
	v1 =	vsel vm7, $0x7180, v1;
	v0 =	vsel vm3, $0xA100, v0  }
0x1b: {  	v2 =	vsel vm8, $0x6200, v2;
	v1 =	vsel vm6, $0x8180, v1;
	v0 =	vsel vm2, $0xB100, v0  }
0x1c: {  	v10 =	vsel vm1, $0xC100, v0;
	v0 =	vsel vm5, $0x9180, v1;
	v1 =	vsel vm7, $0x7200, v2  }
0x1d: {  	v2 =	vimm.s32 $0x1100;
	v0 =	vsel vm3, $0xA180, v0;
	v1 =	vsel vm6, $0x8200, v1  }
0x1e: {  	v16 =	vsel vm4, $0x100, v2;
	v0 =	vsel vm2, $0xB180, v0;
	v1 =	vsel vm5, $0x9200, v1  }
0x1f: {  	v17 =	vsel vm1, $0xC180, v0;
	v0 =	vsel vm3, $0xA200, v1;
	v1 =	vimm.s32 $0xD280  }
0x20: {  	v2 =	vimm.s32 $0x1180;
	v0 =	vsel vm2, $0xB200, v0;
	v1 =	vsel vm14, $0x280, v1  }
0x21: {  	v28 =	vsel vm4, $0x180, v2;
	v43 =	vsel vm1, $0xC200, v0;
	v0 =	vsel vm13, $0x1280, v1  }
0x22: {  	v2 =	vimm.s32 $0xD300;
	v1 =	vimm.s32 $0x1200;
	v0 =	vsel vm12, $0x2280, v0  }
0x23: {  	v27 =	vsel vm4, $0x200, v1;
	v1 =	vsel vm14, $0x300, v2;
	v0 =	vsel vm11, $0x3280, v0  }
0x24: {  	v2 =	vimm.s32 $0xD380;
	v1 =	vsel vm13, $0x1300, v1;
	v0 =	vsel vm10, $0x4280, v0  }
0x25: {  	v2 =	vsel vm14, $0x380, v2;
	v1 =	vsel vm12, $0x2300, v1;
	v0 =	vsel vm9, $0x5280, v0  }
0x26: {  	v2 =	vsel vm13, $0x1380, v2;
	v1 =	vsel vm11, $0x3300, v1;
	v0 =	vsel vm8, $0x6280, v0  }
0x27: {  	v2 =	vsel vm12, $0x2380, v2;
	v1 =	vsel vm10, $0x4300, v1;
	v0 =	vsel vm7, $0x7280, v0  }
0x28: {  	v2 =	vsel vm11, $0x3380, v2;
	v1 =	vsel vm9, $0x5300, v1;
	v0 =	vsel vm6, $0x8280, v0  }
0x29: {  	v2 =	vsel vm10, $0x4380, v2;
	v1 =	vsel vm8, $0x6300, v1;
	v0 =	vsel vm5, $0x9280, v0  }
0x2a: {  	v2 =	vsel vm9, $0x5380, v2;
	v1 =	vsel vm7, $0x7300, v1;
	v0 =	vsel vm3, $0xA280, v0  }
0x2b: {  	v2 =	vsel vm8, $0x6380, v2;
	v1 =	vsel vm6, $0x8300, v1;
	v0 =	vsel vm2, $0xB280, v0  }
0x2c: {  	v46 =	vsel vm1, $0xC280, v0;
	v0 =	vsel vm5, $0x9300, v1;
	v1 =	vsel vm7, $0x7380, v2  }
0x2d: {  	v2 =	vimm.s32 $0x1280;
	v0 =	vsel vm3, $0xA300, v0;
	v1 =	vsel vm6, $0x8380, v1  }
0x2e: {  	v8 =	vsel vm4, $0x280, v2;
	v0 =	vsel vm2, $0xB300, v0;
	v1 =	vsel vm5, $0x9380, v1  }
0x2f: {  	v23 =	vsel vm1, $0xC300, v0;
	v0 =	vsel vm3, $0xA380, v1;
	v1 =	vimm.s32 $0xD400  }
0x30: {  	v2 =	vimm.s32 $0x1300;
	v0 =	vsel vm2, $0xB380, v0;
	v1 =	vsel vm14, $0x400, v1  }
0x31: {  	v51 =	vsel vm4, $0x300, v2;
	v4 =	vsel vm1, $0xC380, v0;
	v0 =	vsel vm13, $0x1400, v1  }
0x32: {  	v2 =	vimm.s32 $0xD480;
	v1 =	vimm.s32 $0x1380;
	v0 =	vsel vm12, $0x2400, v0  }
0x33: {  	v7 =	vsel vm4, $0x380, v1;
	v1 =	vsel vm14, $0x480, v2;
	v0 =	vsel vm11, $0x3400, v0  }
0x34: {  	v2 =	vimm.s32 $0xD500;
	v1 =	vsel vm13, $0x1480, v1;
	v0 =	vsel vm10, $0x4400, v0  }
0x35: {  	v2 =	vsel vm14, $0x500, v2;
	v1 =	vsel vm12, $0x2480, v1;
	v0 =	vsel vm9, $0x5400, v0  }
0x36: {  	v2 =	vsel vm13, $0x1500, v2;
	v1 =	vsel vm11, $0x3480, v1;
	v0 =	vsel vm8, $0x6400, v0  }
0x37: {  	v2 =	vsel vm12, $0x2500, v2;
	v1 =	vsel vm10, $0x4480, v1;
	v0 =	vsel vm7, $0x7400, v0  }
0x38: {  	v2 =	vsel vm11, $0x3500, v2;
	v1 =	vsel vm9, $0x5480, v1;
	v0 =	vsel vm6, $0x8400, v0  }
0x39: {  	v2 =	vsel vm10, $0x4500, v2;
	v1 =	vsel vm8, $0x6480, v1;
	v0 =	vsel vm5, $0x9400, v0  }
0x3a: {  	v2 =	vsel vm9, $0x5500, v2;
	v1 =	vsel vm7, $0x7480, v1;
	v0 =	vsel vm3, $0xA400, v0  }
0x3b: {  	v2 =	vsel vm8, $0x6500, v2;
	v1 =	vsel vm6, $0x8480, v1;
	v0 =	vsel vm2, $0xB400, v0  }
0x3c: {  	v24 =	vsel vm1, $0xC400, v0;
	v0 =	vsel vm5, $0x9480, v1;
	v1 =	vsel vm7, $0x7500, v2  }
0x3d: {  	v2 =	vimm.s32 $0x1400;
	v0 =	vsel vm3, $0xA480, v0;
	v1 =	vsel vm6, $0x8500, v1  }
0x3e: {  	v12 =	vsel vm4, $0x400, v2;
	v0 =	vsel vm2, $0xB480, v0;
	v1 =	vsel vm5, $0x9500, v1  }
0x3f: {  	v11 =	vsel vm1, $0xC480, v0;
	v0 =	vsel vm3, $0xA500, v1;
	v1 =	vimm.s32 $0xD580  }
0x40: {  	v2 =	vimm.s32 $0x1480;
	v0 =	vsel vm2, $0xB500, v0;
	v1 =	vsel vm14, $0x580, v1  }
0x41: {  	v60 =	vsel vm4, $0x480, v2;
	v61 =	vsel vm1, $0xC500, v0;
	v0 =	vsel vm13, $0x1580, v1  }
0x42: {  	v2 =	vimm.s32 $0xD600;
	v1 =	vimm.s32 $0x1500;
	v0 =	vsel vm12, $0x2580, v0  }
0x43: {  	v63 =	vsel vm4, $0x500, v1;
	v1 =	vsel vm14, $0x600, v2;
	v0 =	vsel vm11, $0x3580, v0  }
0x44: {  	v2 =	vimm.s32 $0xD680;
	v1 =	vsel vm13, $0x1600, v1;
	v0 =	vsel vm10, $0x4580, v0  }
0x45: {  	v2 =	vsel vm14, $0x680, v2;
	v1 =	vsel vm12, $0x2600, v1;
	v0 =	vsel vm9, $0x5580, v0  }
0x46: {  	v2 =	vsel vm13, $0x1680, v2;
	v1 =	vsel vm11, $0x3600, v1;
	v0 =	vsel vm8, $0x6580, v0  }
0x47: {  	v2 =	vsel vm12, $0x2680, v2;
	v1 =	vsel vm10, $0x4600, v1;
	v0 =	vsel vm7, $0x7580, v0  }
0x48: {  	v2 =	vsel vm11, $0x3680, v2;
	v1 =	vsel vm9, $0x5600, v1;
	v0 =	vsel vm6, $0x8580, v0  }
0x49: {  	v2 =	vsel vm10, $0x4680, v2;
	v1 =	vsel vm8, $0x6600, v1;
	v0 =	vsel vm5, $0x9580, v0  }
0x4a: {  	v2 =	vsel vm9, $0x5680, v2;
	v1 =	vsel vm7, $0x7600, v1;
	v0 =	vsel vm3, $0xA580, v0  }
0x4b: {  	v2 =	vsel vm8, $0x6680, v2;
	v1 =	vsel vm6, $0x8600, v1;
	v0 =	vsel vm2, $0xB580, v0  }
0x4c: {  	v3 =	vsel vm1, $0xC580, v0;
	v0 =	vsel vm5, $0x9600, v1;
	v1 =	vsel vm7, $0x7680, v2  }
0x4d: {  	v0 =	vsel vm3, $0xA600, v0;
	v1 =	vsel vm6, $0x8680, v1  }
0x4e: {  	v0 =	vsel vm2, $0xB600, v0;
	v1 =	vsel vm5, $0x9680, v1  }
0x4f: {  	v2 =	vimm.s32 $0x1580;
	v19 =	vsel vm1, $0xC600, v0;
	v0 =	vsel vm3, $0xA680, v1  }
0x50: {  	v6 =	vsel vm4, $0x580, v2;
	v1 =	vimm.s32 $0xD700;
	v0 =	vsel vm2, $0xB680, v0  }
0x51: {  	v2 =	vimm.s32 $0x1600;
	v1 =	vsel vm14, $0x700, v1;
	v0 =	vsel vm1, $0xC680, v0  }
0x52: {  	v31 =	vsel vm4, $0x600, v2;
	[tilespmem:$0x1FB60] =	vst v0;
	v0 =	vsel vm13, $0x1700, v1;
	v1 =	vimm.s32 $0x1680  }
0x53: {  	v2 =	vimm.s32 $0xD780;
	v0 =	vsel vm12, $0x2700, v0;
	v1 =	vsel vm4, $0x680, v1  }
0x54: {  	[tilespmem:$0x1FB70] =	vst v1;
	v0 =	vsel vm11, $0x3700, v0;
	v1 =	vsel vm14, $0x780, v2  }
0x55: {  	v0 =	vsel vm10, $0x4700, v0;
	v1 =	vsel vm13, $0x1780, v1  }
0x56: {  	v2 =	vimm.s32 $0xD800;
	v0 =	vsel vm9, $0x5700, v0;
	v1 =	vsel vm12, $0x2780, v1  }
0x57: {  	v2 =	vsel vm14, $0x800, v2;
	v0 =	vsel vm8, $0x6700, v0;
	v1 =	vsel vm11, $0x3780, v1  }
0x58: {  	v2 =	vsel vm13, $0x1800, v2;
	v0 =	vsel vm7, $0x7700, v0;
	v1 =	vsel vm10, $0x4780, v1  }
0x59: {  	v2 =	vsel vm12, $0x2800, v2;
	v0 =	vsel vm6, $0x8700, v0;
	v1 =	vsel vm9, $0x5780, v1  }
0x5a: {  	v2 =	vsel vm11, $0x3800, v2;
	v0 =	vsel vm5, $0x9700, v0;
	v1 =	vsel vm8, $0x6780, v1  }
0x5b: {  	v2 =	vsel vm10, $0x4800, v2;
	v0 =	vsel vm3, $0xA700, v0;
	v1 =	vsel vm7, $0x7780, v1  }
0x5c: {  	v2 =	vsel vm9, $0x5800, v2;
	v0 =	vsel vm2, $0xB700, v0;
	v1 =	vsel vm6, $0x8780, v1  }
0x5d: {  	v2 =	vsel vm8, $0x6800, v2;
	v9 =	vsel vm1, $0xC700, v0;
	v0 =	vsel vm5, $0x9780, v1  }
0x5e: {  	v1 =	vsel vm7, $0x7800, v2;
	v0 =	vsel vm3, $0xA780, v0  }
0x5f: {  	v1 =	vsel vm6, $0x8800, v1;
	v0 =	vsel vm2, $0xB780, v0  }
0x60: {  	v1 =	vsel vm5, $0x9800, v1;
	v0 =	vsel vm1, $0xC780, v0  }
0x61: {  	v2 =	vimm.s32 $0x1700;
	[tilespmem:$0x1FB90] =	vst v0;
	v0 =	vsel vm3, $0xA800, v1  }
0x62: {  	v2 =	vsel vm4, $0x700, v2;
	v1 =	vimm.s32 $0xD880;
	v0 =	vsel vm2, $0xB800, v0  }
0x63: {  	v18 =	vor.u32 $0x200, v25;
	[tilespmem:$0x1FB80] =	vst v2;
	v1 =	vsel vm14, $0x880, v1;
	v0 =	vsel vm1, $0xC800, v0  }
0x64: {  	v26 =	vor.u32 $0x280, v25;
	v2 =	vimm.s32 $0x1780;
	[tilespmem:$0x1FBB0] =	vst v0;
	v0 =	vsel vm13, $0x1880, v1  }
0x65: {  	v2 =	vsel vm4, $0x780, v2;
	v1 =	vimm.s32 $0x1800;
	v0 =	vsel vm12, $0x2880, v0  }
0x66: {  	[tilespmem:$0x1FBA0] =	vst v2;
	v2 =	vimm.s32 $0xD900;
	v1 =	vsel vm4, $0x800, v1;
	v0 =	vsel vm11, $0x3880, v0  }
0x67: {  	v37 =	vor.u32 $0x300, v25;
	[tilespmem:$0x1FBC0] =	vst v1;
	v1 =	vsel vm14, $0x900, v2;
	v0 =	vsel vm10, $0x4880, v0  }
0x68: {  	v39 =	vor.u32 $0x380, v25;
	v1 =	vsel vm13, $0x1900, v1;
	v0 =	vsel vm9, $0x5880, v0  }
0x69: {  	v2 =	vimm.s32 $0xD980;
	v1 =	vsel vm12, $0x2900, v1;
	v0 =	vsel vm8, $0x6880, v0  }
0x6a: {  	v2 =	vsel vm14, $0x980, v2;
	v1 =	vsel vm11, $0x3900, v1;
	v0 =	vsel vm7, $0x7880, v0  }
0x6b: {  	v2 =	vsel vm13, $0x1980, v2;
	v1 =	vsel vm10, $0x4900, v1;
	v0 =	vsel vm6, $0x8880, v0  }
0x6c: {  	v2 =	vsel vm12, $0x2980, v2;
	v1 =	vsel vm9, $0x5900, v1;
	v0 =	vsel vm5, $0x9880, v0  }
0x6d: {  	v2 =	vsel vm11, $0x3980, v2;
	v1 =	vsel vm8, $0x6900, v1;
	v0 =	vsel vm3, $0xA880, v0  }
0x6e: {  	v2 =	vsel vm10, $0x4980, v2;
	v1 =	vsel vm7, $0x7900, v1;
	v0 =	vsel vm2, $0xB880, v0  }
0x6f: {  	v2 =	vsel vm9, $0x5980, v2;
	v1 =	vsel vm6, $0x8900, v1;
	v0 =	vsel vm1, $0xC880, v0  }
0x70: {  	s5 =	rddreg [dreg:$0x0];
	v32 =	vor.u32 $0x400, v25;
	v2 =	vsel vm8, $0x6980, v2;
	[tilespmem:$0x1FBD0] =	vst v0;
	v0 =	vsel vm5, $0x9900, v1  }
0x71: {  	s6 =	rddreg [dreg:$0x1];
	v1 =	vsel vm7, $0x7980, v2;
	v2 =	vimm.s32 $0x1880;
	v0 =	vsel vm3, $0xA900, v0  }
0x72: {  	s0 =	rddreg [dreg:$0x2];
	v1 =	vsel vm6, $0x8980, v1;
	v2 =	vsel vm4, $0x880, v2;
	v0 =	vsel vm2, $0xB900, v0  }
0x73: {  	s1 =	rddreg [dreg:$0x3];
	[tilespmem:$0x1FBE0] =	vst v2;
	v1 =	vsel vm5, $0x9980, v1;
	v2 =	vimm.s32 $0x1900;
	v0 =	vsel vm1, $0xC900, v0  }
0x74: {  	s7 =	rddreg [dreg:$0x4];
	s3 =	simm.s32 $0x0;
	v56 =	vsel vm4, $0x900, v2;
	[tilespmem:$0x1FBF0] =	vst v0;
	v0 =	vsel vm3, $0xA980, v1;
	v1 =	vimm.s32 $0xDA00  }
0x75: {  	[smem:$0x7FF] =	sst s3;
	v2 =	vimm.s32 $0xDA80;
	v0 =	vsel vm2, $0xB980, v0;
	v1 =	vsel vm14, $0xA00, v1  }
0x76: {  	s2 =	rddreg [dreg:$0x5];
	_ =	strace $0x80000047;
	[tilespmem:$0x1FC20] =	vst v32;
	v32 =	vor.u32 $0x480, v25;
	v59 =	vsel vm1, $0xC980, v0;
	v0 =	vsel vm13, $0x1A00, v1  }
0x77: {  	v1 =	vimm.s32 $0x1980;
	[tilespmem:$0x1FC30] =	vst v32;
	v32 =	vor.u32 $0x500, v25;
	v0 =	vsel vm12, $0x2A00, v0  }
0x78: {  	v55 =	vsel vm4, $0x980, v1;
	v1 =	vsel vm14, $0xA80, v2;
	v2 =	vimm.s32 $0xDB00  }
0x79: {  	[tilespmem:$0x1FC40] =	vst v32;
	v32 =	vor.u32 $0x580, v25;
	v0 =	vsel vm11, $0x3A00, v0;
	v1 =	vsel vm13, $0x1A80, v1  }
0x7a: {  	v2 =	vsel vm14, $0xB00, v2;
	[tilespmem:$0x1FC50] =	vst v32;
	v32 =	vor.u32 $0x600, v25;
	v0 =	vsel vm10, $0x4A00, v0  }
0x7b: {  	v1 =	vsel vm12, $0x2A80, v1;
	v2 =	vsel vm13, $0x1B00, v2;
	[tilespmem:$0x1FC60] =	vst v32;
	v32 =	vor.u32 $0x680, v25  }
0x7c: {  	v0 =	vsel vm9, $0x5A00, v0;
	v1 =	vsel vm11, $0x3A80, v1;
	v2 =	vsel vm12, $0x2B00, v2  }
0x7d: {  	[tilespmem:$0x1FC70] =	vst v32;
	v32 =	vor.u32 $0x700, v25;
	v0 =	vsel vm8, $0x6A00, v0;
	v1 =	vsel vm10, $0x4A80, v1  }
0x7e: {  	v2 =	vsel vm11, $0x3B00, v2;
	[tilespmem:$0x1FC80] =	vst v32;
	v32 =	vor.u32 $0x780, v25;
	v0 =	vsel vm7, $0x7A00, v0  }
0x7f: {  	v1 =	vsel vm9, $0x5A80, v1;
	v2 =	vsel vm10, $0x4B00, v2;
	[tilespmem:$0x1FC90] =	vst v32;
	v32 =	vor.u32 $0x800, v25  }
0x80: {  	v0 =	vsel vm6, $0x8A00, v0;
	v1 =	vsel vm8, $0x6A80, v1;
	v2 =	vsel vm9, $0x5B00, v2  }
0x81: {  	[tilespmem:$0x1FCA0] =	vst v32;
	v32 =	vor.u32 $0x880, v25;
	v0 =	vsel vm5, $0x9A00, v0;
	v1 =	vsel vm7, $0x7A80, v1  }
0x82: {  	v2 =	vsel vm8, $0x6B00, v2;
	[tilespmem:$0x1FCB0] =	vst v32;
	v32 =	vor.u32 $0x900, v25;
	v0 =	vsel vm3, $0xAA00, v0  }
0x83: {  	v1 =	vsel vm6, $0x8A80, v1;
	[tilespmem:$0x1FCC0] =	vst v32;
	v32 =	vor.u32 $0x980, v25;
	v0 =	vsel vm2, $0xBA00, v0  }
0x84: {  	[tilespmem:$0x1FCD0] =	vst v32;
	v32 =	vor.u32 $0xA00, v25;
	v57 =	vsel vm1, $0xCA00, v0;
	v0 =	vsel vm5, $0x9A80, v1  }
0x85: {  	v1 =	vsel vm7, $0x7B00, v2;
	v2 =	vimm.s32 $0x1A00;
	[tilespmem:$0x1FCE0] =	vst v32;
	v32 =	vor.u32 $0xA80, v25  }
0x86: {  	v0 =	vsel vm3, $0xAA80, v0;
	v1 =	vsel vm6, $0x8B00, v1;
	v58 =	vsel vm4, $0xA00, v2  }
0x87: {  	v2 =	vimm.s32 $0x1A80;
	[tilespmem:$0x1FCF0] =	vst v32;
	v32 =	vor.u32 $0xB00, v25;
	v0 =	vsel vm2, $0xBA80, v0  }
0x88: {  	v1 =	vsel vm5, $0x9B00, v1;
	v62 =	vsel vm4, $0xA80, v2;
	v2 =	vimm.s32 $0xDC00  }
0x89: {  	[tilespmem:$0x1FD00] =	vst v32;
	v32 =	vor.u32 $0xB80, v25;
	v20 =	vsel vm1, $0xCA80, v0;
	v0 =	vsel vm3, $0xAB00, v1  }
0x8a: {  	v1 =	vimm.s32 $0xDB80;
	[tilespmem:$0x1FD10] =	vst v32;
	v32 =	vor.u32 $0xC00, v25;
	v0 =	vsel vm2, $0xBB00, v0  }
0x8b: {  	v1 =	vsel vm14, $0xB80, v1;
	[tilespmem:$0x1FD20] =	vst v32;
	v32 =	vor.u32 $0xC80, v25;
	v21 =	vsel vm1, $0xCB00, v0  }
0x8c: {  	v0 =	vsel vm13, $0x1B80, v1;
	v1 =	vimm.s32 $0x1B00;
	[tilespmem:$0x1FD30] =	vst v32;
	v32 =	vor.u32 $0xD00, v25  }
0x8d: {  	v0 =	vsel vm12, $0x2B80, v0;
	v22 =	vsel vm4, $0xB00, v1;
	v1 =	vsel vm14, $0xC00, v2  }
0x8e: {  	v2 =	vimm.s32 $0xDC80;
	[tilespmem:$0x1FD40] =	vst v32;
	v32 =	vor.u32 $0xD80, v25;
	v0 =	vsel vm11, $0x3B80, v0  }
0x8f: {  	v1 =	vsel vm13, $0x1C00, v1;
	v2 =	vsel vm14, $0xC80, v2;
	[tilespmem:$0x1FD50] =	vst v32;
	v32 =	vor.u32 $0xE00, v25  }
0x90: {  	v0 =	vsel vm10, $0x4B80, v0;
	v1 =	vsel vm12, $0x2C00, v1;
	v2 =	vsel vm13, $0x1C80, v2  }
0x91: {  	[tilespmem:$0x1FD60] =	vst v32;
	v32 =	vor.u32 $0xE80, v25;
	v0 =	vsel vm9, $0x5B80, v0;
	v1 =	vsel vm11, $0x3C00, v1  }
0x92: {  	v2 =	vsel vm12, $0x2C80, v2;
	[tilespmem:$0x1FD70] =	vst v32;
	v32 =	vor.u32 $0xF00, v25;
	v0 =	vsel vm8, $0x6B80, v0  }
0x93: {  	v1 =	vsel vm10, $0x4C00, v1;
	v2 =	vsel vm11, $0x3C80, v2;
	v0 =	vsel vm7, $0x7B80, v0  }
0x94: {  	[tilespmem:$0x1FD80] =	vst v32;
	v32 =	vor.u32 $0xF80, v25;
	v1 =	vsel vm9, $0x5C00, v1;
	v0 =	vsel vm6, $0x8B80, v0  }
0x95: {  	v2 =	vsel vm10, $0x4C80, v2;
	v1 =	vsel vm8, $0x6C00, v1;
	v0 =	vsel vm5, $0x9B80, v0  }
0x96: {  	v2 =	vsel vm9, $0x5C80, v2;
	v1 =	vsel vm7, $0x7C00, v1;
	v0 =	vsel vm3, $0xAB80, v0  }
0x97: {  	v2 =	vsel vm8, $0x6C80, v2;
	v1 =	vsel vm6, $0x8C00, v1;
	v0 =	vsel vm2, $0xBB80, v0  }
0x98: {  	v52 =	vsel vm1, $0xCB80, v0;
	v0 =	vsel vm5, $0x9C00, v1;
	v1 =	vsel vm7, $0x7C80, v2  }
0x99: {  	v2 =	vimm.s32 $0x1B80;
	v0 =	vsel vm3, $0xAC00, v0;
	v1 =	vsel vm6, $0x8C80, v1  }
0x9a: {  	[tilespmem:$0x1FDA0] =	vst v63;
	v15 =	vsel vm4, $0xB80, v2;
	v0 =	vsel vm2, $0xBC00, v0;
	v1 =	vsel vm5, $0x9C80, v1  }
0x9b: {  	[tilespmem:$0x1FDB0] =	vst v3;
	v53 =	vsel vm1, $0xCC00, v0;
	v0 =	vsel vm3, $0xAC80, v1;
	v1 =	vimm.s32 $0xDD00  }
0x9c: {  	[tilespmem:$0x1FDC0] =	vst v61;
	v2 =	vimm.s32 $0x1C00;
	v0 =	vsel vm2, $0xBC80, v0;
	v1 =	vsel vm14, $0xD00, v1  }
0x9d: {  	[tilespmem:$0x1FDD0] =	vst v7;
	v54 =	vsel vm4, $0xC00, v2;
	v29 =	vsel vm1, $0xCC80, v0;
	v0 =	vsel vm13, $0x1D00, v1  }
0x9e: {  	[tilespmem:$0x1FDE0] =	vst v51;
	v2 =	vimm.s32 $0xDD80;
	v1 =	vimm.s32 $0x1C80;
	v0 =	vsel vm12, $0x2D00, v0  }
0x9f: {  	[tilespmem:$0x1FDF0] =	vst v4;
	v30 =	vsel vm4, $0xC80, v1;
	v1 =	vsel vm14, $0xD80, v2;
	v0 =	vsel vm11, $0x3D00, v0  }
0xa0: {  	[tilespmem:$0x1FE00] =	vst v43;
	v2 =	vimm.s32 $0xDE00;
	v1 =	vsel vm13, $0x1D80, v1;
	v0 =	vsel vm10, $0x4D00, v0  }
0xa1: {  	[tilespmem:$0x1FE10] =	vst v28;
	v2 =	vsel vm14, $0xE00, v2;
	v1 =	vsel vm12, $0x2D80, v1;
	v0 =	vsel vm9, $0x5D00, v0  }
0xa2: {  	[tilespmem:$0x1FE20] =	vst v5;
	v2 =	vsel vm13, $0x1E00, v2;
	v1 =	vsel vm11, $0x3D80, v1;
	v0 =	vsel vm8, $0x6D00, v0  }
0xa3: {  	[tilespmem:$0x1FE30] =	vst v17;
	v2 =	vsel vm12, $0x2E00, v2;
	v1 =	vsel vm10, $0x4D80, v1;
	v0 =	vsel vm7, $0x7D00, v0  }
0xa4: {  	s4 =	simm.s32 $0x2400;
	[tilespmem:$0x1FE40] =	vst v13;
	v2 =	vsel vm11, $0x3E00, v2;
	v1 =	vsel vm9, $0x5D80, v1;
	v0 =	vsel vm6, $0x8D00, v0  }
0xa5: {  	s9 =	simm.s32 $0x3400;
	[dreg:$0x6] =	wrdreg s4;
	[tilespmem:$0x1FE50] =	vst v25;
	v2 =	vsel vm10, $0x4E00, v2;
	v1 =	vsel vm8, $0x6D80, v1;
	v0 =	vsel vm5, $0x9D00, v0  }
0xa6: {  	s10 =	simm.s32 $0x4400;
	[dreg:$0x7] =	wrdreg s9;
	[tilespmem:$0x1FE60] =	vst v11;
	v2 =	vsel vm9, $0x5E00, v2;
	v1 =	vsel vm7, $0x7D80, v1;
	v0 =	vsel vm3, $0xAD00, v0  }
0xa7: {  	s11 =	simm.s32 $0x5400;
	[dreg:$0x8] =	wrdreg s10;
	[tilespmem:$0x1FE70] =	vst v8;
	v2 =	vsel vm8, $0x6E00, v2;
	v1 =	vsel vm6, $0x8D80, v1;
	v0 =	vsel vm2, $0xBD00, v0  }
0xa8: {  	s12 =	simm.s32 $0x6400;
	[dreg:$0x9] =	wrdreg s11;
	[tilespmem:$0x1FE80] =	vst v19;
	v47 =	vsel vm1, $0xCD00, v0;
	v0 =	vsel vm5, $0x9D80, v1;
	v1 =	vsel vm7, $0x7E00, v2  }
0xa9: {  	s13 =	simm.s32 $0x7400;
	[dreg:$0xa] =	wrdreg s12;
	[tilespmem:$0x1FE90] =	vst v10;
	v2 =	vimm.s32 $0x1D00;
	v0 =	vsel vm3, $0xAD80, v0;
	v1 =	vsel vm6, $0x8E00, v1  }
0xaa: {  	s14 =	simm.s32 $0x8400;
	[dreg:$0xb] =	wrdreg s13;
	[tilespmem:$0x1FEA0] =	vst v31;
	v48 =	vsel vm4, $0xD00, v2;
	v0 =	vsel vm2, $0xBD80, v0;
	v1 =	vsel vm5, $0x9E00, v1  }
0xab: {  	s15 =	simm.s32 $0x9400;
	[dreg:$0xc] =	wrdreg s14;
	[tilespmem:$0x1FEB0] =	vst v27;
	v49 =	vsel vm1, $0xCD80, v0;
	v0 =	vsel vm3, $0xAE00, v1;
	v1 =	vimm.s32 $0xDE80  }
0xac: {  	s16 =	simm.s32 $0xA400;
	[dreg:$0xd] =	wrdreg s15;
	[tilespmem:$0x1FEC0] =	vst v9;
	v2 =	vimm.s32 $0x1D80;
	v0 =	vsel vm2, $0xBE00, v0;
	v1 =	vsel vm14, $0xE80, v1  }
0xad: {  	s17 =	simm.s32 $0xC400;
	[dreg:$0xe] =	wrdreg s16;
	[tilespmem:$0x1FED0] =	vst v24;
	v50 =	vsel vm4, $0xD80, v2;
	v42 =	vsel vm1, $0xCE00, v0;
	v0 =	vsel vm13, $0x1E80, v1  }
0xae: {  	s18 =	simm.s32 $0xD400;
	[dreg:$0x10] =	wrdreg s17;
	[tilespmem:$0x1FFC0] =	vst v18;
	v2 =	vimm.s32 $0xDF00;
	v1 =	vimm.s32 $0x1E00;
	v0 =	vsel vm12, $0x2E80, v0  }
0xaf: {  	s19 =	simm.s32 $0xE400;
	[dreg:$0x11] =	wrdreg s18;
	[tilespmem:$0x1FFD0] =	vst v26;
	v45 =	vsel vm4, $0xE00, v1;
	v1 =	vsel vm14, $0xF00, v2;
	v0 =	vsel vm11, $0x3E80, v0  }
0xb0: {  	s20 =	simm.s32 $0xF400;
	[dreg:$0x12] =	wrdreg s19;
	[tilespmem:$0x1FFE0] =	vst v37;
	v2 =	vimm.s32 $0xDF80;
	v1 =	vsel vm13, $0x1F00, v1;
	v0 =	vsel vm10, $0x4E80, v0  }
0xb1: {  	s21 =	simm.s32 $0x11400;
	[dreg:$0x13] =	wrdreg s20;
	[tilespmem:$0x1FFF0] =	vst v39;
	v2 =	vsel vm14, $0xF80, v2;
	v1 =	vsel vm12, $0x2F00, v1;
	v0 =	vsel vm9, $0x5E80, v0  }
0xb2: {  	s23 =	simm.s32 $0x12400;
	[dreg:$0x14] =	wrdreg s21;
	[tilespmem:$0x1FD90] =	vst v32;
	v2 =	vsel vm13, $0x1F80, v2;
	v1 =	vsel vm11, $0x3F00, v1;
	v0 =	vsel vm8, $0x6E80, v0  }
0xb3: {  	s8 =	srdreg.scid;
	s24 =	simm.s32 $0x13400;
	[dreg:$0x15] =	wrdreg s23;
	[tilespmem:$0x1FEE0] =	vst v30;
	v2 =	vsel vm12, $0x2F80, v2;
	v1 =	vsel vm10, $0x4F00, v1;
	v0 =	vsel vm7, $0x7E80, v0  }
0xb4: {  	s25 =	simm.s32 $0x14400;
	s26 =	simm.s32 $0x15400;
	[dreg:$0x16] =	wrdreg s24;
	[tilespmem:$0x1FEF0] =	vst v47;
	v2 =	vsel vm11, $0x3F80, v2;
	v1 =	vsel vm9, $0x5F00, v1;
	v0 =	vsel vm6, $0x8E80, v0  }
0xb5: {  	s28 =	simm.s32 $0x16400;
	s29 =	simm.s32 $0x17400;
	[dreg:$0x17] =	wrdreg s25;
	[tilespmem:$0x1FF00] =	vst v48;
	v2 =	vsel vm10, $0x4F80, v2;
	v1 =	vsel vm8, $0x6F00, v1;
	v0 =	vsel vm5, $0x9E80, v0  }
0xb6: {  	s30 =	simm.s32 $0x18400;
	s31 =	simm.s32 $0x19400;
	[dreg:$0x18] =	wrdreg s26;
	[tilespmem:$0x1FF20] =	vst v50;
	v2 =	vsel vm9, $0x5F80, v2;
	v1 =	vsel vm7, $0x7F00, v1;
	v0 =	vsel vm3, $0xAE80, v0  }
0xb7: {  	s8 =	sand.u32 $0x1, s8;
	s9 =	simm.s32 $0xB400;
	[dreg:$0x19] =	wrdreg s28;
	[tilespmem:$0x1FF10] =	vst v49;
	v2 =	vsel vm8, $0x6F80, v2;
	v1 =	vsel vm6, $0x8F00, v1;
	v0 =	vsel vm2, $0xBE80, v0  }
0xb8: {  	s4 =	stileid.u32;
	s10 =	ssub.s32 $0x2, s8;
	[dreg:$0x1a] =	wrdreg s29;
	[tilespmem:$0x1FF30] =	vst v42;
	v44 =	vsel vm1, $0xCE80, v0;
	v0 =	vsel vm5, $0x9F00, v1;
	v1 =	vsel vm7, $0x7F80, v2  }
0xb9: {  	s8 =	sshll.u32 s8, $0x6;
	[dreg:$0x1b] =	wrdreg s30;
	s12 =	simm.s32 $0x1A400;
	[tilespmem:$0x1FF40] =	vst v45;
	v2 =	vimm.s32 $0x1E80;
	v0 =	vsel vm3, $0xAF00, v0;
	v1 =	vsel vm6, $0x8F80, v1  }
0xba: {  	[dreg:$0x1c] =	wrdreg s31;
	s13 =	simm.s32 $0x1B400;
	s14 =	simm.s32 $0x1C400;
	v2 =	vsel vm4, $0xE80, v2;
	[tilespmem:$0x1FF50] =	vst v44;
	v0 =	vsel vm2, $0xBF00, v0;
	v1 =	vsel vm5, $0x9F80, v1  }
0xbb: {  	s15 =	simm.s32 $0x1D400;
	s16 =	simm.s32 $0x2;
	[dreg:$0xf] =	wrdreg s9;
	[tilespmem:$0x1FC00] =	vst v2;
	v2 =	vor.u32 $0x180, v25;
	v38 =	vsel vm1, $0xCF00, v0;
	v0 =	vimm.s32 $0x1F00  }
0xbc: {  	s17 =	simm.s32 $0x1F400;
	s18 =	simm.s32 $0x0;
	[dreg:$0x1d] =	wrdreg s12;
	v1 =	vsel vm3, $0xAF80, v1;
	[tilespmem:$0x1FFB0] =	vst v2;
	v0 =	vsel vm4, $0xF00, v0  }
0xbd: {  	s11 =	sshrl.u32 s10, $0x1;
	s22 =	sshll.u32 s4, $0x7;
	[dreg:$0x1e] =	wrdreg s13;
	[tilespmem:$0x1FC10] =	vst v0;
	v0 =	vsel vm2, $0xBF80, v1  }
0xbe: {  	s9 =	simm.s32 $0x3;
	s12 =	simm.s32 $0x400;
	[dreg:$0x1f] =	wrdreg s14;
	[tilespmem:$0x1FF60] =	vst v38;
	v1 =	vimm.s32 $0x1F80;
	v40 =	vsel vm1, $0xCF80, v0  }
0xbf: {  	s13 =	simm.s32 $0x1400;
	s14 =	simm.s32 $0x10400;
	[smem:$0x7FD] =	sst s15;
	v41 =	vsel vm4, $0xF80, v1;
	[tilespmem:$0x1FF70] =	vst v40  }
0xc0: {  	s15 =	simm.s32 $0x1;
	s10 =	ssub.s32 s10, s11;
	s8 =	sor.u32 s8, s22;
	v0 =	vor.u32 $0x80, v25;
	[tilespmem:$0x1FF80] =	vst v41  }
0xc1: {  	s11 =	simm.s32 $0x7A1400;
	s5 =	sadd.s32 s5, s8;
	s6 =	sadd.s32 s6, s8;
	v1 =	vor.u32 $0x100, v25;
	[tilespmem:$0x1FF90] =	vst v0  }
0xc2: {  	vm0 =	vmmov $0x3fff;
	s7 =	sadd.s32 s7, s8;
	s8 =	smax.u32 s10, $0x1;
	s10 =	simm.s32 $0x200;
	[tilespmem:$0x1FFA0] =	vst v1  }
.LBB2_1:
0xc3: {  	[tilespmem:s3], [sflag:$0x3] =	stream.linear.gather [hbm4b:s5+s3], $0x200, $0x38;
	[tilespmem:$0x1F600] =	vst v63  }
0xc4: {  	_ =	swait.ge [sflag:s9], $0x200  }
0xc5: {  	[sflag:s9] =	ssyncset.done $0x0  }
0xc6: {  	[sflag:s9] =	ssyncadd.s32 $0xFFFFFE00  }
0xc7: {  	[tilespmem:s10], [sflag:$0x3] =	stream.linear.gather [hbm4b:s6+s3], $0x200, $0x38;
	[tilespmem:$0x1F600] =	vst v63  }
0xc8: {  	_ =	swait.ge [sflag:s9], $0x200  }
0xc9: {  	[sflag:s9] =	ssyncset.done $0x0  }
0xca: {  	s19 =	simm.s32 $0x0;
	[sflag:s9] =	ssyncadd.s32 $0xFFFFFE00  }
.LBB2_2:
0xcb: {  	s20 =	sshra.s32 s19, $0x2  }
0xcc: {  	v33 =	vld [tilespmem:s20+$0x0];
	_ =	sdelay $0x4  }
0xcd: {  	(v2sf) =	vpush v33, $0x0;
	_ =	sdelay $0x1  }
0xce: {  	(v2sf) =	vpush v33, $0x1;
	_ =	sdelay $0x3  }
0xcf: {  	(v2sf) =	vpush v33, $0x2;
	_ =	sdelay $0x2  }
0xd0: {  	(v2sf) =	vpush v33, $0x3;
	_ =	sdelay $0x5  }
0xd1: {  	s21 =	spop (v2sf);
	(v2sf) =	vpush v33, $0x4;
	_ =	sdelay $0x1  }
0xd2: {  	s23 =	spop (v2sf);
	(v2sf) =	vpush v33, $0x5;
	_ =	sdelay $0x3  }
0xd3: {  	s24 =	spop (v2sf);
	(v2sf) =	vpush v33, $0x6;
	_ =	sdelay $0x2  }
0xd4: {  	s25 =	spop (v2sf);
	(v2sf) =	vpush v33, $0x7;
	_ =	sdelay $0x4  }
0xd5: {  	s21 =	sand.u32 $0xFFFFF80, s21  }
0xd6: {  	s21 =	sadd.s32 s0, s21;
	s28 =	spop (v2sf);
	(v2sf) =	vpush v33, $0x8  }
0xd7: {  	v32 =	vld [tilespmem:s20+$0x200];
	[tilespmem:s12], [sflag:$0x1] =	stream.strided.gather [hbm4b:s21+s12], $0x1000, s11, s12, $0x38  }
0xd8: {  	s30 =	spop (v2sf);
	(v2sf) =	vpush v33, $0x9  }
0xd9: {  	s21 =	sand.u32 $0xFFFFF80, s23  }
0xda: {  	s21 =	sadd.s32 s0, s21  }
0xdb: {  	[tilespmem:s13], [sflag:$0x1] =	stream.strided.gather [hbm4b:s21+s12], $0x1000, s11, s12, $0x38;
	[tilespmem:$0x1F600] =	vst v63  }
0xdc: {  	s21 =	sand.u32 $0xFFFFF80, s24;
	s23 =	spop (v2sf);
	(v2sf) =	vpush v33, $0xA  }
0xdd: {  	s22 =	rddreg [dreg:$0x6];
	s21 =	sadd.s32 s0, s21  }
0xde: {  	[tilespmem:s22], [sflag:$0x1] =	stream.strided.gather [hbm4b:s21+s12], $0x1000, s11, s12, $0x38;
	[tilespmem:$0x1F600] =	vst v63  }
0xdf: {  	s21 =	sand.u32 $0xFFFFF80, s25;
	s25 =	spop (v2sf);
	(v2sf) =	vpush v33, $0xB;
	_ =	sdelay $0x2  }
0xe0: {  	s26 =	rddreg [dreg:$0x7];
	s21 =	sadd.s32 s0, s21  }
0xe1: {  	[tilespmem:s26], [sflag:$0x1] =	stream.strided.gather [hbm4b:s21+s12], $0x1000, s11, s12, $0x38;
	[tilespmem:$0x1F600] =	vst v63  }
0xe2: {  	s21 =	sand.u32 $0xFFFFF80, s28  }
0xe3: {  	s29 =	rddreg [dreg:$0x8];
	s21 =	sadd.s32 s0, s21;
	s28 =	spop (v2sf);
	(v2sf) =	vpush v33, $0xC  }
0xe4: {  	[tilespmem:s29], [sflag:$0x1] =	stream.strided.gather [hbm4b:s21+s12], $0x1000, s11, s12, $0x38;
	[tilespmem:$0x1F600] =	vst v63  }
0xe5: {  	s21 =	sand.u32 $0xFFFFF80, s30;
	s30 =	spop (v2sf);
	(v2sf) =	vpush v33, $0xD;
	_ =	sdelay $0x1  }
0xe6: {  	s31 =	rddreg [dreg:$0x9];
	s21 =	sadd.s32 s0, s21  }
0xe7: {  	[tilespmem:s31], [sflag:$0x1] =	stream.strided.gather [hbm4b:s21+s12], $0x1000, s11, s12, $0x38;
	[tilespmem:$0x1F600] =	vst v63  }
0xe8: {  	s21 =	sand.u32 $0xFFFFF80, s23;
	s23 =	spop (v2sf);
	(v2sf) =	vpush v33, $0xE  }
0xe9: {  	s24 =	rddreg [dreg:$0xa];
	s21 =	sadd.s32 s0, s21  }
0xea: {  	[tilespmem:s24], [sflag:$0x1] =	stream.strided.gather [hbm4b:s21+s12], $0x1000, s11, s12, $0x38;
	[tilespmem:$0x1F600] =	vst v63  }
0xeb: {  	s21 =	sand.u32 $0xFFFFF80, s25;
	s25 =	spop (v2sf);
	(v2sf) =	vpush v33, $0xF;
	_ =	sdelay $0x2  }
0xec: {  	s26 =	rddreg [dreg:$0xb];
	s21 =	sadd.s32 s0, s21  }
0xed: {  	[tilespmem:s26], [sflag:$0x1] =	stream.strided.gather [hbm4b:s21+s12], $0x1000, s11, s12, $0x38;
	[tilespmem:$0x1F600] =	vst v63  }
0xee: {  	s21 =	sand.u32 $0xFFFFF80, s28  }
0xef: {  	s29 =	rddreg [dreg:$0xc];
	s21 =	sadd.s32 s0, s21;
	s28 =	spop (v2sf);
	(v2sf) =	vpush v32, $0x0  }
0xf0: {  	[tilespmem:s29], [sflag:$0x1] =	stream.strided.gather [hbm4b:s21+s12], $0x1000, s11, s12, $0x38;
	[tilespmem:$0x1F600] =	vst v63  }
0xf1: {  	s21 =	sand.u32 $0xFFFFF80, s30;
	s30 =	spop (v2sf);
	(v2sf) =	vpush v32, $0x1  }
0xf2: {  	s31 =	rddreg [dreg:$0xd];
	s21 =	sadd.s32 s0, s21  }
0xf3: {  	[tilespmem:s31], [sflag:$0x1] =	stream.strided.gather [hbm4b:s21+s12], $0x1000, s11, s12, $0x38;
	[tilespmem:$0x1F600] =	vst v63  }
0xf4: {  	s21 =	sand.u32 $0xFFFFF80, s23  }
0xf5: {  	s24 =	rddreg [dreg:$0xe];
	s21 =	sadd.s32 s0, s21;
	s22 =	spop (v2sf);
	(v2sf) =	vpush v32, $0x2  }
0xf6: {  	[tilespmem:s24], [sflag:$0x1] =	stream.strided.gather [hbm4b:s21+s12], $0x1000, s11, s12, $0x38;
	[tilespmem:$0x1F600] =	vst v63  }
0xf7: {  	s21 =	sand.u32 $0xFFFFF80, s25  }
0xf8: {  	s26 =	rddreg [dreg:$0xf];
	s21 =	sadd.s32 s0, s21;
	s24 =	spop (v2sf);
	(v2sf) =	vpush v32, $0x3  }
0xf9: {  	[tilespmem:s26], [sflag:$0x1] =	stream.strided.gather [hbm4b:s21+s12], $0x1000, s11, s12, $0x38;
	[tilespmem:$0x1F600] =	vst v63  }
0xfa: {  	s21 =	sand.u32 $0xFFFFF80, s28  }
0xfb: {  	s29 =	rddreg [dreg:$0x10];
	s21 =	sadd.s32 s0, s21  }
0xfc: {  	[tilespmem:s29], [sflag:$0x1] =	stream.strided.gather [hbm4b:s21+s12], $0x1000, s11, s12, $0x38;
	[tilespmem:$0x1F600] =	vst v63  }
0xfd: {  	s21 =	sand.u32 $0xFFFFF80, s30  }
0xfe: {  	s31 =	rddreg [dreg:$0x11];
	s21 =	sadd.s32 s0, s21;
	s26 =	spop (v2sf);
	(v2sf) =	vpush v32, $0x4  }
0xff: {  	[tilespmem:s31], [sflag:$0x1] =	stream.strided.gather [hbm4b:s21+s12], $0x1000, s11, s12, $0x38;
	[tilespmem:$0x1F600] =	vst v63  }
0x100: {  	s21 =	sand.u32 $0xFFFFF80, s22;
	s28 =	spop (v2sf);
	(v2sf) =	vpush v32, $0x5  }
0x101: {  	s23 =	rddreg [dreg:$0x12];
	s21 =	sadd.s32 s0, s21  }
0x102: {  	[tilespmem:s23], [sflag:$0x1] =	stream.strided.gather [hbm4b:s21+s12], $0x1000, s11, s12, $0x38;
	[tilespmem:$0x1F600] =	vst v63  }
0x103: {  	s21 =	sand.u32 $0xFFFFF80, s24  }
0x104: {  	s25 =	rddreg [dreg:$0x13];
	s21 =	sadd.s32 s0, s21;
	s30 =	spop (v2sf);
	(v2sf) =	vpush v32, $0x6  }
0x105: {  	[tilespmem:s25], [sflag:$0x1] =	stream.strided.gather [hbm4b:s21+s12], $0x1000, s11, s12, $0x38;
	[tilespmem:$0x1F600] =	vst v63  }
0x106: {  	s21 =	sand.u32 $0xFFFFF80, s26  }
0x107: {  	s21 =	sadd.s32 s1, s21;
	s23 =	spop (v2sf);
	(v2sf) =	vpush v32, $0x7  }
0x108: {  	[tilespmem:s14], [sflag:$0x2] =	stream.strided.gather [hbm4b:s21+s12], $0x1000, s11, s12, $0x38;
	[tilespmem:$0x1F600] =	vst v63  }
0x109: {  	s21 =	sand.u32 $0xFFFFF80, s28  }
0x10a: {  	s29 =	rddreg [dreg:$0x14];
	s21 =	sadd.s32 s1, s21  }
0x10b: {  	[tilespmem:s29], [sflag:$0x2] =	stream.strided.gather [hbm4b:s21+s12], $0x1000, s11, s12, $0x38;
	[tilespmem:$0x1F600] =	vst v63  }
0x10c: {  	s21 =	sand.u32 $0xFFFFF80, s30  }
0x10d: {  	s31 =	rddreg [dreg:$0x15];
	s21 =	sadd.s32 s1, s21;
	s25 =	spop (v2sf);
	(v2sf) =	vpush v32, $0x8  }
0x10e: {  	[tilespmem:s31], [sflag:$0x2] =	stream.strided.gather [hbm4b:s21+s12], $0x1000, s11, s12, $0x38;
	[tilespmem:$0x1F600] =	vst v63  }
0x10f: {  	s21 =	sand.u32 $0xFFFFF80, s23;
	s28 =	spop (v2sf);
	(v2sf) =	vpush v32, $0x9  }
0x110: {  	s24 =	rddreg [dreg:$0x16];
	s21 =	sadd.s32 s1, s21  }
0x111: {  	[tilespmem:s24], [sflag:$0x2] =	stream.strided.gather [hbm4b:s21+s12], $0x1000, s11, s12, $0x38;
	[tilespmem:$0x1F600] =	vst v63  }
0x112: {  	s21 =	sand.u32 $0xFFFFF80, s25  }
0x113: {  	s26 =	rddreg [dreg:$0x17];
	s21 =	sadd.s32 s1, s21;
	s30 =	spop (v2sf)  }
0x114: {  	(v2sf) =	vpush v32, $0xA;
	[tilespmem:s26], [sflag:$0x2] =	stream.strided.gather [hbm4b:s21+s12], $0x1000, s11, s12, $0x38;
	[tilespmem:$0x1F600] =	vst v63  }
0x115: {  	s21 =	sand.u32 $0xFFFFF80, s28  }
0x116: {  	s29 =	rddreg [dreg:$0x18];
	s23 =	spop (v2sf);
	s21 =	sadd.s32 s1, s21  }
0x117: {  	(v2sf) =	vpush v32, $0xB;
	[tilespmem:s29], [sflag:$0x2] =	stream.strided.gather [hbm4b:s21+s12], $0x1000, s11, s12, $0x38;
	[tilespmem:$0x1F600] =	vst v63  }
0x118: {  	s21 =	sand.u32 $0xFFFFF80, s30  }
0x119: {  	s31 =	rddreg [dreg:$0x19];
	s21 =	sadd.s32 s1, s21  }
0x11a: {  	[tilespmem:s31], [sflag:$0x2] =	stream.strided.gather [hbm4b:s21+s12], $0x1000, s11, s12, $0x38;
	[tilespmem:$0x1F600] =	vst v63  }
0x11b: {  	s21 =	sand.u32 $0xFFFFF80, s23  }
0x11c: {  	s24 =	rddreg [dreg:$0x1a];
	s21 =	sadd.s32 s1, s21;
	s25 =	spop (v2sf);
	(v2sf) =	vpush v32, $0xC  }
0x11d: {  	[tilespmem:s24], [sflag:$0x2] =	stream.strided.gather [hbm4b:s21+s12], $0x1000, s11, s12, $0x38;
	[tilespmem:$0x1F600] =	vst v63  }
0x11e: {  	s28 =	spop (v2sf);
	(v2sf) =	vpush v32, $0xD  }
0x11f: {  	s21 =	sand.u32 $0xFFFFF80, s25  }
0x120: {  	s26 =	rddreg [dreg:$0x1b];
	s21 =	sadd.s32 s1, s21  }
0x121: {  	[tilespmem:s26], [sflag:$0x2] =	stream.strided.gather [hbm4b:s21+s12], $0x1000, s11, s12, $0x38;
	[tilespmem:$0x1F600] =	vst v63  }
0x122: {  	s21 =	sand.u32 $0xFFFFF80, s28  }
0x123: {  	s29 =	rddreg [dreg:$0x1c];
	s30 =	spop (v2sf);
	s21 =	sadd.s32 s1, s21  }
0x124: {  	[tilespmem:s29], [sflag:$0x2] =	stream.strided.gather [hbm4b:s21+s12], $0x1000, s11, s12, $0x38;
	[tilespmem:$0x1F600] =	vst v63  }
0x125: {  	s21 =	sand.u32 $0xFFFFF80, s30  }
0x126: {  	s31 =	rddreg [dreg:$0x1d];
	s23 =	spop (v2sf);
	s21 =	sadd.s32 s1, s21  }
0x127: {  	[tilespmem:s31], [sflag:$0x2] =	stream.strided.gather [hbm4b:s21+s12], $0x1000, s11, s12, $0x38;
	[tilespmem:$0x1F600] =	vst v63  }
0x128: {  	s21 =	sand.u32 $0xFFFFF80, s23  }
0x129: {  	s24 =	rddreg [dreg:$0x1e];
	s21 =	sadd.s32 s1, s21  }
0x12a: {  	[tilespmem:s24], [sflag:$0x2] =	stream.strided.gather [hbm4b:s21+s12], $0x1000, s11, s12, $0x38;
	[tilespmem:$0x1F600] =	vst v63  }
0x12b: {  	s25 =	spop (v2sf)  }
0x12c: {  	s26 =	rddreg [dreg:$0x1f];
	s21 =	sand.u32 $0xFFFFF80, s25  }
0x12d: {  	s29 =	sld [smem:$0x7FD];
	s28 =	spop (v2sf);
	s21 =	sadd.s32 s1, s21  }
0x12e: {  	[tilespmem:s26], [sflag:$0x2] =	stream.strided.gather [hbm4b:s21+s12], $0x1000, s11, s12, $0x38;
	[tilespmem:$0x1F600] =	vst v63  }
0x12f: {  	s21 =	sand.u32 $0xFFFFF80, s28  }
0x130: {  	s21 =	sadd.s32 s1, s21  }
0x131: {  	[tilespmem:s29], [sflag:$0x2] =	stream.strided.gather [hbm4b:s21+s12], $0x1000, s11, s12, $0x38;
	[tilespmem:$0x1F600] =	vst v63  }
0x132: {  	_ =	swait.ge [sflag:s15], $0x1000  }
0x133: {  	[sflag:s15] =	ssyncset.done $0x0  }
0x134: {  	[sflag:s15] =	ssyncadd.s32 $0xFFFFF000  }
0x135: {  	_ =	swait.ge [sflag:s15], $0x1000  }
0x136: {  	[sflag:s15] =	ssyncset.done $0x0  }
0x137: {  	[sflag:s15] =	ssyncadd.s32 $0xFFFFF000  }
0x138: {  	_ =	swait.ge [sflag:s15], $0x1000  }
0x139: {  	[sflag:s15] =	ssyncset.done $0x0  }
0x13a: {  	[sflag:s15] =	ssyncadd.s32 $0xFFFFF000  }
0x13b: {  	_ =	swait.ge [sflag:s15], $0x1000  }
0x13c: {  	[sflag:s15] =	ssyncset.done $0x0  }
0x13d: {  	[sflag:s15] =	ssyncadd.s32 $0xFFFFF000  }
0x13e: {  	_ =	swait.ge [sflag:s15], $0x1000  }
0x13f: {  	[sflag:s15] =	ssyncset.done $0x0  }
0x140: {  	[sflag:s15] =	ssyncadd.s32 $0xFFFFF000  }
0x141: {  	_ =	swait.ge [sflag:s15], $0x1000  }
0x142: {  	[sflag:s15] =	ssyncset.done $0x0  }
0x143: {  	[sflag:s15] =	ssyncadd.s32 $0xFFFFF000  }
0x144: {  	_ =	swait.ge [sflag:s15], $0x1000  }
0x145: {  	[sflag:s15] =	ssyncset.done $0x0  }
0x146: {  	[sflag:s15] =	ssyncadd.s32 $0xFFFFF000  }
0x147: {  	_ =	swait.ge [sflag:s15], $0x1000  }
0x148: {  	[sflag:s15] =	ssyncset.done $0x0  }
0x149: {  	[sflag:s15] =	ssyncadd.s32 $0xFFFFF000  }
0x14a: {  	_ =	swait.ge [sflag:s15], $0x1000  }
0x14b: {  	[sflag:s15] =	ssyncset.done $0x0  }
0x14c: {  	[sflag:s15] =	ssyncadd.s32 $0xFFFFF000  }
0x14d: {  	_ =	swait.ge [sflag:s15], $0x1000  }
0x14e: {  	[sflag:s15] =	ssyncset.done $0x0  }
0x14f: {  	[sflag:s15] =	ssyncadd.s32 $0xFFFFF000  }
0x150: {  	_ =	swait.ge [sflag:s15], $0x1000  }
0x151: {  	[sflag:s15] =	ssyncset.done $0x0  }
0x152: {  	[sflag:s15] =	ssyncadd.s32 $0xFFFFF000  }
0x153: {  	_ =	swait.ge [sflag:s15], $0x1000  }
0x154: {  	[sflag:s15] =	ssyncset.done $0x0  }
0x155: {  	[sflag:s15] =	ssyncadd.s32 $0xFFFFF000  }
0x156: {  	_ =	swait.ge [sflag:s15], $0x1000  }
0x157: {  	[sflag:s15] =	ssyncset.done $0x0  }
0x158: {  	[sflag:s15] =	ssyncadd.s32 $0xFFFFF000  }
0x159: {  	_ =	swait.ge [sflag:s15], $0x1000  }
0x15a: {  	[sflag:s15] =	ssyncset.done $0x0  }
0x15b: {  	[sflag:s15] =	ssyncadd.s32 $0xFFFFF000  }
0x15c: {  	v33 =	vand.u32 $0x7F, v33;
	_ =	swait.ge [sflag:s15], $0x1000  }
0x15d: {  	v34 =	vor.u32 v25, v33;
	[sflag:s15] =	ssyncset.done $0x0  }
0x15e: {  	[sflag:s15] =	ssyncadd.s32 $0xFFFFF000  }
0x15f: {  	_ =	swait.ge [sflag:s15], $0x1000  }
0x160: {  	[sflag:s15] =	ssyncset.done $0x0  }
0x161: {  	[sflag:s15] =	ssyncadd.s32 $0xFFFFF000  }
0x162: {  	v34 =	vld.idx.msk [tilespmem:v34+s12+$0x0], $0xffff  }
0x163: {  	v35 =	vor.u32 v0, v33;
	_ =	sdelay $0x3  }
0x164: {  	[tilespmem:$0x1E400] =	vst v34  }
0x165: {  	v34 =	vld.idx.msk [tilespmem:v35+s12+$0x0], $0xffff  }
0x166: {  	v50 =	vor.u32 v1, v33;
	_ =	sdelay $0x3  }
0x167: {  	[tilespmem:$0x1E480] =	vst v34  }
0x168: {  	v34 =	vld.idx.msk [tilespmem:v50+s12+$0x0], $0xffff  }
0x169: {  	v38 =	vor.u32 v2, v33;
	_ =	sdelay $0x3  }
0x16a: {  	[tilespmem:$0x1E500] =	vst v34  }
0x16b: {  	v34 =	vld.idx.msk [tilespmem:v38+s12+$0x0], $0xffff  }
0x16c: {  	v40 =	vor.u32 v18, v33;
	_ =	sdelay $0x3  }
0x16d: {  	[tilespmem:$0x1E580] =	vst v34  }
0x16e: {  	v34 =	vld.idx.msk [tilespmem:v40+s12+$0x0], $0xffff  }
0x16f: {  	v41 =	vor.u32 v26, v33;
	_ =	sdelay $0x3  }
0x170: {  	[tilespmem:$0x1E600] =	vst v34  }
0x171: {  	v34 =	vld.idx.msk [tilespmem:v41+s12+$0x0], $0xffff  }
0x172: {  	v42 =	vor.u32 v37, v33;
	_ =	sdelay $0x3  }
0x173: {  	[tilespmem:$0x1E680] =	vst v34  }
0x174: {  	v34 =	vld.idx.msk [tilespmem:v42+s12+$0x0], $0xffff  }
0x175: {  	v44 =	vor.u32 v39, v33  }
0x176: {  	v0 =	vld [tilespmem:$0x1FC20];
	_ =	sdelay $0x2  }
0x177: {  	[tilespmem:$0x1E700] =	vst v34  }
0x178: {  	v34 =	vld.idx.msk [tilespmem:v44+s12+$0x0], $0xffff  }
0x179: {  	v45 =	vor.u32 v0, v33  }
0x17a: {  	v0 =	vld [tilespmem:$0x1FC30];
	_ =	sdelay $0x2  }
0x17b: {  	[tilespmem:$0x1E780] =	vst v34  }
0x17c: {  	v34 =	vld.idx.msk [tilespmem:v45+s12+$0x0], $0xffff  }
0x17d: {  	v47 =	vor.u32 v0, v33  }
0x17e: {  	v0 =	vld [tilespmem:$0x1FC40];
	_ =	sdelay $0x2  }
0x17f: {  	[tilespmem:$0x1E800] =	vst v34  }
0x180: {  	v34 =	vld.idx.msk [tilespmem:v47+s12+$0x0], $0xffff  }
0x181: {  	v48 =	vor.u32 v0, v33  }
0x182: {  	v0 =	vld [tilespmem:$0x1FC50];
	_ =	sdelay $0x2  }
0x183: {  	[tilespmem:$0x1E880] =	vst v34  }
0x184: {  	v34 =	vld.idx.msk [tilespmem:v48+s12+$0x0], $0xffff  }
0x185: {  	v49 =	vor.u32 v0, v33  }
0x186: {  	v0 =	vld [tilespmem:$0x1FC60];
	_ =	sdelay $0x2  }
0x187: {  	[tilespmem:$0x1E900] =	vst v34  }
0x188: {  	v34 =	vld.idx.msk [tilespmem:v49+s12+$0x0], $0xffff  }
0x189: {  	v50 =	vor.u32 v0, v33  }
0x18a: {  	v0 =	vld [tilespmem:$0x1FC70];
	_ =	sdelay $0x2  }
0x18b: {  	[tilespmem:$0x1E980] =	vst v34  }
0x18c: {  	v34 =	vld.idx.msk [tilespmem:v50+s12+$0x0], $0xffff  }
0x18d: {  	v37 =	vor.u32 v0, v33  }
0x18e: {  	v0 =	vld [tilespmem:$0x1FC80];
	_ =	sdelay $0x2  }
0x18f: {  	[tilespmem:$0x1EA00] =	vst v34  }
0x190: {  	v34 =	vld.idx.msk [tilespmem:v37+s12+$0x0], $0xffff  }
0x191: {  	v38 =	vor.u32 v0, v33  }
0x192: {  	v0 =	vld [tilespmem:$0x1FC90];
	_ =	sdelay $0x2  }
0x193: {  	[tilespmem:$0x1EA80] =	vst v34  }
0x194: {  	v34 =	vld.idx.msk [tilespmem:v38+s12+$0x0], $0xffff  }
0x195: {  	v39 =	vor.u32 v0, v33  }
0x196: {  	v0 =	vld [tilespmem:$0x1FCA0];
	_ =	sdelay $0x2  }
0x197: {  	[tilespmem:$0x1EB00] =	vst v34  }
0x198: {  	v34 =	vld.idx.msk [tilespmem:v39+s12+$0x0], $0xffff  }
0x199: {  	v40 =	vor.u32 v0, v33  }
0x19a: {  	v0 =	vld [tilespmem:$0x1FCB0];
	_ =	sdelay $0x2  }
0x19b: {  	[tilespmem:$0x1EB80] =	vst v34  }
0x19c: {  	v34 =	vld.idx.msk [tilespmem:v40+s12+$0x0], $0xffff  }
0x19d: {  	v41 =	vor.u32 v0, v33  }
0x19e: {  	v0 =	vld [tilespmem:$0x1FCC0];
	_ =	sdelay $0x2  }
0x19f: {  	[tilespmem:$0x1EC00] =	vst v34  }
0x1a0: {  	v34 =	vld.idx.msk [tilespmem:v41+s12+$0x0], $0xffff  }
0x1a1: {  	v42 =	vor.u32 v0, v33  }
0x1a2: {  	v0 =	vld [tilespmem:$0x1FCD0];
	_ =	sdelay $0x2  }
0x1a3: {  	[tilespmem:$0x1EC80] =	vst v34  }
0x1a4: {  	v34 =	vld.idx.msk [tilespmem:v42+s12+$0x0], $0xffff  }
0x1a5: {  	v44 =	vor.u32 v0, v33  }
0x1a6: {  	v0 =	vld [tilespmem:$0x1FCE0];
	_ =	sdelay $0x2  }
0x1a7: {  	[tilespmem:$0x1ED00] =	vst v34  }
0x1a8: {  	v34 =	vld.idx.msk [tilespmem:v44+s12+$0x0], $0xffff  }
0x1a9: {  	v45 =	vor.u32 v0, v33  }
0x1aa: {  	v0 =	vld [tilespmem:$0x1FCF0];
	_ =	sdelay $0x2  }
0x1ab: {  	[tilespmem:$0x1ED80] =	vst v34  }
0x1ac: {  	v34 =	vld.idx.msk [tilespmem:v45+s12+$0x0], $0xffff  }
0x1ad: {  	v47 =	vor.u32 v0, v33  }
0x1ae: {  	v0 =	vld [tilespmem:$0x1FD00];
	_ =	sdelay $0x2  }
0x1af: {  	[tilespmem:$0x1EE00] =	vst v34  }
0x1b0: {  	v34 =	vld.idx.msk [tilespmem:v47+s12+$0x0], $0xffff  }
0x1b1: {  	v48 =	vor.u32 v0, v33  }
0x1b2: {  	v0 =	vld [tilespmem:$0x1FD10];
	_ =	sdelay $0x2  }
0x1b3: {  	[tilespmem:$0x1EE80] =	vst v34  }
0x1b4: {  	v34 =	vld.idx.msk [tilespmem:v48+s12+$0x0], $0xffff  }
0x1b5: {  	v49 =	vor.u32 v0, v33  }
0x1b6: {  	v0 =	vld [tilespmem:$0x1FD20];
	_ =	sdelay $0x2  }
0x1b7: {  	[tilespmem:$0x1EF00] =	vst v34  }
0x1b8: {  	v34 =	vld.idx.msk [tilespmem:v49+s12+$0x0], $0xffff  }
0x1b9: {  	v50 =	vor.u32 v0, v33  }
0x1ba: {  	v0 =	vld [tilespmem:$0x1FD30];
	_ =	sdelay $0x2  }
0x1bb: {  	[tilespmem:$0x1EF80] =	vst v34  }
0x1bc: {  	v34 =	vld.idx.msk [tilespmem:v50+s12+$0x0], $0xffff  }
0x1bd: {  	v37 =	vor.u32 v0, v33  }
0x1be: {  	v0 =	vld [tilespmem:$0x1FD40];
	_ =	sdelay $0x2  }
0x1bf: {  	[tilespmem:$0x1F000] =	vst v34  }
0x1c0: {  	v34 =	vld.idx.msk [tilespmem:v37+s12+$0x0], $0xffff  }
0x1c1: {  	v38 =	vor.u32 v0, v33  }
0x1c2: {  	v0 =	vld [tilespmem:$0x1FD50];
	_ =	sdelay $0x2  }
0x1c3: {  	[tilespmem:$0x1F080] =	vst v34  }
0x1c4: {  	v34 =	vld.idx.msk [tilespmem:v38+s12+$0x0], $0xffff  }
0x1c5: {  	v39 =	vor.u32 v0, v33  }
0x1c6: {  	v0 =	vld [tilespmem:$0x1FD60];
	_ =	sdelay $0x2  }
0x1c7: {  	[tilespmem:$0x1F100] =	vst v34  }
0x1c8: {  	v34 =	vld.idx.msk [tilespmem:v39+s12+$0x0], $0xffff  }
0x1c9: {  	v40 =	vor.u32 v0, v33  }
0x1ca: {  	v0 =	vld [tilespmem:$0x1FD70];
	_ =	sdelay $0x2  }
0x1cb: {  	[tilespmem:$0x1F180] =	vst v34  }
0x1cc: {  	v34 =	vld.idx.msk [tilespmem:v40+s12+$0x0], $0xffff  }
0x1cd: {  	v41 =	vor.u32 v0, v33  }
0x1ce: {  	v0 =	vld [tilespmem:$0x1FD80];
	_ =	sdelay $0x2  }
0x1cf: {  	[tilespmem:$0x1F200] =	vst v34  }
0x1d0: {  	(v2sf) =	vpush v32, $0xE;
	v34 =	vld.idx.msk [tilespmem:v41+s12+$0x0], $0xffff  }
0x1d1: {  	v42 =	vor.u32 v0, v33  }
0x1d2: {  	(v2sf) =	vpush v32, $0xF;
	v0 =	vld [tilespmem:$0x1FD90];
	_ =	sdelay $0x2  }
0x1d3: {  	[tilespmem:$0x1F280] =	vst v34  }
0x1d4: {  	v34 =	vld.idx.msk [tilespmem:v42+s12+$0x0], $0xffff  }
0x1d5: {  	v33 =	vor.u32 v0, v33;
	_ =	sdelay $0x3  }
0x1d6: {  	[tilespmem:$0x1F300] =	vst v34  }
0x1d7: {  	v33 =	vld.idx.msk [tilespmem:v33+s12+$0x0], $0xffff;
	_ =	sdelay $0x2  }
0x1d8: {  	s30 =	spop (v2sf)  }
0x1d9: {  	s21 =	sand.u32 $0xFFFFF80, s30  }
0x1da: {  	s31 =	spop (v2sf);
	s21 =	sadd.s32 s1, s21;
	[tilespmem:$0x1F380] =	vst v33  }
0x1db: {  	[tilespmem:s12], [sflag:$0x2] =	stream.strided.gather [hbm4b:s21+s12], $0x1000, s11, s12, $0x38;
	[tilespmem:$0x1F600] =	vst v63  }
0x1dc: {  	s21 =	sand.u32 $0xFFFFF80, s31  }
0x1dd: {  	s21 =	sadd.s32 s1, s21  }
0x1de: {  	[tilespmem:s13], [sflag:$0x2] =	stream.strided.gather [hbm4b:s21+s12], $0x1000, s11, s12, $0x38;
	[tilespmem:$0x1F600] =	vst v63  }
0x1df: {  	_ =	swait.ge [sflag:s16], $0x1000  }
0x1e0: {  	[sflag:s16] =	ssyncset.done $0x0  }
0x1e1: {  	[sflag:s16] =	ssyncadd.s32 $0xFFFFF000  }
0x1e2: {  	_ =	swait.ge [sflag:s16], $0x1000  }
0x1e3: {  	[sflag:s16] =	ssyncset.done $0x0  }
0x1e4: {  	[sflag:s16] =	ssyncadd.s32 $0xFFFFF000  }
0x1e5: {  	_ =	swait.ge [sflag:s16], $0x1000  }
0x1e6: {  	[sflag:s16] =	ssyncset.done $0x0  }
0x1e7: {  	[sflag:s16] =	ssyncadd.s32 $0xFFFFF000  }
0x1e8: {  	_ =	swait.ge [sflag:s16], $0x1000  }
0x1e9: {  	[sflag:s16] =	ssyncset.done $0x0  }
0x1ea: {  	[sflag:s16] =	ssyncadd.s32 $0xFFFFF000  }
0x1eb: {  	_ =	swait.ge [sflag:s16], $0x1000  }
0x1ec: {  	[sflag:s16] =	ssyncset.done $0x0  }
0x1ed: {  	[sflag:s16] =	ssyncadd.s32 $0xFFFFF000  }
0x1ee: {  	_ =	swait.ge [sflag:s16], $0x1000  }
0x1ef: {  	[sflag:s16] =	ssyncset.done $0x0  }
0x1f0: {  	[sflag:s16] =	ssyncadd.s32 $0xFFFFF000  }
0x1f1: {  	_ =	swait.ge [sflag:s16], $0x1000  }
0x1f2: {  	[sflag:s16] =	ssyncset.done $0x0  }
0x1f3: {  	[sflag:s16] =	ssyncadd.s32 $0xFFFFF000  }
0x1f4: {  	_ =	swait.ge [sflag:s16], $0x1000  }
0x1f5: {  	[sflag:s16] =	ssyncset.done $0x0  }
0x1f6: {  	[sflag:s16] =	ssyncadd.s32 $0xFFFFF000  }
0x1f7: {  	_ =	swait.ge [sflag:s16], $0x1000  }
0x1f8: {  	[sflag:s16] =	ssyncset.done $0x0  }
0x1f9: {  	[sflag:s16] =	ssyncadd.s32 $0xFFFFF000  }
0x1fa: {  	_ =	swait.ge [sflag:s16], $0x1000  }
0x1fb: {  	[sflag:s16] =	ssyncset.done $0x0  }
0x1fc: {  	[sflag:s16] =	ssyncadd.s32 $0xFFFFF000  }
0x1fd: {  	_ =	swait.ge [sflag:s16], $0x1000  }
0x1fe: {  	[sflag:s16] =	ssyncset.done $0x0  }
0x1ff: {  	[sflag:s16] =	ssyncadd.s32 $0xFFFFF000  }
0x200: {  	_ =	swait.ge [sflag:s16], $0x1000  }
0x201: {  	[sflag:s16] =	ssyncset.done $0x0  }
0x202: {  	[sflag:s16] =	ssyncadd.s32 $0xFFFFF000  }
0x203: {  	_ =	swait.ge [sflag:s16], $0x1000  }
0x204: {  	[sflag:s16] =	ssyncset.done $0x0  }
0x205: {  	[sflag:s16] =	ssyncadd.s32 $0xFFFFF000  }
0x206: {  	_ =	swait.ge [sflag:s16], $0x1000  }
0x207: {  	[sflag:s16] =	ssyncset.done $0x0  }
0x208: {  	[sflag:s16] =	ssyncadd.s32 $0xFFFFF000  }
0x209: {  	v32 =	vand.u32 $0x7F, v32;
	_ =	swait.ge [sflag:s16], $0x1000  }
0x20a: {  	v44 =	vor.u32 v13, v32;
	[sflag:s16] =	ssyncset.done $0x0  }
0x20b: {  	v45 =	vor.u32 v5, v32;
	[sflag:s16] =	ssyncadd.s32 $0xFFFFF000  }
0x20c: {  	_ =	swait.ge [sflag:s16], $0x1000  }
0x20d: {  	v47 =	vor.u32 v36, v32;
	[sflag:s16] =	ssyncset.done $0x0  }
0x20e: {  	v1 =	vor.u32 v3, v32;
	v3 =	vor.u32 v19, v32;
	v48 =	vor.u32 v14, v32;
	v19 =	vld [tilespmem:$0x1FB60];
	[sflag:s16] =	ssyncadd.s32 $0xFFFFF000  }
0x20f: {  	v33 =	vld.idx.msk [tilespmem:v44+s14+$0x0], $0xffff  }
0x210: {  	v49 =	vor.u32 v10, v32;
	v34 =	vld.idx.msk [tilespmem:v45+s12+$0x0], $0xffff  }
0x211: {  	v50 =	vor.u32 v16, v32;
	v38 =	vld [tilespmem:$0x1E400]  }
0x212: {  	v35 =	vld.idx.msk [tilespmem:v47+s14+$0x0], $0xffff  }
0x213: {  	v26 =	vmov v36;
	v40 =	vor.u32 v17, v32;
	v36 =	vld.idx.msk [tilespmem:v48+s12+$0x0], $0xffff  }
0x214: {  	v42 =	vor.u32 v28, v32;
	v41 =	vld [tilespmem:$0x1E480]  }
0x215: {  	v37 =	vld.idx.msk [tilespmem:v49+s14+$0x0], $0xffff  }
0x216: {  	v43 =	vor.u32 v43, v32;
	v39 =	vld.idx.msk [tilespmem:v50+s12+$0x0], $0xffff  }
0x217: {  	v44 =	vld [tilespmem:$0x1E500]  }
0x218: {  	v28 =	vmov v46;
	v46 =	vor.u32 v46, v32;
	v40 =	vld.idx.msk [tilespmem:v40+s14+$0x0], $0xffff  }
0x219: {  	v42 =	vld.idx.msk [tilespmem:v42+s12+$0x0], $0xffff  }
0x21a: {  	v51 =	vor.u32 v51, v32;
	v47 =	vld [tilespmem:$0x1E580]  }
0x21b: {  	v43 =	vld.idx.msk [tilespmem:v43+s14+$0x0], $0xffff  }
0x21c: {  	v25 =	vmov v52;
	v52 =	vor.u32 v4, v32;
	v50 =	vld [tilespmem:$0x1E600]  }
0x21d: {  	v30 =	vmov v29;
	v29 =	vmov v54;
	v54 =	vor.u32 v7, v32;
	v46 =	vld.idx.msk [tilespmem:v46+s14+$0x0], $0xffff  }
0x21e: {  	v45 =	vor.u32 v27, v32;
	v27 =	vmov v15;
	v15 =	vmov v53;
	v53 =	vld [tilespmem:$0x1E680]  }
0x21f: {  	v17 =	vmov v55;
	v55 =	vor.u32 v24, v32;
	v51 =	vld.idx.msk [tilespmem:v51+s12+$0x0], $0xffff  }
0x220: {  	v2 =	vmov v56;
	v13 =	vmov v57;
	v57 =	vor.u32 v12, v32;
	v56 =	vld [tilespmem:$0x1E700]  }
0x221: {  	v52 =	vld.idx.msk [tilespmem:v52+s14+$0x0], $0xffff  }
0x222: {  	v24 =	vmovc v22;
	v22 =	vmovc v21;
	v21 =	vmov v20;
	v20 =	vmov v58;
	v58 =	vor.u32 v11, v32;
	v54 =	vld.idx.msk [tilespmem:v54+s12+$0x0], $0xffff  }
0x223: {  	v18 =	vmov v60;
	v4 =	vmov v59;
	v60 =	vor.u32 v60, v32;
	v59 =	vld [tilespmem:$0x1E780]  }
0x224: {  	v55 =	vld.idx.msk [tilespmem:v55+s14+$0x0], $0xffff  }
0x225: {  	v61 =	vor.u32 v61, v32;
	v57 =	vld.idx.msk [tilespmem:v57+s12+$0x0], $0xffff  }
0x226: {  	v7 =	vmov v62;
	v63 =	vor.u32 v63, v32;
	v62 =	vld [tilespmem:$0x1E800]  }
0x227: {  	v58 =	vld.idx.msk [tilespmem:v58+s14+$0x0], $0xffff  }
0x228: {  	v60 =	vld.idx.msk [tilespmem:v60+s12+$0x0], $0xffff  }
0x229: {  	v0 =	vor.u32 v6, v32;
	v10 =	vld [tilespmem:$0x1E880]  }
0x22a: {  	v61 =	vld.idx.msk [tilespmem:v61+s14+$0x0], $0xffff  }
0x22b: {  	v63 =	vld.idx.msk [tilespmem:v63+s12+$0x0], $0xffff  }
0x22c: {  	v5 =	vor.u32 v31, v32;
	v11 =	vld [tilespmem:$0x1E900]  }
0x22d: {  	v1 =	vld.idx.msk [tilespmem:v1+s14+$0x0], $0xffff  }
0x22e: {  	v0 =	vld.idx.msk [tilespmem:v0+s12+$0x0], $0xffff  }
0x22f: {  	v48 =	vor.u32 v8, v32;
	v8 =	vld [tilespmem:$0x1FB70]  }
0x230: {  	v49 =	vor.u32 v23, v32;
	v3 =	vld.idx.msk [tilespmem:v3+s14+$0x0], $0xffff  }
0x231: {  	v5 =	vld.idx.msk [tilespmem:v5+s12+$0x0], $0xffff  }
0x232: {  	v31 =	vmov v6;
	v6 =	vor.u32 v19, v32;
	v19 =	vmov v12;
	v12 =	vld [tilespmem:$0x1E980]  }
0x233: {  	v45 =	vld.idx.msk [tilespmem:v45+s12+$0x0], $0xffff  }
0x234: {  	v48 =	vld.idx.msk [tilespmem:v48+s12+$0x0], $0xffff  }
0x235: {  	v49 =	vld.idx.msk [tilespmem:v49+s14+$0x0], $0xffff  }
0x236: {  	v33 =	vsel vm0, v33, v34;
	v34 =	vor.u32 v9, v32;
	v9 =	vld [tilespmem:$0x1FB80]  }
0x237: {  	v37 =	vsel vm0, v37, v39;
	v39 =	vld [tilespmem:$0x1EA80]  }
0x238: {  	v8 =	vor.u32 v8, v32;
	v0 =	vsel vm0, v1, v0;
	v1 =	vld [tilespmem:$0x1ED80]  }
0x239: {  	v35 =	vsel vm0, v35, v36;
	v33 =	vmul.f32 v33, v38;
	v38 =	vld [tilespmem:$0x1EA00]  }
0x23a: {  	v35 =	vmul.f32 v35, v41;
	v41 =	vld [tilespmem:$0x1FB90]  }
0x23b: {  	v6 =	vld.idx.msk [tilespmem:v6+s14+$0x0], $0xffff  }
0x23c: {  	v0 =	vmul.f32 v0, v12;
	v12 =	vmov v19;
	v19 =	vld [tilespmem:$0x1FE80]  }
0x23d: {  	v33 =	vadd.f32 $0.0e+00, v33;
	v8 =	vld.idx.msk [tilespmem:v8+s12+$0x0], $0xffff  }
0x23e: {  	v34 =	vld.idx.msk [tilespmem:v34+s14+$0x0], $0xffff  }
0x23f: {  	v33 =	vadd.f32 v35, v33;
	v35 =	vmul.f32 v37, v44;
	v44 =	vld [tilespmem:$0x1FBB0]  }
0x240: {  	v9 =	vor.u32 v9, v32;
	v43 =	vsel vm0, v43, v45;
	v45 =	vld [tilespmem:$0x1EB80]  }
0x241: {  	v37 =	vsel vm0, v40, v42;
	v36 =	vor.u32 v41, v32;
	v41 =	vld [tilespmem:$0x1FBA0]  }
0x242: {  	v33 =	vadd.f32 v35, v33;
	v35 =	vmul.f32 v37, v47;
	v37 =	vld [tilespmem:$0x1EB00]  }
0x243: {  	v47 =	vld [tilespmem:$0x1FBC0]  }
0x244: {  	v33 =	vadd.f32 v35, v33;
	v35 =	vmul.f32 v43, v50;
	v50 =	vld [tilespmem:$0x1FBE0]  }
0x245: {  	v54 =	vsel vm0, v52, v54;
	v9 =	vld.idx.msk [tilespmem:v9+s12+$0x0], $0xffff  }
0x246: {  	v40 =	vor.u32 v44, v32;
	v44 =	vld [tilespmem:$0x1EC00]  }
0x247: {  	v48 =	vsel vm0, v46, v48;
	v36 =	vld.idx.msk [tilespmem:v36+s14+$0x0], $0xffff  }
0x248: {  	v33 =	vadd.f32 v35, v33;
	v35 =	vmul.f32 v54, v59;
	v54 =	vmovc v29;
	v29 =	vmov v30;
	v30 =	vld [tilespmem:$0x1FEE0]  }
0x249: {  	v48 =	vmul.f32 v48, v53;
	v42 =	vor.u32 v47, v32;
	v47 =	vld [tilespmem:$0x1FBD0]  }
0x24a: {  	v41 =	vor.u32 v41, v32;
	v46 =	vor.u32 v50, v32;
	v50 =	vsel vm0, v49, v51;
	v51 =	vld [tilespmem:$0x1FBF0]  }
0x24b: {  	v40 =	vld.idx.msk [tilespmem:v40+s14+$0x0], $0xffff  }
0x24c: {  	v60 =	vsel vm0, v58, v60;
	v33 =	vadd.f32 v48, v33;
	v9 =	vsel vm0, v34, v9;
	v34 =	vld [tilespmem:$0x1EE80]  }
0x24d: {  	v48 =	vor.u32 v2, v32;
	v53 =	vmul.f32 v50, v56;
	v56 =	vmovc v2;
	v2 =	vmul.f32 v60, v10;
	v10 =	vld [tilespmem:$0x1FC00]  }
0x24e: {  	v52 =	vor.u32 v17, v32;
	v50 =	vsel vm0, v55, v57;
	v55 =	vmov v17;
	v17 =	vld [tilespmem:$0x1FE30]  }
0x24f: {  	v58 =	vmovc v20;
	v20 =	vmovc v21;
	v21 =	vmov v22;
	v22 =	vmov v24;
	v60 =	vsel vm0, v61, v63;
	v41 =	vld.idx.msk [tilespmem:v41+s12+$0x0], $0xffff  }
0x250: {  	v59 =	vmovc v4;
	v49 =	vor.u32 v4, v32;
	v4 =	vmul.f32 v60, v11;
	v60 =	vor.u32 v24, v32;
	v24 =	vld [tilespmem:$0x1FED0]  }
0x251: {  	v11 =	vld [tilespmem:$0x1FE60]  }
0x252: {  	v42 =	vld.idx.msk [tilespmem:v42+s12+$0x0], $0xffff  }
0x253: {  	v57 =	vmovc v13;
	v61 =	vor.u32 v20, v32;
	v33 =	vadd.f32 v53, v33;
	v53 =	vor.u32 v13, v32;
	v13 =	vld [tilespmem:$0x1FE40]  }
0x254: {  	v48 =	vld.idx.msk [tilespmem:v48+s12+$0x0], $0xffff  }
0x255: {  	v43 =	vor.u32 v47, v32;
	v46 =	vld.idx.msk [tilespmem:v46+s12+$0x0], $0xffff  }
0x256: {  	v47 =	vor.u32 v51, v32;
	v51 =	vld [tilespmem:$0x1EC80]  }
0x257: {  	v33 =	vadd.f32 v35, v33;
	v35 =	vmul.f32 v50, v62;
	v49 =	vld.idx.msk [tilespmem:v49+s14+$0x0], $0xffff  }
0x258: {  	v6 =	vsel vm0, v6, v8;
	v8 =	vld.idx.msk [tilespmem:v61+s14+$0x0], $0xffff  }
0x259: {  	v50 =	vor.u32 v58, v32;
	v33 =	vadd.f32 v35, v33;
	v35 =	vld [tilespmem:$0x1ED00]  }
0x25a: {  	v63 =	vor.u32 v7, v32;
	v62 =	vmov v7;
	v7 =	vor.u32 v21, v32;
	v43 =	vld.idx.msk [tilespmem:v43+s14+$0x0], $0xffff  }
0x25b: {  	v2 =	vadd.f32 v2, v33;
	v33 =	vld.idx.msk [tilespmem:v52+s12+$0x0], $0xffff  }
0x25c: {  	v61 =	vor.u32 v25, v32;
	v52 =	vmov v25;
	v25 =	vld [tilespmem:$0x1FE50]  }
0x25d: {  	v47 =	vld.idx.msk [tilespmem:v47+s14+$0x0], $0xffff  }
0x25e: {  	v3 =	vsel vm0, v3, v5;
	v5 =	vld.idx.msk [tilespmem:v50+s12+$0x0], $0xffff  }
0x25f: {  	v7 =	vld.idx.msk [tilespmem:v7+s14+$0x0], $0xffff;
	v2 =	vadd.f32 v4, v2  }
0x260: {  	v50 =	vld [tilespmem:$0x1FF20]  }
0x261: {  	v4 =	vld.idx.msk [tilespmem:v53+s14+$0x0], $0xffff;
	v0 =	vadd.f32 v0, v2;
	v2 =	vmul.f32 v3, v38  }
0x262: {  	v3 =	vld [tilespmem:$0x1EE00]  }
0x263: {  	v0 =	vadd.f32 v2, v0;
	v2 =	vmul.f32 v6, v39;
	v6 =	vld.idx.msk [tilespmem:v63+s12+$0x0], $0xffff  }
0x264: {  	v39 =	vld.idx.msk [tilespmem:v61+s14+$0x0], $0xffff  }
0x265: {  	v61 =	vsel vm0, v43, v46;
	v43 =	vld [tilespmem:$0x1EF80]  }
0x266: {  	v40 =	vsel vm0, v40, v42;
	v38 =	vor.u32 v54, v32;
	v42 =	vsel vm0, v47, v48;
	v47 =	vld [tilespmem:$0x1FF10]  }
0x267: {  	v46 =	vld [tilespmem:$0x1F180]  }
0x268: {  	v53 =	vmov v15;
	v15 =	vmov v27;
	v63 =	vor.u32 v27, v32;
	v27 =	vld [tilespmem:$0x1FEB0]  }
0x269: {  	v4 =	vsel vm0, v4, v5;
	v5 =	vld [tilespmem:$0x1F080]  }
0x26a: {  	v0 =	vadd.f32 v2, v0;
	v2 =	vmul.f32 v9, v37;
	v9 =	vsel vm0, v36, v41;
	v36 =	vld.idx.msk [tilespmem:v60+s12+$0x0], $0xffff  }
0x26b: {  	v60 =	vor.u32 v53, v32;
	v38 =	vld.idx.msk [tilespmem:v38+s12+$0x0], $0xffff  }
0x26c: {  	v33 =	vsel vm0, v49, v33;
	v0 =	vadd.f32 v2, v0;
	v2 =	vmul.f32 v9, v45;
	v9 =	vld [tilespmem:$0x1EF00]  }
0x26d: {  	v41 =	vor.u32 v29, v32;
	v49 =	vor.u32 v47, v32;
	v47 =	vor.u32 v10, v32;
	v10 =	vld [tilespmem:$0x1FC10]  }
0x26e: {  	v0 =	vadd.f32 v2, v0;
	v2 =	vmul.f32 v40, v44;
	v40 =	vld.idx.msk [tilespmem:v63+s12+$0x0], $0xffff  }
0x26f: {  	v63 =	vld [tilespmem:$0x1FF00]  }
0x270: {  	v37 =	vld.idx.msk [tilespmem:v60+s14+$0x0], $0xffff  }
0x271: {  	v60 =	vld [tilespmem:$0x1FEF0]  }
0x272: {  	v41 =	vld.idx.msk [tilespmem:v41+s14+$0x0], $0xffff;
	v0 =	vadd.f32 v2, v0;
	v2 =	vmul.f32 v61, v51  }
0x273: {  	v44 =	vor.u32 v30, v32;
	v7 =	vsel vm0, v7, v36;
	v36 =	vld [tilespmem:$0x1FF50]  }
0x274: {  	v0 =	vadd.f32 v2, v0;
	v2 =	vmul.f32 v42, v35;
	v35 =	vld [tilespmem:$0x1F000]  }
0x275: {  	v1 =	vmul.f32 v33, v1;
	v33 =	vld.idx.msk [tilespmem:v49+s14+$0x0], $0xffff  }
0x276: {  	v49 =	vld [tilespmem:$0x1FF60];
	v63 =	vor.u32 v63, v32  }
0x277: {  	v45 =	vsel vm0, v39, v40;
	v39 =	vld [tilespmem:$0x1FFF0]  }
0x278: {  	v61 =	vor.u32 v60, v32;
	v0 =	vadd.f32 v2, v0;
	v2 =	vld.idx.msk [tilespmem:v44+s12+$0x0], $0xffff  }
0x279: {  	v60 =	vld [tilespmem:$0x1FF40]  }
0x27a: {  	v48 =	vsel vm0, v37, v38;
	v37 =	vld [tilespmem:$0x1FFE0];
	v0 =	vadd.f32 v1, v0;
	v1 =	vmul.f32 v4, v3  }
0x27b: {  	v51 =	vor.u32 v50, v32;
	v4 =	vsel vm0, v8, v6;
	v6 =	vld.idx.msk [tilespmem:v63+s12+$0x0], $0xffff  }
0x27c: {  	v0 =	vadd.f32 v1, v0;
	v1 =	vmul.f32 v4, v34;
	v4 =	vld [tilespmem:$0x1F100]  }
0x27d: {  	v3 =	vld.idx.msk [tilespmem:v61+s14+$0x0], $0xffff  }
0x27e: {  	v61 =	vld [tilespmem:$0x1FF30]  }
0x27f: {  	v63 =	vor.u32 v60, v32;
	v60 =	vor.u32 v10, v32;
	v10 =	vld [tilespmem:$0x1FE90]  }
0x280: {  	v0 =	vadd.f32 v1, v0;
	v1 =	vmul.f32 v7, v9;
	v7 =	vld.idx.msk [tilespmem:v51+s12+$0x0], $0xffff  }
0x281: {  	v51 =	vld [tilespmem:$0x1F200]  }
0x282: {  	v9 =	vor.u32 v36, v32;
	v36 =	vmov v26;
	v26 =	vld [tilespmem:$0x1FFD0]  }
0x283: {  	v0 =	vadd.f32 v1, v0;
	v1 =	vmul.f32 v45, v43;
	v43 =	vld [tilespmem:$0x1FE00]  }
0x284: {  	v34 =	vld.idx.msk [tilespmem:v63+s12+$0x0], $0xffff  }
0x285: {  	v50 =	vor.u32 v49, v32;
	v8 =	vor.u32 v61, v32;
	v61 =	vld [tilespmem:$0x1FF80]  }
0x286: {  	v0 =	vadd.f32 v1, v0;
	v1 =	vmul.f32 v48, v35;
	v63 =	vld [tilespmem:$0x1FF70]  }
0x287: {  	v2 =	vsel vm0, v41, v2;
	v3 =	vsel vm0, v3, v6;
	v6 =	vld [tilespmem:$0x1F280]  }
0x288: {  	v9 =	vld.idx.msk [tilespmem:v9+s14+$0x0], $0xffff;
	v0 =	vadd.f32 v1, v0;
	v1 =	vmul.f32 v2, v5  }
0x289: {  	v2 =	vld.idx.msk [tilespmem:v47+s12+$0x0], $0xffff  }
0x28a: {  	v0 =	vadd.f32 v1, v0;
	v1 =	vmul.f32 v3, v4;
	v3 =	vld.idx.msk [tilespmem:v50+s14+$0x0], $0xffff  }
0x28b: {  	v4 =	vsel vm0, v33, v7;
	v7 =	vld.idx.msk [tilespmem:v60+s12+$0x0], $0xffff  }
0x28c: {  	v60 =	vmov v18;
	v18 =	vld [tilespmem:$0x1FFC0]  }
0x28d: {  	v8 =	vld.idx.msk [tilespmem:v8+s14+$0x0], $0xffff  }
0x28e: {  	v5 =	vor.u32 v63, v32;
	v32 =	vor.u32 v61, v32;
	v61 =	vld [tilespmem:$0x1FDC0]  }
0x28f: {  	v63 =	vld [tilespmem:$0x1FDA0]  }
0x290: {  	v0 =	vadd.f32 v1, v0;
	v1 =	vmul.f32 v4, v46;
	v4 =	vld [tilespmem:$0x1F300]  }
0x291: {  	v46 =	vmov v28;
	v28 =	vld [tilespmem:$0x1FE10]  }
0x292: {  	v2 =	vsel vm0, v9, v2;
	v9 =	vld [tilespmem:$0x1F380]  }
0x293: {  	v8 =	vsel vm0, v8, v34;
	v5 =	vld.idx.msk [tilespmem:v5+s14+$0x0], $0xffff  }
0x294: {  	v0 =	vadd.f32 v1, v0;
	v1 =	vmul.f32 v8, v51;
	v8 =	vld.idx.msk [tilespmem:v32+s12+$0x0], $0xffff  }
0x295: {  	v51 =	vld [tilespmem:$0x1FDE0]  }
0x296: {  	v0 =	vadd.f32 v1, v0;
	v1 =	vmul.f32 v2, v6;
	v2 =	vsel vm0, v3, v7;
	v7 =	vld [tilespmem:$0x1FDD0]  }
0x297: {  	v3 =	vld [tilespmem:$0x1FDB0]  }
0x298: {  	v6 =	vmov v31;
	v31 =	vld [tilespmem:$0x1FEA0]  }
0x299: {  	v0 =	vadd.f32 v1, v0;
	v1 =	vmul.f32 v2, v4;
	v4 =	vld [tilespmem:$0x1FDF0]  }
0x29a: {  	p0 =	sne.s32 s19, $0x7C0;
	v2 =	vsel vm0, v5, v8;
	v8 =	vld [tilespmem:$0x1FE70]  }
.Ltmp0:
0x29b: {  	v5 =	vld [tilespmem:$0x1FE20];
	v0 =	vadd.f32 v1, v0;
	v1 =	vmul.f32 v2, v9;
	(pc) =	sbr.rel @p0 .LBB2_2-.Ltmp0, $4  }
0x29c: {  	v9 =	vld [tilespmem:$0x1FEC0]  }
0x29d: {  	v2 =	vld [tilespmem:$0x1FFB0];
	v0 =	vadd.f32 v1, v0  }
0x29e: {  	v1 =	vld [tilespmem:$0x1FFA0]  }
0x29f: {  	s19 =	sadd.s32 $0x40, s19;
	[tilespmem:s20+$0x1F400] =	vst v0;
	v0 =	vld [tilespmem:$0x1FF90]  }
0x2a0: {  	s18 =	sadd.s32 $0x1, s18  }
0x2a1: {  	p0 =	sne.s32 s18, s8  }
.Ltmp1:
0x2a2: {  	_ = 	snop;
	(pc) =	sbr.rel @p0 .LBB2_1-.Ltmp1, $4  }
0x2a3: {  	[hbm4b:s7+s3] =	stream.linear.scatter [tilespmem:s17], [sflag:$0x3], $0x200, $0x38;
	[tilespmem:$0x1F600] =	vst v63  }
0x2a4: {  	_ =	swait.ge [sflag:s9], $0x200  }
0x2a5: {  	[sflag:s9] =	ssyncset.done $0x0  }
0x2a6: {  	[sflag:s9] =	ssyncadd.s32 $0xFFFFFE00  }
0x2a7: {  	_ =	sfence.sel $0x180000  }
0x2a8: {  	[bflag:$0x0] =	sbarrier.arrive $0xFFFF  }
0x2a9: {  	p0 =	sne.s32 s4, $0x0;
	_ =	strace $0x90000047  }
0x2aa: {  	s0 =	sadd.s32 @!p0 $0x100000, s2;
	[bflag:$0x2] =	sbarrier.arrive $0xFFFF  }
0x2ab: {  	[sflag:s0] =	ssyncadd.tile.s32 @!p0 $0x1;
	_ =	shalt  }
.Lfunc_end2:
_tile_overlayer_lowered:
.L_overlay_start_2:
0x2ac: {  	(tag) =	ssettag $0x2  }
0x2ad: {  	s0 =	rddreg [dreg:$0x0];
	s2 =	stileid.u32  }
0x2ae: {  	s1 =	rddreg [dreg:$0x1];
	p0 =	sne.s32 s2, $0x0  }
0x2af: {  	s3 =	rddreg [dreg:$0x2];
	[bflag:$0x3] =	sbarrier.arrive $0xFFFF;
	s2 =	simm.s32 @!p0 $0x1C03  }
0x2b0: {  	[timem:s3], [sflag:s2] =	dma.local @!p0 [hbm:s0], s1  }
0x2b1: {  	s0 =	simm.s32 @!p0 $0x3  }
0x2b2: {  	_ =	swait.ge @!p0 [sflag:s0], s1  }
0x2b3: {  	s1 =	ssub.s32 @!p0 $0x0, s1;
	[sflag:s0] =	ssyncset.done @!p0 $0x0  }
0x2b4: {  	[sflag:s0] =	ssyncadd.s32 @!p0 s1  }
0x2b5: {  	[bflag:$0x3] =	sbarrier.arrive $0xFFFF  }
0x2b6: {  	_ =	shalt  }

</sc_bundles>
